<compile_context>
chip_gen: v7x
topology: tpu7x:2x2x1
jax: 0.10.2.dev20260603
libtpu: 0.0.44.dev20260713+nightly
codegen_flags: <defaults>
</compile_context>

<pallas_src>
import functools

import jax
import jax.numpy as jnp
from jax import lax
from jax.experimental import pallas as pl
from jax.experimental.pallas import tpu as pltpu
from jax.experimental.pallas import tpu_sc as plsc

_NC, _NS, _L = 2, 16, 16
_NW = _NC * _NS
_B, _SEQ, _D = 1024, 200, 64
_N = _B * _SEQ
_PER_W = _N // _NW
_C = 128
_CHUNKS = _PER_W // _C


def _tables_body(pos90_ref, note_ref, posw_ref, posb_ref, sdur_ref, ttab_ref,
                 velw_ref, velb_ref, t1_ref, t2_ref):
    pos90 = pos90_ref[...]
    d2 = lax.dot_general(pos90, posw_ref[...],
                         (((1,), (1,)), ((), ())),
                         preferred_element_type=jnp.float32)
    d2 = d2 + posb_ref[...]
    row = lax.broadcasted_iota(jnp.int32, (90, 1), 0)
    d2 = jnp.where(row == 0, sdur_ref[...], d2)
    t1_ref[...] = pos90[:, None, :] + note_ref[...][None, :, :]
    vel = row.astype(jnp.float32) / 10.0
    velrows = vel * velw_ref[...] + velb_ref[...]
    t2_ref[...] = (ttab_ref[...][:, None, None, :]
                   + d2[None, :, None, :]
                   + velrows[None, None, :, :])


def _build_tables(pos90, note_table, pos_w, pos_b, special_dur, type_table,
                  vel_wT, vel_b):
    return pl.pallas_call(
        _tables_body,
        out_shape=[
            jax.ShapeDtypeStruct((90, 90, _D), jnp.float32),
            jax.ShapeDtypeStruct((2, 90, 90, _D), jnp.float32),
        ],
    )(pos90, note_table, pos_w, pos_b.reshape(1, _D), special_dur,
      type_table, vel_wT, vel_b.reshape(1, _D))


_IDX_BLK = 8192
_IDX_ROWS = _N // _IDX_BLK


def _idx_body(me_ref, et_ref, i1_ref, i2_ref):
    x = me_ref[...]
    t = et_ref[0]
    i1_ref[...] = x[0] * 90 + x[1]
    i2_ref[...] = (t * 90 + x[2]) * 90 + x[3]


def _build_idx(meT, et3):
    return pl.pallas_call(
        _idx_body,
        out_shape=[
            jax.ShapeDtypeStruct((_IDX_ROWS, _IDX_BLK), jnp.int32),
            jax.ShapeDtypeStruct((_IDX_ROWS, _IDX_BLK), jnp.int32),
        ],
    )(meT, et3)


def _sc_body(i1_hbm, i2_hbm, t1_hbm, t2_hbm, out_hbm,
             i1_v, i2_v, b1_a, b1_b, b2_a, b2_b, o_a, o_b,
             gsem_a, gsem_b, osem_a, osem_b):
    wid = lax.axis_index("s") * _NC + lax.axis_index("c")
    base0 = wid * _PER_W
    pltpu.sync_copy(i1_hbm.at[pl.ds(base0, _PER_W)], i1_v)
    pltpu.sync_copy(i2_hbm.at[pl.ds(base0, _PER_W)], i2_v)

    sides = (
        (b1_a, b2_a, o_a, gsem_a, osem_a),
        (b1_b, b2_b, o_b, gsem_b, osem_b),
    )

    def fire_gathers(side, ci):
        b1_v, b2_v, _, gsem, _ = sides[side]
        pltpu.async_copy(t1_hbm.at[i1_v.at[pl.ds(ci * _C, _C)]], b1_v, gsem)
        pltpu.async_copy(t2_hbm.at[i2_v.at[pl.ds(ci * _C, _C)]], b2_v, gsem)

    def process(side, oi):
        b1_v, b2_v, o_v, gsem, osem = sides[side]
        ci = 2 * oi + side
        head = i1_v.at[pl.ds(0, _C)]
        pltpu.make_async_copy(t1_hbm.at[head], b1_v, gsem).wait()
        pltpu.make_async_copy(t2_hbm.at[head], b2_v, gsem).wait()
        @pl.when(ci >= 2)
        def _():
            pltpu.make_async_copy(o_v, out_hbm.at[pl.ds(base0, _C)],
                                  osem).wait()

        def tok(ti, carry):
            t0 = ti * 8
            for u in range(8):
                for k in range(4):
                    sl = pl.ds(_L * k, _L)
                    o_v[t0 + u, sl] = b1_v[t0 + u, sl] + b2_v[t0 + u, sl]
            return carry

        lax.fori_loop(0, _C // 8, tok, 0)
        pltpu.async_copy(o_v, out_hbm.at[pl.ds(base0 + ci * _C, _C)], osem)

        @pl.when(ci + 2 < _CHUNKS)
        def _():
            fire_gathers(side, ci + 2)

    fire_gathers(0, 0)
    fire_gathers(1, 1)

    def outer(oi, carry):
        process(0, oi)
        process(1, oi)
        return carry

    lax.fori_loop(0, _CHUNKS // 2, outer, 0)
    for _, _, o_v, _, osem in sides:
        pltpu.make_async_copy(o_v, out_hbm.at[pl.ds(base0, _C)], osem).wait()


@functools.cache
def _sc_main():
    return pl.kernel(
        _sc_body,
        out_type=jax.ShapeDtypeStruct((_N, _D), jnp.float32),
        mesh=plsc.VectorSubcoreMesh(core_axis_name="c", subcore_axis_name="s",
                                    num_cores=_NC, num_subcores=_NS),
        compiler_params=pltpu.CompilerParams(use_tc_tiling_on_sc=False),
        scratch_types=[
            pltpu.VMEM((_PER_W,), jnp.int32),
            pltpu.VMEM((_PER_W,), jnp.int32),
            pltpu.VMEM((_C, _D), jnp.float32),
            pltpu.VMEM((_C, _D), jnp.float32),
            pltpu.VMEM((_C, _D), jnp.float32),
            pltpu.VMEM((_C, _D), jnp.float32),
            pltpu.VMEM((_C, _D), jnp.float32),
            pltpu.VMEM((_C, _D), jnp.float32),
            pltpu.SemaphoreType.DMA,
            pltpu.SemaphoreType.DMA,
            pltpu.SemaphoreType.DMA,
            pltpu.SemaphoreType.DMA,
        ],
    )


_LN_BLK = 4096
_NPAIR = _N // 2


def _ln_body(x_ref, m_ref, p_ref, g_ref, b_ref, o_ref):
    x = x_ref[...]
    mm = m_ref[...]
    pp = p_ref[...]
    dot = functools.partial(lax.dot_general,
                            dimension_numbers=(((1,), (0,)), ((), ())),
                            preferred_element_type=jnp.float32)
    m2 = dot(x, mm)
    q2 = dot(x * x, mm)
    bm = dot(m2, pp)
    bq = dot(q2, pp)
    var = bq - bm * bm
    o_ref[...] = (x - bm) * lax.rsqrt(var + 1e-5) * g_ref[...] + b_ref[...]


def _layernorm(x2, ln_g, ln_b):
    half = jnp.concatenate([jnp.ones((_D,), jnp.float32) / _D,
                            jnp.zeros((_D,), jnp.float32)])
    mm = jnp.zeros((2 * _D, 8), jnp.float32)
    mm = mm.at[:, 0].set(half).at[:, 1].set(half[::-1])
    pp = jnp.zeros((8, 2 * _D), jnp.float32)
    pp = pp.at[0].set(half * _D).at[1].set(half[::-1] * _D)
    g2 = jnp.tile(ln_g, 2).reshape(1, 2 * _D)
    b2 = jnp.tile(ln_b, 2).reshape(1, 2 * _D)
    grid = (_NPAIR // _LN_BLK,)
    return pl.pallas_call(
        _ln_body,
        grid=grid,
        in_specs=[
            pl.BlockSpec((_LN_BLK, 2 * _D), lambda g: (g, 0)),
            pl.BlockSpec((2 * _D, 8), lambda g: (0, 0)),
            pl.BlockSpec((8, 2 * _D), lambda g: (0, 0)),
            pl.BlockSpec((1, 2 * _D), lambda g: (0, 0)),
            pl.BlockSpec((1, 2 * _D), lambda g: (0, 0)),
        ],
        out_specs=pl.BlockSpec((_LN_BLK, 2 * _D), lambda g: (g, 0)),
        out_shape=jax.ShapeDtypeStruct((_NPAIR, 2 * _D), jnp.float32),
    )(x2, mm, pp, g2, b2)


def kernel(midi_events, event_types, note_table, pos_enc, special_dur, pos_w,
           pos_b, vel_w, vel_b, type_table, ln_g, ln_b):
    pos90 = pos_enc[:90]
    t1_3d, t2_4d = _build_tables(pos90, note_table, pos_w, pos_b, special_dur,
                                 type_table, vel_w.reshape(1, _D), vel_b)
    t1 = t1_3d.reshape(90 * 90, _D)
    t2 = t2_4d.reshape(2 * 90 * 90, _D)
    meT = midi_events.reshape(_N, 4).T.reshape(4, _IDX_ROWS, _IDX_BLK)
    et3 = event_types.reshape(1, _IDX_ROWS, _IDX_BLK)
    i1_2, i2_2 = _build_idx(meT, et3)
    i1 = i1_2.reshape(_N)
    i2 = i2_2.reshape(_N)
    comb = _sc_main()(i1, i2, t1, t2)
    comb2 = comb.reshape(_NPAIR, 2 * _D)
    out2 = _layernorm(comb2, ln_g, ln_b)
    return out2.reshape(_B, _SEQ, _D)

# --- scband reference (transcript-rebuilt; emitter-appended) ---
"""Pipeline reference for scband-output-sequence-generator-23278722744659 (READ-ONLY COPY).

The authoritative reference and input builder live on the scoring server;
editing this copy changes nothing except your own understanding.
"""

import jax, jax.numpy as jnp
import numpy as np

B, L, D = 1024, 200, 64
MAX_SEQ = 4096
VOCAB = 90


def setup_inputs(seed: int = 0) -> dict:
    key = jax.random.key(seed)
    ks = jax.random.split(key, 12)
    midi_events = jax.random.randint(ks[0], (B, L, 4), 0, VOCAB, dtype=jnp.int32)
    event_types = jax.random.randint(ks[1], (B, L), 0, 2, dtype=jnp.int32)
    note_table = jax.random.normal(ks[2], (VOCAB, D), dtype=jnp.float32) * 0.02
    pos_enc = jax.random.normal(ks[3], (MAX_SEQ, D), dtype=jnp.float32) * 0.02
    special_dur = jax.random.normal(ks[4], (1, D), dtype=jnp.float32) * 0.02
    pos_w = jax.random.normal(ks[5], (D, D), dtype=jnp.float32) * (1.0 / np.sqrt(D))
    pos_b = jnp.zeros((D,), dtype=jnp.float32)
    vel_w = jax.random.normal(ks[6], (D, 1), dtype=jnp.float32)
    vel_b = jnp.zeros((D,), dtype=jnp.float32)
    type_table = jax.random.normal(ks[7], (2, D), dtype=jnp.float32) * 0.02
    ln_g = jnp.ones((D,), dtype=jnp.float32)
    ln_b = jnp.zeros((D,), dtype=jnp.float32)
    return {
        "midi_events": midi_events,
        "event_types": event_types,
        "note_table": note_table,
        "pos_enc": pos_enc,
        "special_dur": special_dur,
        "pos_w": pos_w,
        "pos_b": pos_b,
        "vel_w": vel_w,
        "vel_b": vel_b,
        "type_table": type_table,
        "ln_g": ln_g,
        "ln_b": ln_b,
    }


def reference(midi_events, event_types, note_table, pos_enc, special_dur, pos_w, pos_b, vel_w, vel_b, type_table, ln_g, ln_b):
    attack = midi_events[..., 0]
    note = midi_events[..., 1]
    dur = midi_events[..., 2]
    vel = midi_events[..., 3]

    # NoteEmbedding: table gather
    note_emb = jnp.take(note_table, note, axis=0)
    # attack time positional embedding: table gather
    attack_emb = jnp.take(pos_enc, attack, axis=0)
    # DurationEmbedding: cond(dur < num_special) -> special table else linear(pos_enc[dur])
    dur_normal = jnp.take(pos_enc, dur, axis=0) @ pos_w.T + pos_b
    dur_special = jnp.take(special_dur, jnp.clip(dur, 0, 0), axis=0)
    dur_emb = jnp.where((dur < 1)[..., None], dur_special, dur_normal)
    # VelocityEmbedding: scaled scalar through Linear(1 -> D)
    scaled_vel = (vel.astype(jnp.float32) / 10.0)[..., None]
    vel_emb = scaled_vel @ vel_w.T + vel_b
    # event type embedding: table gather
    type_emb = jnp.take(type_table, event_types, axis=0)

    combined = note_emb + attack_emb + dur_emb + vel_emb + type_emb
    mean = jnp.mean(combined, axis=-1, keepdims=True)
    var = jnp.var(combined, axis=-1, keepdims=True)
    normed = (combined - mean) / jnp.sqrt(var + 1e-5)
    out = normed * ln_g + ln_b
    # dropout with inference=True is identity
    return out

if __name__ == "__main__":
    import jax
    _d = setup_inputs()
    print(jax.jit(kernel)(*tuple(_d.values())))

</pallas_src>

<mosaic_0001>
#map = affine_map<(d0, d1) -> (0)>
#map1 = affine_map<(d0, d1) -> (0, 0)>
module attributes {stable_mosaic.version = 14 : i64} {
  func.func @_sc_body(%arg0: i32, %arg1: i32, %arg2: memref<204800xi32, #tpu.memory_space<hbm>>, %arg3: memref<204800xi32, #tpu.memory_space<hbm>>, %arg4: memref<8100x64xf32, #tpu.memory_space<hbm>>, %arg5: memref<16200x64xf32, #tpu.memory_space<hbm>>, %arg6: memref<204800x64xf32, #tpu.memory_space<hbm>>, %arg7: memref<6400xi32, #tpu.memory_space<vmem>>, %arg8: memref<6400xi32, #tpu.memory_space<vmem>>, %arg9: memref<128x64xf32, #tpu.memory_space<vmem>>, %arg10: memref<128x64xf32, #tpu.memory_space<vmem>>, %arg11: memref<128x64xf32, #tpu.memory_space<vmem>>, %arg12: memref<128x64xf32, #tpu.memory_space<vmem>>, %arg13: memref<128x64xf32, #tpu.memory_space<vmem>>, %arg14: memref<128x64xf32, #tpu.memory_space<vmem>>, %arg15: memref<!tpu.dma_semaphore, #tpu.memory_space<semaphore_mem>>, %arg16: memref<!tpu.dma_semaphore, #tpu.memory_space<semaphore_mem>>, %arg17: memref<!tpu.dma_semaphore, #tpu.memory_space<semaphore_mem>>, %arg18: memref<!tpu.dma_semaphore, #tpu.memory_space<semaphore_mem>>) attributes {dimension_semantics = [#tpu.dimension_semantics<core_parallel>, #tpu.dimension_semantics<subcore_parallel>], iteration_bounds = array<i64: 2, 16>, scalar_prefetch = 0 : i64, scratch_operands = 12 : i64, tpu.core_type = #tpu.core_type<sc_vector_subcore>, window_params = [{transform_indices = #map}, {transform_indices = #map}, {transform_indices = #map1}, {transform_indices = #map1}, {transform_indices = #map1}]} {
    %mul3A = arith.constant 2 : i32
    %mul3A_0 = arith.muli %arg1, %mul3A : i32
    %add3A = arith.addi %mul3A_0, %arg0 : i32
    %mul3A_1 = arith.constant 6400 : i32
    %mul3A_2 = arith.muli %add3A, %mul3A_1 : i32
    "tpu.region"() ({
      %run_scoped3A = tpu.sem_alloc : memref<!tpu.dma_semaphore, #tpu.memory_space<semaphore_mem>>
      %dma_start3A_34 = tpu.memref_slice %arg2[%mul3A_2] : memref<204800xi32, #tpu.memory_space<hbm>> -> memref<6400xi32, #tpu.memory_space<hbm>>
      %dma_start3A_35 = tpu.memref_slice %arg2[%mul3A_2] : memref<204800xi32, #tpu.memory_space<hbm>> -> memref<6400xi32, #tpu.memory_space<hbm>>
      tpu.enqueue_dma source(%dma_start3A_35 : memref<6400xi32, #tpu.memory_space<hbm>>) target(%arg7 : memref<6400xi32, #tpu.memory_space<vmem>>) target_semaphore(%run_scoped3A : memref<!tpu.dma_semaphore, #tpu.memory_space<semaphore_mem>>)
      %dma_wait3A_36 = tpu.memref_slice %arg2[%mul3A_2] : memref<204800xi32, #tpu.memory_space<hbm>> -> memref<6400xi32, #tpu.memory_space<hbm>>
      %dma_wait3A_37 = tpu.memref_slice %arg2[%mul3A_2] : memref<204800xi32, #tpu.memory_space<hbm>> -> memref<6400xi32, #tpu.memory_space<hbm>>
      tpu.wait_dma2 semaphore(%run_scoped3A : memref<!tpu.dma_semaphore, #tpu.memory_space<semaphore_mem>>) src(%dma_wait3A_37 : memref<6400xi32, #tpu.memory_space<hbm>>) dst(%arg7 : memref<6400xi32, #tpu.memory_space<vmem>>)
      tpu.yield
    }) : () -> ()
    "tpu.region"() ({
      %run_scoped3A = tpu.sem_alloc : memref<!tpu.dma_semaphore, #tpu.memory_space<semaphore_mem>>
      %dma_start3A_34 = tpu.memref_slice %arg3[%mul3A_2] : memref<204800xi32, #tpu.memory_space<hbm>> -> memref<6400xi32, #tpu.memory_space<hbm>>
      %dma_start3A_35 = tpu.memref_slice %arg3[%mul3A_2] : memref<204800xi32, #tpu.memory_space<hbm>> -> memref<6400xi32, #tpu.memory_space<hbm>>
      tpu.enqueue_dma source(%dma_start3A_35 : memref<6400xi32, #tpu.memory_space<hbm>>) target(%arg8 : memref<6400xi32, #tpu.memory_space<vmem>>) target_semaphore(%run_scoped3A : memref<!tpu.dma_semaphore, #tpu.memory_space<semaphore_mem>>)
      %dma_wait3A_36 = tpu.memref_slice %arg3[%mul3A_2] : memref<204800xi32, #tpu.memory_space<hbm>> -> memref<6400xi32, #tpu.memory_space<hbm>>
      %dma_wait3A_37 = tpu.memref_slice %arg3[%mul3A_2] : memref<204800xi32, #tpu.memory_space<hbm>> -> memref<6400xi32, #tpu.memory_space<hbm>>
      tpu.wait_dma2 semaphore(%run_scoped3A : memref<!tpu.dma_semaphore, #tpu.memory_space<semaphore_mem>>) src(%dma_wait3A_37 : memref<6400xi32, #tpu.memory_space<hbm>>) dst(%arg8 : memref<6400xi32, #tpu.memory_space<vmem>>)
      tpu.yield
    }) : () -> ()
    %dma_start3A = arith.constant 0 : i32
    %dma_start3A_3 = tpu.memref_slice %arg7[%dma_start3A] : memref<6400xi32, #tpu.memory_space<vmem>> -> memref<128xi32, #tpu.memory_space<vmem>>
    %dma_start3A_4 = arith.constant 0 : i32
    %dma_start3A_5 = arith.constant 0 : i32
    %dma_start3A_6 = tpu.memref_slice %arg4[%dma_start3A_4, %dma_start3A_5] : memref<8100x64xf32, #tpu.memory_space<hbm>> -> memref<8100x64xf32, #tpu.memory_space<hbm>>
    tpu.enqueue_indirect_dma source(%dma_start3A_6 : memref<8100x64xf32, #tpu.memory_space<hbm>>) target(%arg9 : memref<128x64xf32, #tpu.memory_space<vmem>>) offsets(%dma_start3A_3 : memref<128xi32, #tpu.memory_space<vmem>>) semaphore(%arg15 : memref<!tpu.dma_semaphore, #tpu.memory_space<semaphore_mem>>)
    %dma_start3A_7 = arith.constant 0 : i32
    %dma_start3A_8 = tpu.memref_slice %arg8[%dma_start3A_7] : memref<6400xi32, #tpu.memory_space<vmem>> -> memref<128xi32, #tpu.memory_space<vmem>>
    %dma_start3A_9 = arith.constant 0 : i32
    %dma_start3A_10 = arith.constant 0 : i32
    %dma_start3A_11 = tpu.memref_slice %arg5[%dma_start3A_9, %dma_start3A_10] : memref<16200x64xf32, #tpu.memory_space<hbm>> -> memref<16200x64xf32, #tpu.memory_space<hbm>>
    tpu.enqueue_indirect_dma source(%dma_start3A_11 : memref<16200x64xf32, #tpu.memory_space<hbm>>) target(%arg11 : memref<128x64xf32, #tpu.memory_space<vmem>>) offsets(%dma_start3A_8 : memref<128xi32, #tpu.memory_space<vmem>>) semaphore(%arg15 : memref<!tpu.dma_semaphore, #tpu.memory_space<semaphore_mem>>)
    %dma_start3A_12 = arith.constant 128 : i32
    %dma_start3A_13 = tpu.memref_slice %arg7[%dma_start3A_12] : memref<6400xi32, #tpu.memory_space<vmem>> -> memref<128xi32, #tpu.memory_space<vmem>>
    %dma_start3A_14 = arith.constant 0 : i32
    %dma_start3A_15 = arith.constant 0 : i32
    %dma_start3A_16 = tpu.memref_slice %arg4[%dma_start3A_14, %dma_start3A_15] : memref<8100x64xf32, #tpu.memory_space<hbm>> -> memref<8100x64xf32, #tpu.memory_space<hbm>>
    tpu.enqueue_indirect_dma source(%dma_start3A_16 : memref<8100x64xf32, #tpu.memory_space<hbm>>) target(%arg10 : memref<128x64xf32, #tpu.memory_space<vmem>>) offsets(%dma_start3A_13 : memref<128xi32, #tpu.memory_space<vmem>>) semaphore(%arg16 : memref<!tpu.dma_semaphore, #tpu.memory_space<semaphore_mem>>)
    %dma_start3A_17 = arith.constant 128 : i32
    %dma_start3A_18 = tpu.memref_slice %arg8[%dma_start3A_17] : memref<6400xi32, #tpu.memory_space<vmem>> -> memref<128xi32, #tpu.memory_space<vmem>>
    %dma_start3A_19 = arith.constant 0 : i32
    %dma_start3A_20 = arith.constant 0 : i32
    %dma_start3A_21 = tpu.memref_slice %arg5[%dma_start3A_19, %dma_start3A_20] : memref<16200x64xf32, #tpu.memory_space<hbm>> -> memref<16200x64xf32, #tpu.memory_space<hbm>>
    tpu.enqueue_indirect_dma source(%dma_start3A_21 : memref<16200x64xf32, #tpu.memory_space<hbm>>) target(%arg12 : memref<128x64xf32, #tpu.memory_space<vmem>>) offsets(%dma_start3A_18 : memref<128xi32, #tpu.memory_space<vmem>>) semaphore(%arg16 : memref<!tpu.dma_semaphore, #tpu.memory_space<semaphore_mem>>)
    %scan3A = arith.constant 0 : i32
    %scan3A_22 = arith.constant 0 : i32
    %scan3A_23 = arith.constant 25 : i32
    %scan3A_24 = arith.addi %scan3A_22, %scan3A_23 : i32
    %scan3A_25 = arith.constant 1 : i32
    scf.for %scan3A_34 = %scan3A_22 to %scan3A_24 step %scan3A_25  : i32 {
      %mul3A_35 = arith.constant 2 : i32
      %mul3A_36 = arith.muli %mul3A_35, %scan3A_34 : i32
      %add3A_37 = arith.constant 0 : i32
      %add3A_38 = arith.addi %mul3A_36, %add3A_37 : i32
      %dma_wait3A_39 = arith.constant 0 : i32
      %dma_wait3A_40 = tpu.memref_slice %arg7[%dma_wait3A_39] : memref<6400xi32, #tpu.memory_space<vmem>> -> memref<128xi32, #tpu.memory_space<vmem>>
      %dma_wait3A_41 = arith.constant 0 : i32
      %dma_wait3A_42 = arith.constant 0 : i32
      %dma_wait3A_43 = tpu.memref_slice %arg4[%dma_wait3A_41, %dma_wait3A_42] : memref<8100x64xf32, #tpu.memory_space<hbm>> -> memref<8100x64xf32, #tpu.memory_space<hbm>>
      tpu.wait_indirect_dma semaphore(%arg15 : memref<!tpu.dma_semaphore, #tpu.memory_space<semaphore_mem>>) src(%dma_wait3A_43 : memref<8100x64xf32, #tpu.memory_space<hbm>>) dst(%arg9 : memref<128x64xf32, #tpu.memory_space<vmem>>)
      %dma_wait3A_44 = arith.constant 0 : i32
      %dma_wait3A_45 = tpu.memref_slice %arg7[%dma_wait3A_44] : memref<6400xi32, #tpu.memory_space<vmem>> -> memref<128xi32, #tpu.memory_space<vmem>>
      %dma_wait3A_46 = arith.constant 0 : i32
      %dma_wait3A_47 = arith.constant 0 : i32
      %dma_wait3A_48 = tpu.memref_slice %arg5[%dma_wait3A_46, %dma_wait3A_47] : memref<16200x64xf32, #tpu.memory_space<hbm>> -> memref<16200x64xf32, #tpu.memory_space<hbm>>
      tpu.wait_indirect_dma semaphore(%arg15 : memref<!tpu.dma_semaphore, #tpu.memory_space<semaphore_mem>>) src(%dma_wait3A_48 : memref<16200x64xf32, #tpu.memory_space<hbm>>) dst(%arg11 : memref<128x64xf32, #tpu.memory_space<vmem>>)
      %ge3A = arith.constant 2 : i32
      %ge3A_49 = arith.cmpi sge, %add3A_38, %ge3A : i32
      %convert_element_type3A = arith.extui %ge3A_49 : i1 to i32
      %cond3A = arith.constant 0 : i32
      %cond3A_50 = arith.cmpi ne, %convert_element_type3A, %cond3A : i32
      scf.if %cond3A_50 {
        %dma_wait3A_109 = arith.constant 0 : i32
        %dma_wait3A_110 = tpu.memref_slice %arg6[%mul3A_2, %dma_wait3A_109] : memref<204800x64xf32, #tpu.memory_space<hbm>> -> memref<128x64xf32, #tpu.memory_space<hbm>>
        %dma_wait3A_111 = arith.constant 0 : i32
        %dma_wait3A_112 = tpu.memref_slice %arg6[%mul3A_2, %dma_wait3A_111] : memref<204800x64xf32, #tpu.memory_space<hbm>> -> memref<128x64xf32, #tpu.memory_space<hbm>>
        tpu.wait_dma2 semaphore(%arg17 : memref<!tpu.dma_semaphore, #tpu.memory_space<semaphore_mem>>) src(%arg13 : memref<128x64xf32, #tpu.memory_space<vmem>>) dst(%dma_wait3A_112 : memref<128x64xf32, #tpu.memory_space<hbm>>)
      } else {
      }
      %scan3A_51 = arith.constant 0 : i32
      %scan3A_52 = arith.constant 0 : i32
      %scan3A_53 = arith.constant 16 : i32
      %scan3A_54 = arith.addi %scan3A_52, %scan3A_53 : i32
      %scan3A_55 = arith.constant 1 : i32
      scf.for %scan3A_109 = %scan3A_52 to %scan3A_54 step %scan3A_55  : i32 {
        %mul3A_110 = arith.constant 8 : i32
        %mul3A_111 = arith.muli %scan3A_109, %mul3A_110 : i32
        %add3A_112 = arith.constant 0 : i32
        %add3A_113 = arith.addi %mul3A_111, %add3A_112 : i32
        %get3A = arith.index_cast %add3A_113 : i32 to index
        %get3A_114 = arith.constant 0 : index
        %get3A_115 = tpu.vector_load %arg9[%get3A, %get3A_114] {strides = array<i32>} : memref<128x64xf32, #tpu.memory_space<vmem>>, vector<1x16xf32>,
        %get3A_116 = vector.shape_cast %get3A_115 : vector<1x16xf32> to vector<16xf32>
        %add3A_117 = arith.constant 0 : i32
        %add3A_118 = arith.addi %mul3A_111, %add3A_117 : i32
        %get3A_119 = arith.index_cast %add3A_118 : i32 to index
        %get3A_120 = arith.constant 0 : index
        %get3A_121 = tpu.vector_load %arg11[%get3A_119, %get3A_120] {strides = array<i32>} : memref<128x64xf32, #tpu.memory_space<vmem>>, vector<1x16xf32>,
        %get3A_122 = vector.shape_cast %get3A_121 : vector<1x16xf32> to vector<16xf32>
        %add3A_123 = arith.addf %get3A_116, %get3A_122 : vector<16xf32>
        %add3A_124 = arith.constant 0 : i32
        %add3A_125 = arith.addi %mul3A_111, %add3A_124 : i32
        %swap3A = arith.index_cast %add3A_125 : i32 to index
        %swap3A_126 = arith.constant 0 : index
        %swap3A_127 = tpu.vector_load %arg13[%swap3A, %swap3A_126] {strides = array<i32>} : memref<128x64xf32, #tpu.memory_space<vmem>>, vector<1x16xf32>,
        %swap3A_128 = vector.shape_cast %swap3A_127 : vector<1x16xf32> to vector<16xf32>
        %swap3A_129 = vector.shape_cast %add3A_123 : vector<16xf32> to vector<1x16xf32>
        tpu.vector_store %arg13[%swap3A, %swap3A_126], %swap3A_129 {strides = array<i32>} : memref<128x64xf32, #tpu.memory_space<vmem>>, vector<1x16xf32>,
        %add3A_130 = arith.constant 0 : i32
        %add3A_131 = arith.addi %mul3A_111, %add3A_130 : i32
        %get3A_132 = arith.index_cast %add3A_131 : i32 to index
        %get3A_133 = arith.constant 16 : index
        %get3A_134 = tpu.vector_load %arg9[%get3A_132, %get3A_133] {strides = array<i32>} : memref<128x64xf32, #tpu.memory_space<vmem>>, vector<1x16xf32>,
        %get3A_135 = vector.shape_cast %get3A_134 : vector<1x16xf32> to vector<16xf32>
        %add3A_136 = arith.constant 0 : i32
        %add3A_137 = arith.addi %mul3A_111, %add3A_136 : i32
        %get3A_138 = arith.index_cast %add3A_137 : i32 to index
        %get3A_139 = arith.constant 16 : index
        %get3A_140 = tpu.vector_load %arg11[%get3A_138, %get3A_139] {strides = array<i32>} : memref<128x64xf32, #tpu.memory_space<vmem>>, vector<1x16xf32>,
        %get3A_141 = vector.shape_cast %get3A_140 : vector<1x16xf32> to vector<16xf32>
        %add3A_142 = arith.addf %get3A_135, %get3A_141 : vector<16xf32>
        %add3A_143 = arith.constant 0 : i32
        %add3A_144 = arith.addi %mul3A_111, %add3A_143 : i32
        %swap3A_145 = arith.index_cast %add3A_144 : i32 to index
        %swap3A_146 = arith.constant 16 : index
        %swap3A_147 = tpu.vector_load %arg13[%swap3A_145, %swap3A_146] {strides = array<i32>} : memref<128x64xf32, #tpu.memory_space<vmem>>, vector<1x16xf32>,
        %swap3A_148 = vector.shape_cast %swap3A_147 : vector<1x16xf32> to vector<16xf32>
        %swap3A_149 = vector.shape_cast %add3A_142 : vector<16xf32> to vector<1x16xf32>
        tpu.vector_store %arg13[%swap3A_145, %swap3A_146], %swap3A_149 {strides = array<i32>} : memref<128x64xf32, #tpu.memory_space<vmem>>, vector<1x16xf32>,
        %add3A_150 = arith.constant 0 : i32
        %add3A_151 = arith.addi %mul3A_111, %add3A_150 : i32
        %get3A_152 = arith.index_cast %add3A_151 : i32 to index
        %get3A_153 = arith.constant 32 : index
        %get3A_154 = tpu.vector_load %arg9[%get3A_152, %get3A_153] {strides = array<i32>} : memref<128x64xf32, #tpu.memory_space<vmem>>, vector<1x16xf32>,
        %get3A_155 = vector.shape_cast %get3A_154 : vector<1x16xf32> to vector<16xf32>
        %add3A_156 = arith.constant 0 : i32
        %add3A_157 = arith.addi %mul3A_111, %add3A_156 : i32
        %get3A_158 = arith.index_cast %add3A_157 : i32 to index
        %get3A_159 = arith.constant 32 : index
        %get3A_160 = tpu.vector_load %arg11[%get3A_158, %get3A_159] {strides = array<i32>} : memref<128x64xf32, #tpu.memory_space<vmem>>, vector<1x16xf32>,
        %get3A_161 = vector.shape_cast %get3A_160 : vector<1x16xf32> to vector<16xf32>
        %add3A_162 = arith.addf %get3A_155, %get3A_161 : vector<16xf32>
        %add3A_163 = arith.constant 0 : i32
        %add3A_164 = arith.addi %mul3A_111, %add3A_163 : i32
        %swap3A_165 = arith.index_cast %add3A_164 : i32 to index
        %swap3A_166 = arith.constant 32 : index
        %swap3A_167 = tpu.vector_load %arg13[%swap3A_165, %swap3A_166] {strides = array<i32>} : memref<128x64xf32, #tpu.memory_space<vmem>>, vector<1x16xf32>,
        %swap3A_168 = vector.shape_cast %swap3A_167 : vector<1x16xf32> to vector<16xf32>
        %swap3A_169 = vector.shape_cast %add3A_162 : vector<16xf32> to vector<1x16xf32>
        tpu.vector_store %arg13[%swap3A_165, %swap3A_166], %swap3A_169 {strides = array<i32>} : memref<128x64xf32, #tpu.memory_space<vmem>>, vector<1x16xf32>,
        %add3A_170 = arith.constant 0 : i32
        %add3A_171 = arith.addi %mul3A_111, %add3A_170 : i32
        %get3A_172 = arith.index_cast %add3A_171 : i32 to index
        %get3A_173 = arith.constant 48 : index
        %get3A_174 = tpu.vector_load %arg9[%get3A_172, %get3A_173] {strides = array<i32>} : memref<128x64xf32, #tpu.memory_space<vmem>>, vector<1x16xf32>,
        %get3A_175 = vector.shape_cast %get3A_174 : vector<1x16xf32> to vector<16xf32>
        %add3A_176 = arith.constant 0 : i32
        %add3A_177 = arith.addi %mul3A_111, %add3A_176 : i32
        %get3A_178 = arith.index_cast %add3A_177 : i32 to index
        %get3A_179 = arith.constant 48 : index
        %get3A_180 = tpu.vector_load %arg11[%get3A_178, %get3A_179] {strides = array<i32>} : memref<128x64xf32, #tpu.memory_space<vmem>>, vector<1x16xf32>,
        %get3A_181 = vector.shape_cast %get3A_180 : vector<1x16xf32> to vector<16xf32>
        %add3A_182 = arith.addf %get3A_175, %get3A_181 : vector<16xf32>
        %add3A_183 = arith.constant 0 : i32
        %add3A_184 = arith.addi %mul3A_111, %add3A_183 : i32
        %swap3A_185 = arith.index_cast %add3A_184 : i32 to index
        %swap3A_186 = arith.constant 48 : index
        %swap3A_187 = tpu.vector_load %arg13[%swap3A_185, %swap3A_186] {strides = array<i32>} : memref<128x64xf32, #tpu.memory_space<vmem>>, vector<1x16xf32>,
        %swap3A_188 = vector.shape_cast %swap3A_187 : vector<1x16xf32> to vector<16xf32>
        %swap3A_189 = vector.shape_cast %add3A_182 : vector<16xf32> to vector<1x16xf32>
        tpu.vector_store %arg13[%swap3A_185, %swap3A_186], %swap3A_189 {strides = array<i32>} : memref<128x64xf32, #tpu.memory_space<vmem>>, vector<1x16xf32>,
        %add3A_190 = arith.constant 1 : i32
        %add3A_191 = arith.addi %mul3A_111, %add3A_190 : i32
        %get3A_192 = arith.index_cast %add3A_191 : i32 to index
        %get3A_193 = arith.constant 0 : index
        %get3A_194 = tpu.vector_load %arg9[%get3A_192, %get3A_193] {strides = array<i32>} : memref<128x64xf32, #tpu.memory_space<vmem>>, vector<1x16xf32>,
        %get3A_195 = vector.shape_cast %get3A_194 : vector<1x16xf32> to vector<16xf32>
        %add3A_196 = arith.constant 1 : i32
        %add3A_197 = arith.addi %mul3A_111, %add3A_196 : i32
        %get3A_198 = arith.index_cast %add3A_197 : i32 to index
        %get3A_199 = arith.constant 0 : index
        %get3A_200 = tpu.vector_load %arg11[%get3A_198, %get3A_199] {strides = array<i32>} : memref<128x64xf32, #tpu.memory_space<vmem>>, vector<1x16xf32>,
        %get3A_201 = vector.shape_cast %get3A_200 : vector<1x16xf32> to vector<16xf32>
        %add3A_202 = arith.addf %get3A_195, %get3A_201 : vector<16xf32>
        %add3A_203 = arith.constant 1 : i32
        %add3A_204 = arith.addi %mul3A_111, %add3A_203 : i32
        %swap3A_205 = arith.index_cast %add3A_204 : i32 to index
        %swap3A_206 = arith.constant 0 : index
        %swap3A_207 = tpu.vector_load %arg13[%swap3A_205, %swap3A_206] {strides = array<i32>} : memref<128x64xf32, #tpu.memory_space<vmem>>, vector<1x16xf32>,
        %swap3A_208 = vector.shape_cast %swap3A_207 : vector<1x16xf32> to vector<16xf32>
        %swap3A_209 = vector.shape_cast %add3A_202 : vector<16xf32> to vector<1x16xf32>
        tpu.vector_store %arg13[%swap3A_205, %swap3A_206], %swap3A_209 {strides = array<i32>} : memref<128x64xf32, #tpu.memory_space<vmem>>, vector<1x16xf32>,
        %add3A_210 = arith.constant 1 : i32
        %add3A_211 = arith.addi %mul3A_111, %add3A_210 : i32
        %get3A_212 = arith.index_cast %add3A_211 : i32 to index
        %get3A_213 = arith.constant 16 : index
        %get3A_214 = tpu.vector_load %arg9[%get3A_212, %get3A_213] {strides = array<i32>} : memref<128x64xf32, #tpu.memory_space<vmem>>, vector<1x16xf32>,
        %get3A_215 = vector.shape_cast %get3A_214 : vector<1x16xf32> to vector<16xf32>
        %add3A_216 = arith.constant 1 : i32
        %add3A_217 = arith.addi %mul3A_111, %add3A_216 : i32
        %get3A_218 = arith.index_cast %add3A_217 : i32 to index
        %get3A_219 = arith.constant 16 : index
        %get3A_220 = tpu.vector_load %arg11[%get3A_218, %get3A_219] {strides = array<i32>} : memref<128x64xf32, #tpu.memory_space<vmem>>, vector<1x16xf32>,
        %get3A_221 = vector.shape_cast %get3A_220 : vector<1x16xf32> to vector<16xf32>
        %add3A_222 = arith.addf %get3A_215, %get3A_221 : vector<16xf32>
        %add3A_223 = arith.constant 1 : i32
        %add3A_224 = arith.addi %mul3A_111, %add3A_223 : i32
        %swap3A_225 = arith.index_cast %add3A_224 : i32 to index
        %swap3A_226 = arith.constant 16 : index
        %swap3A_227 = tpu.vector_load %arg13[%swap3A_225, %swap3A_226] {strides = array<i32>} : memref<128x64xf32, #tpu.memory_space<vmem>>, vector<1x16xf32>,
        %swap3A_228 = vector.shape_cast %swap3A_227 : vector<1x16xf32> to vector<16xf32>
        %swap3A_229 = vector.shape_cast %add3A_222 : vector<16xf32> to vector<1x16xf32>
        tpu.vector_store %arg13[%swap3A_225, %swap3A_226], %swap3A_229 {strides = array<i32>} : memref<128x64xf32, #tpu.memory_space<vmem>>, vector<1x16xf32>,
        %add3A_230 = arith.constant 1 : i32
        %add3A_231 = arith.addi %mul3A_111, %add3A_230 : i32
        %get3A_232 = arith.index_cast %add3A_231 : i32 to index
        %get3A_233 = arith.constant 32 : index
        %get3A_234 = tpu.vector_load %arg9[%get3A_232, %get3A_233] {strides = array<i32>} : memref<128x64xf32, #tpu.memory_space<vmem>>, vector<1x16xf32>,
        %get3A_235 = vector.shape_cast %get3A_234 : vector<1x16xf32> to vector<16xf32>
        %add3A_236 = arith.constant 1 : i32
        %add3A_237 = arith.addi %mul3A_111, %add3A_236 : i32
        %get3A_238 = arith.index_cast %add3A_237 : i32 to index
        %get3A_239 = arith.constant 32 : index
        %get3A_240 = tpu.vector_load %arg11[%get3A_238, %get3A_239] {strides = array<i32>} : memref<128x64xf32, #tpu.memory_space<vmem>>, vector<1x16xf32>,
        %get3A_241 = vector.shape_cast %get3A_240 : vector<1x16xf32> to vector<16xf32>
        %add3A_242 = arith.addf %get3A_235, %get3A_241 : vector<16xf32>
        %add3A_243 = arith.constant 1 : i32
        %add3A_244 = arith.addi %mul3A_111, %add3A_243 : i32
        %swap3A_245 = arith.index_cast %add3A_244 : i32 to index
        %swap3A_246 = arith.constant 32 : index
        %swap3A_247 = tpu.vector_load %arg13[%swap3A_245, %swap3A_246] {strides = array<i32>} : memref<128x64xf32, #tpu.memory_space<vmem>>, vector<1x16xf32>,
        %swap3A_248 = vector.shape_cast %swap3A_247 : vector<1x16xf32> to vector<16xf32>
        %swap3A_249 = vector.shape_cast %add3A_242 : vector<16xf32> to vector<1x16xf32>
        tpu.vector_store %arg13[%swap3A_245, %swap3A_246], %swap3A_249 {strides = array<i32>} : memref<128x64xf32, #tpu.memory_space<vmem>>, vector<1x16xf32>,
        %add3A_250 = arith.constant 1 : i32
        %add3A_251 = arith.addi %mul3A_111, %add3A_250 : i32
        %get3A_252 = arith.index_cast %add3A_251 : i32 to index
        %get3A_253 = arith.constant 48 : index
        %get3A_254 = tpu.vector_load %arg9[%get3A_252, %get3A_253] {strides = array<i32>} : memref<128x64xf32, #tpu.memory_space<vmem>>, vector<1x16xf32>,
        %get3A_255 = vector.shape_cast %get3A_254 : vector<1x16xf32> to vector<16xf32>
        %add3A_256 = arith.constant 1 : i32
        %add3A_257 = arith.addi %mul3A_111, %add3A_256 : i32
        %get3A_258 = arith.index_cast %add3A_257 : i32 to index
        %get3A_259 = arith.constant 48 : index
        %get3A_260 = tpu.vector_load %arg11[%get3A_258, %get3A_259] {strides = array<i32>} : memref<128x64xf32, #tpu.memory_space<vmem>>, vector<1x16xf32>,
        %get3A_261 = vector.shape_cast %get3A_260 : vector<1x16xf32> to vector<16xf32>
        %add3A_262 = arith.addf %get3A_255, %get3A_261 : vector<16xf32>
        %add3A_263 = arith.constant 1 : i32
        %add3A_264 = arith.addi %mul3A_111, %add3A_263 : i32
        %swap3A_265 = arith.index_cast %add3A_264 : i32 to index
        %swap3A_266 = arith.constant 48 : index
        %swap3A_267 = tpu.vector_load %arg13[%swap3A_265, %swap3A_266] {strides = array<i32>} : memref<128x64xf32, #tpu.memory_space<vmem>>, vector<1x16xf32>,
        %swap3A_268 = vector.shape_cast %swap3A_267 : vector<1x16xf32> to vector<16xf32>
        %swap3A_269 = vector.shape_cast %add3A_262 : vector<16xf32> to vector<1x16xf32>
        tpu.vector_store %arg13[%swap3A_265, %swap3A_266], %swap3A_269 {strides = array<i32>} : memref<128x64xf32, #tpu.memory_space<vmem>>, vector<1x16xf32>,
        %add3A_270 = arith.constant 2 : i32
        %add3A_271 = arith.addi %mul3A_111, %add3A_270 : i32
        %get3A_272 = arith.index_cast %add3A_271 : i32 to index
        %get3A_273 = arith.constant 0 : index
        %get3A_274 = tpu.vector_load %arg9[%get3A_272, %get3A_273] {strides = array<i32>} : memref<128x64xf32, #tpu.memory_space<vmem>>, vector<1x16xf32>,
        %get3A_275 = vector.shape_cast %get3A_274 : vector<1x16xf32> to vector<16xf32>
        %add3A_276 = arith.constant 2 : i32
        %add3A_277 = arith.addi %mul3A_111, %add3A_276 : i32
        %get3A_278 = arith.index_cast %add3A_277 : i32 to index
        %get3A_279 = arith.constant 0 : index
        %get3A_280 = tpu.vector_load %arg11[%get3A_278, %get3A_279] {strides = array<i32>} : memref<128x64xf32, #tpu.memory_space<vmem>>, vector<1x16xf32>,
        %get3A_281 = vector.shape_cast %get3A_280 : vector<1x16xf32> to vector<16xf32>
        %add3A_282 = arith.addf %get3A_275, %get3A_281 : vector<16xf32>
        %add3A_283 = arith.constant 2 : i32
        %add3A_284 = arith.addi %mul3A_111, %add3A_283 : i32
        %swap3A_285 = arith.index_cast %add3A_284 : i32 to index
        %swap3A_286 = arith.constant 0 : index
        %swap3A_287 = tpu.vector_load %arg13[%swap3A_285, %swap3A_286] {strides = array<i32>} : memref<128x64xf32, #tpu.memory_space<vmem>>, vector<1x16xf32>,
        %swap3A_288 = vector.shape_cast %swap3A_287 : vector<1x16xf32> to vector<16xf32>
        %swap3A_289 = vector.shape_cast %add3A_282 : vector<16xf32> to vector<1x16xf32>
        tpu.vector_store %arg13[%swap3A_285, %swap3A_286], %swap3A_289 {strides = array<i32>} : memref<128x64xf32, #tpu.memory_space<vmem>>, vector<1x16xf32>,
        %add3A_290 = arith.constant 2 : i32
        %add3A_291 = arith.addi %mul3A_111, %add3A_290 : i32
        %get3A_292 = arith.index_cast %add3A_291 : i32 to index
        %get3A_293 = arith.constant 16 : index
        %get3A_294 = tpu.vector_load %arg9[%get3A_292, %get3A_293] {strides = array<i32>} : memref<128x64xf32, #tpu.memory_space<vmem>>, vector<1x16xf32>,
        %get3A_295 = vector.shape_cast %get3A_294 : vector<1x16xf32> to vector<16xf32>
        %add3A_296 = arith.constant 2 : i32
        %add3A_297 = arith.addi %mul3A_111, %add3A_296 : i32
        %get3A_298 = arith.index_cast %add3A_297 : i32 to index
        %get3A_299 = arith.constant 16 : index
        %get3A_300 = tpu.vector_load %arg11[%get3A_298, %get3A_299] {strides = array<i32>} : memref<128x64xf32, #tpu.memory_space<vmem>>, vector<1x16xf32>,
        %get3A_301 = vector.shape_cast %get3A_300 : vector<1x16xf32> to vector<16xf32>
        %add3A_302 = arith.addf %get3A_295, %get3A_301 : vector<16xf32>
        %add3A_303 = arith.constant 2 : i32
        %add3A_304 = arith.addi %mul3A_111, %add3A_303 : i32
        %swap3A_305 = arith.index_cast %add3A_304 : i32 to index
        %swap3A_306 = arith.constant 16 : index
        %swap3A_307 = tpu.vector_load %arg13[%swap3A_305, %swap3A_306] {strides = array<i32>} : memref<128x64xf32, #tpu.memory_space<vmem>>, vector<1x16xf32>,
        %swap3A_308 = vector.shape_cast %swap3A_307 : vector<1x16xf32> to vector<16xf32>
        %swap3A_309 = vector.shape_cast %add3A_302 : vector<16xf32> to vector<1x16xf32>
        tpu.vector_store %arg13[%swap3A_305, %swap3A_306], %swap3A_309 {strides = array<i32>} : memref<128x64xf32, #tpu.memory_space<vmem>>, vector<1x16xf32>,
        %add3A_310 = arith.constant 2 : i32
        %add3A_311 = arith.addi %mul3A_111, %add3A_310 : i32
        %get3A_312 = arith.index_cast %add3A_311 : i32 to index
        %get3A_313 = arith.constant 32 : index
        %get3A_314 = tpu.vector_load %arg9[%get3A_312, %get3A_313] {strides = array<i32>} : memref<128x64xf32, #tpu.memory_space<vmem>>, vector<1x16xf32>,
        %get3A_315 = vector.shape_cast %get3A_314 : vector<1x16xf32> to vector<16xf32>
        %add3A_316 = arith.constant 2 : i32
        %add3A_317 = arith.addi %mul3A_111, %add3A_316 : i32
        %get3A_318 = arith.index_cast %add3A_317 : i32 to index
        %get3A_319 = arith.constant 32 : index
        %get3A_320 = tpu.vector_load %arg11[%get3A_318, %get3A_319] {strides = array<i32>} : memref<128x64xf32, #tpu.memory_space<vmem>>, vector<1x16xf32>,
        %get3A_321 = vector.shape_cast %get3A_320 : vector<1x16xf32> to vector<16xf32>
        %add3A_322 = arith.addf %get3A_315, %get3A_321 : vector<16xf32>
        %add3A_323 = arith.constant 2 : i32
        %add3A_324 = arith.addi %mul3A_111, %add3A_323 : i32
        %swap3A_325 = arith.index_cast %add3A_324 : i32 to index
        %swap3A_326 = arith.constant 32 : index
        %swap3A_327 = tpu.vector_load %arg13[%swap3A_325, %swap3A_326] {strides = array<i32>} : memref<128x64xf32, #tpu.memory_space<vmem>>, vector<1x16xf32>,
        %swap3A_328 = vector.shape_cast %swap3A_327 : vector<1x16xf32> to vector<16xf32>
        %swap3A_329 = vector.shape_cast %add3A_322 : vector<16xf32> to vector<1x16xf32>
        tpu.vector_store %arg13[%swap3A_325, %swap3A_326], %swap3A_329 {strides = array<i32>} : memref<128x64xf32, #tpu.memory_space<vmem>>, vector<1x16xf32>,
        %add3A_330 = arith.constant 2 : i32
        %add3A_331 = arith.addi %mul3A_111, %add3A_330 : i32
        %get3A_332 = arith.index_cast %add3A_331 : i32 to index
        %get3A_333 = arith.constant 48 : index
        %get3A_334 = tpu.vector_load %arg9[%get3A_332, %get3A_333] {strides = array<i32>} : memref<128x64xf32, #tpu.memory_space<vmem>>, vector<1x16xf32>,
        %get3A_335 = vector.shape_cast %get3A_334 : vector<1x16xf32> to vector<16xf32>
        %add3A_336 = arith.constant 2 : i32
        %add3A_337 = arith.addi %mul3A_111, %add3A_336 : i32
        %get3A_338 = arith.index_cast %add3A_337 : i32 to index
        %get3A_339 = arith.constant 48 : index
        %get3A_340 = tpu.vector_load %arg11[%get3A_338, %get3A_339] {strides = array<i32>} : memref<128x64xf32, #tpu.memory_space<vmem>>, vector<1x16xf32>,
        %get3A_341 = vector.shape_cast %get3A_340 : vector<1x16xf32> to vector<16xf32>
        %add3A_342 = arith.addf %get3A_335, %get3A_341 : vector<16xf32>
        %add3A_343 = arith.constant 2 : i32
        %add3A_344 = arith.addi %mul3A_111, %add3A_343 : i32
        %swap3A_345 = arith.index_cast %add3A_344 : i32 to index
        %swap3A_346 = arith.constant 48 : index
        %swap3A_347 = tpu.vector_load %arg13[%swap3A_345, %swap3A_346] {strides = array<i32>} : memref<128x64xf32, #tpu.memory_space<vmem>>, vector<1x16xf32>,
        %swap3A_348 = vector.shape_cast %swap3A_347 : vector<1x16xf32> to vector<16xf32>
        %swap3A_349 = vector.shape_cast %add3A_342 : vector<16xf32> to vector<1x16xf32>
        tpu.vector_store %arg13[%swap3A_345, %swap3A_346], %swap3A_349 {strides = array<i32>} : memref<128x64xf32, #tpu.memory_space<vmem>>, vector<1x16xf32>,
        %add3A_350 = arith.constant 3 : i32
        %add3A_351 = arith.addi %mul3A_111, %add3A_350 : i32
        %get3A_352 = arith.index_cast %add3A_351 : i32 to index
        %get3A_353 = arith.constant 0 : index
        %get3A_354 = tpu.vector_load %arg9[%get3A_352, %get3A_353] {strides = array<i32>} : memref<128x64xf32, #tpu.memory_space<vmem>>, vector<1x16xf32>,
        %get3A_355 = vector.shape_cast %get3A_354 : vector<1x16xf32> to vector<16xf32>
        %add3A_356 = arith.constant 3 : i32
        %add3A_357 = arith.addi %mul3A_111, %add3A_356 : i32
        %get3A_358 = arith.index_cast %add3A_357 : i32 to index
        %get3A_359 = arith.constant 0 : index
        %get3A_360 = tpu.vector_load %arg11[%get3A_358, %get3A_359] {strides = array<i32>} : memref<128x64xf32, #tpu.memory_space<vmem>>, vector<1x16xf32>,
        %get3A_361 = vector.shape_cast %get3A_360 : vector<1x16xf32> to vector<16xf32>
        %add3A_362 = arith.addf %get3A_355, %get3A_361 : vector<16xf32>
        %add3A_363 = arith.constant 3 : i32
        %add3A_364 = arith.addi %mul3A_111, %add3A_363 : i32
        %swap3A_365 = arith.index_cast %add3A_364 : i32 to index
        %swap3A_366 = arith.constant 0 : index
        %swap3A_367 = tpu.vector_load %arg13[%swap3A_365, %swap3A_366] {strides = array<i32>} : memref<128x64xf32, #tpu.memory_space<vmem>>, vector<1x16xf32>,
        %swap3A_368 = vector.shape_cast %swap3A_367 : vector<1x16xf32> to vector<16xf32>
        %swap3A_369 = vector.shape_cast %add3A_362 : vector<16xf32> to vector<1x16xf32>
        tpu.vector_store %arg13[%swap3A_365, %swap3A_366], %swap3A_369 {strides = array<i32>} : memref<128x64xf32, #tpu.memory_space<vmem>>, vector<1x16xf32>,
        %add3A_370 = arith.constant 3 : i32
        %add3A_371 = arith.addi %mul3A_111, %add3A_370 : i32
        %get3A_372 = arith.index_cast %add3A_371 : i32 to index
        %get3A_373 = arith.constant 16 : index
        %get3A_374 = tpu.vector_load %arg9[%get3A_372, %get3A_373] {strides = array<i32>} : memref<128x64xf32, #tpu.memory_space<vmem>>, vector<1x16xf32>,
        %get3A_375 = vector.shape_cast %get3A_374 : vector<1x16xf32> to vector<16xf32>
        %add3A_376 = arith.constant 3 : i32
        %add3A_377 = arith.addi %mul3A_111, %add3A_376 : i32
        %get3A_378 = arith.index_cast %add3A_377 : i32 to index
        %get3A_379 = arith.constant 16 : index
        %get3A_380 = tpu.vector_load %arg11[%get3A_378, %get3A_379] {strides = array<i32>} : memref<128x64xf32, #tpu.memory_space<vmem>>, vector<1x16xf32>,
        %get3A_381 = vector.shape_cast %get3A_380 : vector<1x16xf32> to vector<16xf32>
        %add3A_382 = arith.addf %get3A_375, %get3A_381 : vector<16xf32>
        %add3A_383 = arith.constant 3 : i32
        %add3A_384 = arith.addi %mul3A_111, %add3A_383 : i32
        %swap3A_385 = arith.index_cast %add3A_384 : i32 to index
        %swap3A_386 = arith.constant 16 : index
        %swap3A_387 = tpu.vector_load %arg13[%swap3A_385, %swap3A_386] {strides = array<i32>} : memref<128x64xf32, #tpu.memory_space<vmem>>, vector<1x16xf32>,
        %swap3A_388 = vector.shape_cast %swap3A_387 : vector<1x16xf32> to vector<16xf32>
        %swap3A_389 = vector.shape_cast %add3A_382 : vector<16xf32> to vector<1x16xf32>
        tpu.vector_store %arg13[%swap3A_385, %swap3A_386], %swap3A_389 {strides = array<i32>} : memref<128x64xf32, #tpu.memory_space<vmem>>, vector<1x16xf32>,
        %add3A_390 = arith.constant 3 : i32
        %add3A_391 = arith.addi %mul3A_111, %add3A_390 : i32
        %get3A_392 = arith.index_cast %add3A_391 : i32 to index
        %get3A_393 = arith.constant 32 : index
        %get3A_394 = tpu.vector_load %arg9[%get3A_392, %get3A_393] {strides = array<i32>} : memref<128x64xf32, #tpu.memory_space<vmem>>, vector<1x16xf32>,
        %get3A_395 = vector.shape_cast %get3A_394 : vector<1x16xf32> to vector<16xf32>
        %add3A_396 = arith.constant 3 : i32
        %add3A_397 = arith.addi %mul3A_111, %add3A_396 : i32
        %get3A_398 = arith.index_cast %add3A_397 : i32 to index
        %get3A_399 = arith.constant 32 : index
        %get3A_400 = tpu.vector_load %arg11[%get3A_398, %get3A_399] {strides = array<i32>} : memref<128x64xf32, #tpu.memory_space<vmem>>, vector<1x16xf32>,
        %get3A_401 = vector.shape_cast %get3A_400 : vector<1x16xf32> to vector<16xf32>
        %add3A_402 = arith.addf %get3A_395, %get3A_401 : vector<16xf32>
        %add3A_403 = arith.constant 3 : i32
        %add3A_404 = arith.addi %mul3A_111, %add3A_403 : i32
        %swap3A_405 = arith.index_cast %add3A_404 : i32 to index
        %swap3A_406 = arith.constant 32 : index
        %swap3A_407 = tpu.vector_load %arg13[%swap3A_405, %swap3A_406] {strides = array<i32>} : memref<128x64xf32, #tpu.memory_space<vmem>>, vector<1x16xf32>,
        %swap3A_408 = vector.shape_cast %swap3A_407 : vector<1x16xf32> to vector<16xf32>
        %swap3A_409 = vector.shape_cast %add3A_402 : vector<16xf32> to vector<1x16xf32>
        tpu.vector_store %arg13[%swap3A_405, %swap3A_406], %swap3A_409 {strides = array<i32>} : memref<128x64xf32, #tpu.memory_space<vmem>>, vector<1x16xf32>,
        %add3A_410 = arith.constant 3 : i32
        %add3A_411 = arith.addi %mul3A_111, %add3A_410 : i32
        %get3A_412 = arith.index_cast %add3A_411 : i32 to index
        %get3A_413 = arith.constant 48 : index
        %get3A_414 = tpu.vector_load %arg9[%get3A_412, %get3A_413] {strides = array<i32>} : memref<128x64xf32, #tpu.memory_space<vmem>>, vector<1x16xf32>,
        %get3A_415 = vector.shape_cast %get3A_414 : vector<1x16xf32> to vector<16xf32>
        %add3A_416 = arith.constant 3 : i32
        %add3A_417 = arith.addi %mul3A_111, %add3A_416 : i32
        %get3A_418 = arith.index_cast %add3A_417 : i32 to index
        %get3A_419 = arith.constant 48 : index
        %get3A_420 = tpu.vector_load %arg11[%get3A_418, %get3A_419] {strides = array<i32>} : memref<128x64xf32, #tpu.memory_space<vmem>>, vector<1x16xf32>,
        %get3A_421 = vector.shape_cast %get3A_420 : vector<1x16xf32> to vector<16xf32>
        %add3A_422 = arith.addf %get3A_415, %get3A_421 : vector<16xf32>
        %add3A_423 = arith.constant 3 : i32
        %add3A_424 = arith.addi %mul3A_111, %add3A_423 : i32
        %swap3A_425 = arith.index_cast %add3A_424 : i32 to index
        %swap3A_426 = arith.constant 48 : index
        %swap3A_427 = tpu.vector_load %arg13[%swap3A_425, %swap3A_426] {strides = array<i32>} : memref<128x64xf32, #tpu.memory_space<vmem>>, vector<1x16xf32>,
        %swap3A_428 = vector.shape_cast %swap3A_427 : vector<1x16xf32> to vector<16xf32>
        %swap3A_429 = vector.shape_cast %add3A_422 : vector<16xf32> to vector<1x16xf32>
        tpu.vector_store %arg13[%swap3A_425, %swap3A_426], %swap3A_429 {strides = array<i32>} : memref<128x64xf32, #tpu.memory_space<vmem>>, vector<1x16xf32>,
        %add3A_430 = arith.constant 4 : i32
        %add3A_431 = arith.addi %mul3A_111, %add3A_430 : i32
        %get3A_432 = arith.index_cast %add3A_431 : i32 to index
        %get3A_433 = arith.constant 0 : index
        %get3A_434 = tpu.vector_load %arg9[%get3A_432, %get3A_433] {strides = array<i32>} : memref<128x64xf32, #tpu.memory_space<vmem>>, vector<1x16xf32>,
        %get3A_435 = vector.shape_cast %get3A_434 : vector<1x16xf32> to vector<16xf32>
        %add3A_436 = arith.constant 4 : i32
        %add3A_437 = arith.addi %mul3A_111, %add3A_436 : i32
        %get3A_438 = arith.index_cast %add3A_437 : i32 to index
        %get3A_439 = arith.constant 0 : index
        %get3A_440 = tpu.vector_load %arg11[%get3A_438, %get3A_439] {strides = array<i32>} : memref<128x64xf32, #tpu.memory_space<vmem>>, vector<1x16xf32>,
        %get3A_441 = vector.shape_cast %get3A_440 : vector<1x16xf32> to vector<16xf32>
        %add3A_442 = arith.addf %get3A_435, %get3A_441 : vector<16xf32>
        %add3A_443 = arith.constant 4 : i32
        %add3A_444 = arith.addi %mul3A_111, %add3A_443 : i32
        %swap3A_445 = arith.index_cast %add3A_444 : i32 to index
        %swap3A_446 = arith.constant 0 : index
        %swap3A_447 = tpu.vector_load %arg13[%swap3A_445, %swap3A_446] {strides = array<i32>} : memref<128x64xf32, #tpu.memory_space<vmem>>, vector<1x16xf32>,
        %swap3A_448 = vector.shape_cast %swap3A_447 : vector<1x16xf32> to vector<16xf32>
        %swap3A_449 = vector.shape_cast %add3A_442 : vector<16xf32> to vector<1x16xf32>
        tpu.vector_store %arg13[%swap3A_445, %swap3A_446], %swap3A_449 {strides = array<i32>} : memref<128x64xf32, #tpu.memory_space<vmem>>, vector<1x16xf32>,
        %add3A_450 = arith.constant 4 : i32
        %add3A_451 = arith.addi %mul3A_111, %add3A_450 : i32
        %get3A_452 = arith.index_cast %add3A_451 : i32 to index
        %get3A_453 = arith.constant 16 : index
        %get3A_454 = tpu.vector_load %arg9[%get3A_452, %get3A_453] {strides = array<i32>} : memref<128x64xf32, #tpu.memory_space<vmem>>, vector<1x16xf32>,
        %get3A_455 = vector.shape_cast %get3A_454 : vector<1x16xf32> to vector<16xf32>
        %add3A_456 = arith.constant 4 : i32
        %add3A_457 = arith.addi %mul3A_111, %add3A_456 : i32
        %get3A_458 = arith.index_cast %add3A_457 : i32 to index
        %get3A_459 = arith.constant 16 : index
        %get3A_460 = tpu.vector_load %arg11[%get3A_458, %get3A_459] {strides = array<i32>} : memref<128x64xf32, #tpu.memory_space<vmem>>, vector<1x16xf32>,
        %get3A_461 = vector.shape_cast %get3A_460 : vector<1x16xf32> to vector<16xf32>
        %add3A_462 = arith.addf %get3A_455, %get3A_461 : vector<16xf32>
        %add3A_463 = arith.constant 4 : i32
        %add3A_464 = arith.addi %mul3A_111, %add3A_463 : i32
        %swap3A_465 = arith.index_cast %add3A_464 : i32 to index
        %swap3A_466 = arith.constant 16 : index
        %swap3A_467 = tpu.vector_load %arg13[%swap3A_465, %swap3A_466] {strides = array<i32>} : memref<128x64xf32, #tpu.memory_space<vmem>>, vector<1x16xf32>,
        %swap3A_468 = vector.shape_cast %swap3A_467 : vector<1x16xf32> to vector<16xf32>
        %swap3A_469 = vector.shape_cast %add3A_462 : vector<16xf32> to vector<1x16xf32>
        tpu.vector_store %arg13[%swap3A_465, %swap3A_466], %swap3A_469 {strides = array<i32>} : memref<128x64xf32, #tpu.memory_space<vmem>>, vector<1x16xf32>,
        %add3A_470 = arith.constant 4 : i32
        %add3A_471 = arith.addi %mul3A_111, %add3A_470 : i32
        %get3A_472 = arith.index_cast %add3A_471 : i32 to index
        %get3A_473 = arith.constant 32 : index
        %get3A_474 = tpu.vector_load %arg9[%get3A_472, %get3A_473] {strides = array<i32>} : memref<128x64xf32, #tpu.memory_space<vmem>>, vector<1x16xf32>,
        %get3A_475 = vector.shape_cast %get3A_474 : vector<1x16xf32> to vector<16xf32>
        %add3A_476 = arith.constant 4 : i32
        %add3A_477 = arith.addi %mul3A_111, %add3A_476 : i32
        %get3A_478 = arith.index_cast %add3A_477 : i32 to index
        %get3A_479 = arith.constant 32 : index
        %get3A_480 = tpu.vector_load %arg11[%get3A_478, %get3A_479] {strides = array<i32>} : memref<128x64xf32, #tpu.memory_space<vmem>>, vector<1x16xf32>,
        %get3A_481 = vector.shape_cast %get3A_480 : vector<1x16xf32> to vector<16xf32>
        %add3A_482 = arith.addf %get3A_475, %get3A_481 : vector<16xf32>
        %add3A_483 = arith.constant 4 : i32
        %add3A_484 = arith.addi %mul3A_111, %add3A_483 : i32
        %swap3A_485 = arith.index_cast %add3A_484 : i32 to index
        %swap3A_486 = arith.constant 32 : index
        %swap3A_487 = tpu.vector_load %arg13[%swap3A_485, %swap3A_486] {strides = array<i32>} : memref<128x64xf32, #tpu.memory_space<vmem>>, vector<1x16xf32>,
        %swap3A_488 = vector.shape_cast %swap3A_487 : vector<1x16xf32> to vector<16xf32>
        %swap3A_489 = vector.shape_cast %add3A_482 : vector<16xf32> to vector<1x16xf32>
        tpu.vector_store %arg13[%swap3A_485, %swap3A_486], %swap3A_489 {strides = array<i32>} : memref<128x64xf32, #tpu.memory_space<vmem>>, vector<1x16xf32>,
        %add3A_490 = arith.constant 4 : i32
        %add3A_491 = arith.addi %mul3A_111, %add3A_490 : i32
        %get3A_492 = arith.index_cast %add3A_491 : i32 to index
        %get3A_493 = arith.constant 48 : index
        %get3A_494 = tpu.vector_load %arg9[%get3A_492, %get3A_493] {strides = array<i32>} : memref<128x64xf32, #tpu.memory_space<vmem>>, vector<1x16xf32>,
        %get3A_495 = vector.shape_cast %get3A_494 : vector<1x16xf32> to vector<16xf32>
        %add3A_496 = arith.constant 4 : i32
        %add3A_497 = arith.addi %mul3A_111, %add3A_496 : i32
        %get3A_498 = arith.index_cast %add3A_497 : i32 to index
        %get3A_499 = arith.constant 48 : index
        %get3A_500 = tpu.vector_load %arg11[%get3A_498, %get3A_499] {strides = array<i32>} : memref<128x64xf32, #tpu.memory_space<vmem>>, vector<1x16xf32>,
        %get3A_501 = vector.shape_cast %get3A_500 : vector<1x16xf32> to vector<16xf32>
        %add3A_502 = arith.addf %get3A_495, %get3A_501 : vector<16xf32>
        %add3A_503 = arith.constant 4 : i32
        %add3A_504 = arith.addi %mul3A_111, %add3A_503 : i32
        %swap3A_505 = arith.index_cast %add3A_504 : i32 to index
        %swap3A_506 = arith.constant 48 : index
        %swap3A_507 = tpu.vector_load %arg13[%swap3A_505, %swap3A_506] {strides = array<i32>} : memref<128x64xf32, #tpu.memory_space<vmem>>, vector<1x16xf32>,
        %swap3A_508 = vector.shape_cast %swap3A_507 : vector<1x16xf32> to vector<16xf32>
        %swap3A_509 = vector.shape_cast %add3A_502 : vector<16xf32> to vector<1x16xf32>
        tpu.vector_store %arg13[%swap3A_505, %swap3A_506], %swap3A_509 {strides = array<i32>} : memref<128x64xf32, #tpu.memory_space<vmem>>, vector<1x16xf32>,
        %add3A_510 = arith.constant 5 : i32
        %add3A_511 = arith.addi %mul3A_111, %add3A_510 : i32
        %get3A_512 = arith.index_cast %add3A_511 : i32 to index
        %get3A_513 = arith.constant 0 : index
        %get3A_514 = tpu.vector_load %arg9[%get3A_512, %get3A_513] {strides = array<i32>} : memref<128x64xf32, #tpu.memory_space<vmem>>, vector<1x16xf32>,
        %get3A_515 = vector.shape_cast %get3A_514 : vector<1x16xf32> to vector<16xf32>
        %add3A_516 = arith.constant 5 : i32
        %add3A_517 = arith.addi %mul3A_111, %add3A_516 : i32
        %get3A_518 = arith.index_cast %add3A_517 : i32 to index
        %get3A_519 = arith.constant 0 : index
        %get3A_520 = tpu.vector_load %arg11[%get3A_518, %get3A_519] {strides = array<i32>} : memref<128x64xf32, #tpu.memory_space<vmem>>, vector<1x16xf32>,
        %get3A_521 = vector.shape_cast %get3A_520 : vector<1x16xf32> to vector<16xf32>
        %add3A_522 = arith.addf %get3A_515, %get3A_521 : vector<16xf32>
        %add3A_523 = arith.constant 5 : i32
        %add3A_524 = arith.addi %mul3A_111, %add3A_523 : i32
        %swap3A_525 = arith.index_cast %add3A_524 : i32 to index
        %swap3A_526 = arith.constant 0 : index
        %swap3A_527 = tpu.vector_load %arg13[%swap3A_525, %swap3A_526] {strides = array<i32>} : memref<128x64xf32, #tpu.memory_space<vmem>>, vector<1x16xf32>,
        %swap3A_528 = vector.shape_cast %swap3A_527 : vector<1x16xf32> to vector<16xf32>
        %swap3A_529 = vector.shape_cast %add3A_522 : vector<16xf32> to vector<1x16xf32>
        tpu.vector_store %arg13[%swap3A_525, %swap3A_526], %swap3A_529 {strides = array<i32>} : memref<128x64xf32, #tpu.memory_space<vmem>>, vector<1x16xf32>,
        %add3A_530 = arith.constant 5 : i32
        %add3A_531 = arith.addi %mul3A_111, %add3A_530 : i32
        %get3A_532 = arith.index_cast %add3A_531 : i32 to index
        %get3A_533 = arith.constant 16 : index
        %get3A_534 = tpu.vector_load %arg9[%get3A_532, %get3A_533] {strides = array<i32>} : memref<128x64xf32, #tpu.memory_space<vmem>>, vector<1x16xf32>,
        %get3A_535 = vector.shape_cast %get3A_534 : vector<1x16xf32> to vector<16xf32>
        %add3A_536 = arith.constant 5 : i32
        %add3A_537 = arith.addi %mul3A_111, %add3A_536 : i32
        %get3A_538 = arith.index_cast %add3A_537 : i32 to index
        %get3A_539 = arith.constant 16 : index
        %get3A_540 = tpu.vector_load %arg11[%get3A_538, %get3A_539] {strides = array<i32>} : memref<128x64xf32, #tpu.memory_space<vmem>>, vector<1x16xf32>,
        %get3A_541 = vector.shape_cast %get3A_540 : vector<1x16xf32> to vector<16xf32>
        %add3A_542 = arith.addf %get3A_535, %get3A_541 : vector<16xf32>
        %add3A_543 = arith.constant 5 : i32
        %add3A_544 = arith.addi %mul3A_111, %add3A_543 : i32
        %swap3A_545 = arith.index_cast %add3A_544 : i32 to index
        %swap3A_546 = arith.constant 16 : index
        %swap3A_547 = tpu.vector_load %arg13[%swap3A_545, %swap3A_546] {strides = array<i32>} : memref<128x64xf32, #tpu.memory_space<vmem>>, vector<1x16xf32>,
        %swap3A_548 = vector.shape_cast %swap3A_547 : vector<1x16xf32> to vector<16xf32>
        %swap3A_549 = vector.shape_cast %add3A_542 : vector<16xf32> to vector<1x16xf32>
        tpu.vector_store %arg13[%swap3A_545, %swap3A_546], %swap3A_549 {strides = array<i32>} : memref<128x64xf32, #tpu.memory_space<vmem>>, vector<1x16xf32>,
        %add3A_550 = arith.constant 5 : i32
        %add3A_551 = arith.addi %mul3A_111, %add3A_550 : i32
        %get3A_552 = arith.index_cast %add3A_551 : i32 to index
        %get3A_553 = arith.constant 32 : index
        %get3A_554 = tpu.vector_load %arg9[%get3A_552, %get3A_553] {strides = array<i32>} : memref<128x64xf32, #tpu.memory_space<vmem>>, vector<1x16xf32>,
        %get3A_555 = vector.shape_cast %get3A_554 : vector<1x16xf32> to vector<16xf32>
        %add3A_556 = arith.constant 5 : i32
        %add3A_557 = arith.addi %mul3A_111, %add3A_556 : i32
        %get3A_558 = arith.index_cast %add3A_557 : i32 to index
        %get3A_559 = arith.constant 32 : index
        %get3A_560 = tpu.vector_load %arg11[%get3A_558, %get3A_559] {strides = array<i32>} : memref<128x64xf32, #tpu.memory_space<vmem>>, vector<1x16xf32>,
        %get3A_561 = vector.shape_cast %get3A_560 : vector<1x16xf32> to vector<16xf32>
        %add3A_562 = arith.addf %get3A_555, %get3A_561 : vector<16xf32>
        %add3A_563 = arith.constant 5 : i32
        %add3A_564 = arith.addi %mul3A_111, %add3A_563 : i32
        %swap3A_565 = arith.index_cast %add3A_564 : i32 to index
        %swap3A_566 = arith.constant 32 : index
        %swap3A_567 = tpu.vector_load %arg13[%swap3A_565, %swap3A_566] {strides = array<i32>} : memref<128x64xf32, #tpu.memory_space<vmem>>, vector<1x16xf32>,
        %swap3A_568 = vector.shape_cast %swap3A_567 : vector<1x16xf32> to vector<16xf32>
        %swap3A_569 = vector.shape_cast %add3A_562 : vector<16xf32> to vector<1x16xf32>
        tpu.vector_store %arg13[%swap3A_565, %swap3A_566], %swap3A_569 {strides = array<i32>} : memref<128x64xf32, #tpu.memory_space<vmem>>, vector<1x16xf32>,
        %add3A_570 = arith.constant 5 : i32
        %add3A_571 = arith.addi %mul3A_111, %add3A_570 : i32
        %get3A_572 = arith.index_cast %add3A_571 : i32 to index
        %get3A_573 = arith.constant 48 : index
        %get3A_574 = tpu.vector_load %arg9[%get3A_572, %get3A_573] {strides = array<i32>} : memref<128x64xf32, #tpu.memory_space<vmem>>, vector<1x16xf32>,
        %get3A_575 = vector.shape_cast %get3A_574 : vector<1x16xf32> to vector<16xf32>
        %add3A_576 = arith.constant 5 : i32
        %add3A_577 = arith.addi %mul3A_111, %add3A_576 : i32
        %get3A_578 = arith.index_cast %add3A_577 : i32 to index
        %get3A_579 = arith.constant 48 : index
        %get3A_580 = tpu.vector_load %arg11[%get3A_578, %get3A_579] {strides = array<i32>} : memref<128x64xf32, #tpu.memory_space<vmem>>, vector<1x16xf32>,
        %get3A_581 = vector.shape_cast %get3A_580 : vector<1x16xf32> to vector<16xf32>
        %add3A_582 = arith.addf %get3A_575, %get3A_581 : vector<16xf32>
        %add3A_583 = arith.constant 5 : i32
        %add3A_584 = arith.addi %mul3A_111, %add3A_583 : i32
        %swap3A_585 = arith.index_cast %add3A_584 : i32 to index
        %swap3A_586 = arith.constant 48 : index
        %swap3A_587 = tpu.vector_load %arg13[%swap3A_585, %swap3A_586] {strides = array<i32>} : memref<128x64xf32, #tpu.memory_space<vmem>>, vector<1x16xf32>,
        %swap3A_588 = vector.shape_cast %swap3A_587 : vector<1x16xf32> to vector<16xf32>
        %swap3A_589 = vector.shape_cast %add3A_582 : vector<16xf32> to vector<1x16xf32>
        tpu.vector_store %arg13[%swap3A_585, %swap3A_586], %swap3A_589 {strides = array<i32>} : memref<128x64xf32, #tpu.memory_space<vmem>>, vector<1x16xf32>,
        %add3A_590 = arith.constant 6 : i32
        %add3A_591 = arith.addi %mul3A_111, %add3A_590 : i32
        %get3A_592 = arith.index_cast %add3A_591 : i32 to index
        %get3A_593 = arith.constant 0 : index
        %get3A_594 = tpu.vector_load %arg9[%get3A_592, %get3A_593] {strides = array<i32>} : memref<128x64xf32, #tpu.memory_space<vmem>>, vector<1x16xf32>,
        %get3A_595 = vector.shape_cast %get3A_594 : vector<1x16xf32> to vector<16xf32>
        %add3A_596 = arith.constant 6 : i32
        %add3A_597 = arith.addi %mul3A_111, %add3A_596 : i32
        %get3A_598 = arith.index_cast %add3A_597 : i32 to index
        %get3A_599 = arith.constant 0 : index
        %get3A_600 = tpu.vector_load %arg11[%get3A_598, %get3A_599] {strides = array<i32>} : memref<128x64xf32, #tpu.memory_space<vmem>>, vector<1x16xf32>,
        %get3A_601 = vector.shape_cast %get3A_600 : vector<1x16xf32> to vector<16xf32>
        %add3A_602 = arith.addf %get3A_595, %get3A_601 : vector<16xf32>
        %add3A_603 = arith.constant 6 : i32
        %add3A_604 = arith.addi %mul3A_111, %add3A_603 : i32
        %swap3A_605 = arith.index_cast %add3A_604 : i32 to index
        %swap3A_606 = arith.constant 0 : index
        %swap3A_607 = tpu.vector_load %arg13[%swap3A_605, %swap3A_606] {strides = array<i32>} : memref<128x64xf32, #tpu.memory_space<vmem>>, vector<1x16xf32>,
        %swap3A_608 = vector.shape_cast %swap3A_607 : vector<1x16xf32> to vector<16xf32>
        %swap3A_609 = vector.shape_cast %add3A_602 : vector<16xf32> to vector<1x16xf32>
        tpu.vector_store %arg13[%swap3A_605, %swap3A_606], %swap3A_609 {strides = array<i32>} : memref<128x64xf32, #tpu.memory_space<vmem>>, vector<1x16xf32>,
        %add3A_610 = arith.constant 6 : i32
        %add3A_611 = arith.addi %mul3A_111, %add3A_610 : i32
        %get3A_612 = arith.index_cast %add3A_611 : i32 to index
        %get3A_613 = arith.constant 16 : index
        %get3A_614 = tpu.vector_load %arg9[%get3A_612, %get3A_613] {strides = array<i32>} : memref<128x64xf32, #tpu.memory_space<vmem>>, vector<1x16xf32>,
        %get3A_615 = vector.shape_cast %get3A_614 : vector<1x16xf32> to vector<16xf32>
        %add3A_616 = arith.constant 6 : i32
        %add3A_617 = arith.addi %mul3A_111, %add3A_616 : i32
        %get3A_618 = arith.index_cast %add3A_617 : i32 to index
        %get3A_619 = arith.constant 16 : index
        %get3A_620 = tpu.vector_load %arg11[%get3A_618, %get3A_619] {strides = array<i32>} : memref<128x64xf32, #tpu.memory_space<vmem>>, vector<1x16xf32>,
        %get3A_621 = vector.shape_cast %get3A_620 : vector<1x16xf32> to vector<16xf32>
        %add3A_622 = arith.addf %get3A_615, %get3A_621 : vector<16xf32>
        %add3A_623 = arith.constant 6 : i32
        %add3A_624 = arith.addi %mul3A_111, %add3A_623 : i32
        %swap3A_625 = arith.index_cast %add3A_624 : i32 to index
        %swap3A_626 = arith.constant 16 : index
        %swap3A_627 = tpu.vector_load %arg13[%swap3A_625, %swap3A_626] {strides = array<i32>} : memref<128x64xf32, #tpu.memory_space<vmem>>, vector<1x16xf32>,
        %swap3A_628 = vector.shape_cast %swap3A_627 : vector<1x16xf32> to vector<16xf32>
        %swap3A_629 = vector.shape_cast %add3A_622 : vector<16xf32> to vector<1x16xf32>
        tpu.vector_store %arg13[%swap3A_625, %swap3A_626], %swap3A_629 {strides = array<i32>} : memref<128x64xf32, #tpu.memory_space<vmem>>, vector<1x16xf32>,
        %add3A_630 = arith.constant 6 : i32
        %add3A_631 = arith.addi %mul3A_111, %add3A_630 : i32
        %get3A_632 = arith.index_cast %add3A_631 : i32 to index
        %get3A_633 = arith.constant 32 : index
        %get3A_634 = tpu.vector_load %arg9[%get3A_632, %get3A_633] {strides = array<i32>} : memref<128x64xf32, #tpu.memory_space<vmem>>, vector<1x16xf32>,
        %get3A_635 = vector.shape_cast %get3A_634 : vector<1x16xf32> to vector<16xf32>
        %add3A_636 = arith.constant 6 : i32
        %add3A_637 = arith.addi %mul3A_111, %add3A_636 : i32
        %get3A_638 = arith.index_cast %add3A_637 : i32 to index
        %get3A_639 = arith.constant 32 : index
        %get3A_640 = tpu.vector_load %arg11[%get3A_638, %get3A_639] {strides = array<i32>} : memref<128x64xf32, #tpu.memory_space<vmem>>, vector<1x16xf32>,
        %get3A_641 = vector.shape_cast %get3A_640 : vector<1x16xf32> to vector<16xf32>
        %add3A_642 = arith.addf %get3A_635, %get3A_641 : vector<16xf32>
        %add3A_643 = arith.constant 6 : i32
        %add3A_644 = arith.addi %mul3A_111, %add3A_643 : i32
        %swap3A_645 = arith.index_cast %add3A_644 : i32 to index
        %swap3A_646 = arith.constant 32 : index
        %swap3A_647 = tpu.vector_load %arg13[%swap3A_645, %swap3A_646] {strides = array<i32>} : memref<128x64xf32, #tpu.memory_space<vmem>>, vector<1x16xf32>,
        %swap3A_648 = vector.shape_cast %swap3A_647 : vector<1x16xf32> to vector<16xf32>
        %swap3A_649 = vector.shape_cast %add3A_642 : vector<16xf32> to vector<1x16xf32>
        tpu.vector_store %arg13[%swap3A_645, %swap3A_646], %swap3A_649 {strides = array<i32>} : memref<128x64xf32, #tpu.memory_space<vmem>>, vector<1x16xf32>,
        %add3A_650 = arith.constant 6 : i32
        %add3A_651 = arith.addi %mul3A_111, %add3A_650 : i32
        %get3A_652 = arith.index_cast %add3A_651 : i32 to index
        %get3A_653 = arith.constant 48 : index
        %get3A_654 = tpu.vector_load %arg9[%get3A_652, %get3A_653] {strides = array<i32>} : memref<128x64xf32, #tpu.memory_space<vmem>>, vector<1x16xf32>,
        %get3A_655 = vector.shape_cast %get3A_654 : vector<1x16xf32> to vector<16xf32>
        %add3A_656 = arith.constant 6 : i32
        %add3A_657 = arith.addi %mul3A_111, %add3A_656 : i32
        %get3A_658 = arith.index_cast %add3A_657 : i32 to index
        %get3A_659 = arith.constant 48 : index
        %get3A_660 = tpu.vector_load %arg11[%get3A_658, %get3A_659] {strides = array<i32>} : memref<128x64xf32, #tpu.memory_space<vmem>>, vector<1x16xf32>,
        %get3A_661 = vector.shape_cast %get3A_660 : vector<1x16xf32> to vector<16xf32>
        %add3A_662 = arith.addf %get3A_655, %get3A_661 : vector<16xf32>
        %add3A_663 = arith.constant 6 : i32
        %add3A_664 = arith.addi %mul3A_111, %add3A_663 : i32
        %swap3A_665 = arith.index_cast %add3A_664 : i32 to index
        %swap3A_666 = arith.constant 48 : index
        %swap3A_667 = tpu.vector_load %arg13[%swap3A_665, %swap3A_666] {strides = array<i32>} : memref<128x64xf32, #tpu.memory_space<vmem>>, vector<1x16xf32>,
        %swap3A_668 = vector.shape_cast %swap3A_667 : vector<1x16xf32> to vector<16xf32>
        %swap3A_669 = vector.shape_cast %add3A_662 : vector<16xf32> to vector<1x16xf32>
        tpu.vector_store %arg13[%swap3A_665, %swap3A_666], %swap3A_669 {strides = array<i32>} : memref<128x64xf32, #tpu.memory_space<vmem>>, vector<1x16xf32>,
        %add3A_670 = arith.constant 7 : i32
        %add3A_671 = arith.addi %mul3A_111, %add3A_670 : i32
        %get3A_672 = arith.index_cast %add3A_671 : i32 to index
        %get3A_673 = arith.constant 0 : index
        %get3A_674 = tpu.vector_load %arg9[%get3A_672, %get3A_673] {strides = array<i32>} : memref<128x64xf32, #tpu.memory_space<vmem>>, vector<1x16xf32>,
        %get3A_675 = vector.shape_cast %get3A_674 : vector<1x16xf32> to vector<16xf32>
        %add3A_676 = arith.constant 7 : i32
        %add3A_677 = arith.addi %mul3A_111, %add3A_676 : i32
        %get3A_678 = arith.index_cast %add3A_677 : i32 to index
        %get3A_679 = arith.constant 0 : index
        %get3A_680 = tpu.vector_load %arg11[%get3A_678, %get3A_679] {strides = array<i32>} : memref<128x64xf32, #tpu.memory_space<vmem>>, vector<1x16xf32>,
        %get3A_681 = vector.shape_cast %get3A_680 : vector<1x16xf32> to vector<16xf32>
        %add3A_682 = arith.addf %get3A_675, %get3A_681 : vector<16xf32>
        %add3A_683 = arith.constant 7 : i32
        %add3A_684 = arith.addi %mul3A_111, %add3A_683 : i32
        %swap3A_685 = arith.index_cast %add3A_684 : i32 to index
        %swap3A_686 = arith.constant 0 : index
        %swap3A_687 = tpu.vector_load %arg13[%swap3A_685, %swap3A_686] {strides = array<i32>} : memref<128x64xf32, #tpu.memory_space<vmem>>, vector<1x16xf32>,
        %swap3A_688 = vector.shape_cast %swap3A_687 : vector<1x16xf32> to vector<16xf32>
        %swap3A_689 = vector.shape_cast %add3A_682 : vector<16xf32> to vector<1x16xf32>
        tpu.vector_store %arg13[%swap3A_685, %swap3A_686], %swap3A_689 {strides = array<i32>} : memref<128x64xf32, #tpu.memory_space<vmem>>, vector<1x16xf32>,
        %add3A_690 = arith.constant 7 : i32
        %add3A_691 = arith.addi %mul3A_111, %add3A_690 : i32
        %get3A_692 = arith.index_cast %add3A_691 : i32 to index
        %get3A_693 = arith.constant 16 : index
        %get3A_694 = tpu.vector_load %arg9[%get3A_692, %get3A_693] {strides = array<i32>} : memref<128x64xf32, #tpu.memory_space<vmem>>, vector<1x16xf32>,
        %get3A_695 = vector.shape_cast %get3A_694 : vector<1x16xf32> to vector<16xf32>
        %add3A_696 = arith.constant 7 : i32
        %add3A_697 = arith.addi %mul3A_111, %add3A_696 : i32
        %get3A_698 = arith.index_cast %add3A_697 : i32 to index
        %get3A_699 = arith.constant 16 : index
        %get3A_700 = tpu.vector_load %arg11[%get3A_698, %get3A_699] {strides = array<i32>} : memref<128x64xf32, #tpu.memory_space<vmem>>, vector<1x16xf32>,
        %get3A_701 = vector.shape_cast %get3A_700 : vector<1x16xf32> to vector<16xf32>
        %add3A_702 = arith.addf %get3A_695, %get3A_701 : vector<16xf32>
        %add3A_703 = arith.constant 7 : i32
        %add3A_704 = arith.addi %mul3A_111, %add3A_703 : i32
        %swap3A_705 = arith.index_cast %add3A_704 : i32 to index
        %swap3A_706 = arith.constant 16 : index
        %swap3A_707 = tpu.vector_load %arg13[%swap3A_705, %swap3A_706] {strides = array<i32>} : memref<128x64xf32, #tpu.memory_space<vmem>>, vector<1x16xf32>,
        %swap3A_708 = vector.shape_cast %swap3A_707 : vector<1x16xf32> to vector<16xf32>
        %swap3A_709 = vector.shape_cast %add3A_702 : vector<16xf32> to vector<1x16xf32>
        tpu.vector_store %arg13[%swap3A_705, %swap3A_706], %swap3A_709 {strides = array<i32>} : memref<128x64xf32, #tpu.memory_space<vmem>>, vector<1x16xf32>,
        %add3A_710 = arith.constant 7 : i32
        %add3A_711 = arith.addi %mul3A_111, %add3A_710 : i32
        %get3A_712 = arith.index_cast %add3A_711 : i32 to index
        %get3A_713 = arith.constant 32 : index
        %get3A_714 = tpu.vector_load %arg9[%get3A_712, %get3A_713] {strides = array<i32>} : memref<128x64xf32, #tpu.memory_space<vmem>>, vector<1x16xf32>,
        %get3A_715 = vector.shape_cast %get3A_714 : vector<1x16xf32> to vector<16xf32>
        %add3A_716 = arith.constant 7 : i32
        %add3A_717 = arith.addi %mul3A_111, %add3A_716 : i32
        %get3A_718 = arith.index_cast %add3A_717 : i32 to index
        %get3A_719 = arith.constant 32 : index
        %get3A_720 = tpu.vector_load %arg11[%get3A_718, %get3A_719] {strides = array<i32>} : memref<128x64xf32, #tpu.memory_space<vmem>>, vector<1x16xf32>,
        %get3A_721 = vector.shape_cast %get3A_720 : vector<1x16xf32> to vector<16xf32>
        %add3A_722 = arith.addf %get3A_715, %get3A_721 : vector<16xf32>
        %add3A_723 = arith.constant 7 : i32
        %add3A_724 = arith.addi %mul3A_111, %add3A_723 : i32
        %swap3A_725 = arith.index_cast %add3A_724 : i32 to index
        %swap3A_726 = arith.constant 32 : index
        %swap3A_727 = tpu.vector_load %arg13[%swap3A_725, %swap3A_726] {strides = array<i32>} : memref<128x64xf32, #tpu.memory_space<vmem>>, vector<1x16xf32>,
        %swap3A_728 = vector.shape_cast %swap3A_727 : vector<1x16xf32> to vector<16xf32>
        %swap3A_729 = vector.shape_cast %add3A_722 : vector<16xf32> to vector<1x16xf32>
        tpu.vector_store %arg13[%swap3A_725, %swap3A_726], %swap3A_729 {strides = array<i32>} : memref<128x64xf32, #tpu.memory_space<vmem>>, vector<1x16xf32>,
        %add3A_730 = arith.constant 7 : i32
        %add3A_731 = arith.addi %mul3A_111, %add3A_730 : i32
        %get3A_732 = arith.index_cast %add3A_731 : i32 to index
        %get3A_733 = arith.constant 48 : index
        %get3A_734 = tpu.vector_load %arg9[%get3A_732, %get3A_733] {strides = array<i32>} : memref<128x64xf32, #tpu.memory_space<vmem>>, vector<1x16xf32>,
        %get3A_735 = vector.shape_cast %get3A_734 : vector<1x16xf32> to vector<16xf32>
        %add3A_736 = arith.constant 7 : i32
        %add3A_737 = arith.addi %mul3A_111, %add3A_736 : i32
        %get3A_738 = arith.index_cast %add3A_737 : i32 to index
        %get3A_739 = arith.constant 48 : index
        %get3A_740 = tpu.vector_load %arg11[%get3A_738, %get3A_739] {strides = array<i32>} : memref<128x64xf32, #tpu.memory_space<vmem>>, vector<1x16xf32>,
        %get3A_741 = vector.shape_cast %get3A_740 : vector<1x16xf32> to vector<16xf32>
        %add3A_742 = arith.addf %get3A_735, %get3A_741 : vector<16xf32>
        %add3A_743 = arith.constant 7 : i32
        %add3A_744 = arith.addi %mul3A_111, %add3A_743 : i32
        %swap3A_745 = arith.index_cast %add3A_744 : i32 to index
        %swap3A_746 = arith.constant 48 : index
        %swap3A_747 = tpu.vector_load %arg13[%swap3A_745, %swap3A_746] {strides = array<i32>} : memref<128x64xf32, #tpu.memory_space<vmem>>, vector<1x16xf32>,
        %swap3A_748 = vector.shape_cast %swap3A_747 : vector<1x16xf32> to vector<16xf32>
        %swap3A_749 = vector.shape_cast %add3A_742 : vector<16xf32> to vector<1x16xf32>
        tpu.vector_store %arg13[%swap3A_745, %swap3A_746], %swap3A_749 {strides = array<i32>} : memref<128x64xf32, #tpu.memory_space<vmem>>, vector<1x16xf32>,
      }
      %scan3A_56 = arith.constant 16 : i32
      %mul3A_57 = arith.constant 128 : i32
      %mul3A_58 = arith.muli %add3A_38, %mul3A_57 : i32
      %add3A_59 = arith.addi %mul3A_2, %mul3A_58 : i32
      %dma_start3A_60 = arith.constant 0 : i32
      %dma_start3A_61 = tpu.memref_slice %arg6[%add3A_59, %dma_start3A_60] : memref<204800x64xf32, #tpu.memory_space<hbm>> -> memref<128x64xf32, #tpu.memory_space<hbm>>
      %dma_start3A_62 = arith.constant 0 : i32
      %dma_start3A_63 = tpu.memref_slice %arg6[%add3A_59, %dma_start3A_62] : memref<204800x64xf32, #tpu.memory_space<hbm>> -> memref<128x64xf32, #tpu.memory_space<hbm>>
      tpu.enqueue_dma source(%arg13 : memref<128x64xf32, #tpu.memory_space<vmem>>) target(%dma_start3A_63 : memref<128x64xf32, #tpu.memory_space<hbm>>) target_semaphore(%arg17 : memref<!tpu.dma_semaphore, #tpu.memory_space<semaphore_mem>>)
      %add3A_64 = arith.constant 2 : i32
      %add3A_65 = arith.addi %add3A_38, %add3A_64 : i32
      %lt3A = arith.constant 50 : i32
      %lt3A_66 = arith.cmpi slt, %add3A_65, %lt3A : i32
      %convert_element_type3A_67 = arith.extui %lt3A_66 : i1 to i32
      %cond3A_68 = arith.constant 0 : i32
      %cond3A_69 = arith.cmpi ne, %convert_element_type3A_67, %cond3A_68 : i32
      scf.if %cond3A_69 {
        %add3A_109 = arith.constant 2 : i32
        %add3A_110 = arith.addi %add3A_38, %add3A_109 : i32
        %mul3A_111 = arith.constant 128 : i32
        %mul3A_112 = arith.muli %add3A_110, %mul3A_111 : i32
        %dma_start3A_113 = tpu.memref_slice %arg7[%mul3A_112] : memref<6400xi32, #tpu.memory_space<vmem>> -> memref<128xi32, #tpu.memory_space<vmem>>
        %dma_start3A_114 = arith.constant 0 : i32
        %dma_start3A_115 = arith.constant 0 : i32
        %dma_start3A_116 = tpu.memref_slice %arg4[%dma_start3A_114, %dma_start3A_115] : memref<8100x64xf32, #tpu.memory_space<hbm>> -> memref<8100x64xf32, #tpu.memory_space<hbm>>
        tpu.enqueue_indirect_dma source(%dma_start3A_116 : memref<8100x64xf32, #tpu.memory_space<hbm>>) target(%arg9 : memref<128x64xf32, #tpu.memory_space<vmem>>) offsets(%dma_start3A_113 : memref<128xi32, #tpu.memory_space<vmem>>) semaphore(%arg15 : memref<!tpu.dma_semaphore, #tpu.memory_space<semaphore_mem>>)
        %mul3A_117 = arith.constant 128 : i32
        %mul3A_118 = arith.muli %add3A_110, %mul3A_117 : i32
        %dma_start3A_119 = tpu.memref_slice %arg8[%mul3A_118] : memref<6400xi32, #tpu.memory_space<vmem>> -> memref<128xi32, #tpu.memory_space<vmem>>
        %dma_start3A_120 = arith.constant 0 : i32
        %dma_start3A_121 = arith.constant 0 : i32
        %dma_start3A_122 = tpu.memref_slice %arg5[%dma_start3A_120, %dma_start3A_121] : memref<16200x64xf32, #tpu.memory_space<hbm>> -> memref<16200x64xf32, #tpu.memory_space<hbm>>
        tpu.enqueue_indirect_dma source(%dma_start3A_122 : memref<16200x64xf32, #tpu.memory_space<hbm>>) target(%arg11 : memref<128x64xf32, #tpu.memory_space<vmem>>) offsets(%dma_start3A_119 : memref<128xi32, #tpu.memory_space<vmem>>) semaphore(%arg15 : memref<!tpu.dma_semaphore, #tpu.memory_space<semaphore_mem>>)
      } else {
      }
      %mul3A_70 = arith.constant 2 : i32
      %mul3A_71 = arith.muli %mul3A_70, %scan3A_34 : i32
      %add3A_72 = arith.constant 1 : i32
      %add3A_73 = arith.addi %mul3A_71, %add3A_72 : i32
      %dma_wait3A_74 = arith.constant 0 : i32
      %dma_wait3A_75 = tpu.memref_slice %arg7[%dma_wait3A_74] : memref<6400xi32, #tpu.memory_space<vmem>> -> memref<128xi32, #tpu.memory_space<vmem>>
      %dma_wait3A_76 = arith.constant 0 : i32
      %dma_wait3A_77 = arith.constant 0 : i32
      %dma_wait3A_78 = tpu.memref_slice %arg4[%dma_wait3A_76, %dma_wait3A_77] : memref<8100x64xf32, #tpu.memory_space<hbm>> -> memref<8100x64xf32, #tpu.memory_space<hbm>>
      tpu.wait_indirect_dma semaphore(%arg16 : memref<!tpu.dma_semaphore, #tpu.memory_space<semaphore_mem>>) src(%dma_wait3A_78 : memref<8100x64xf32, #tpu.memory_space<hbm>>) dst(%arg10 : memref<128x64xf32, #tpu.memory_space<vmem>>)
      %dma_wait3A_79 = arith.constant 0 : i32
      %dma_wait3A_80 = tpu.memref_slice %arg7[%dma_wait3A_79] : memref<6400xi32, #tpu.memory_space<vmem>> -> memref<128xi32, #tpu.memory_space<vmem>>
      %dma_wait3A_81 = arith.constant 0 : i32
      %dma_wait3A_82 = arith.constant 0 : i32
      %dma_wait3A_83 = tpu.memref_slice %arg5[%dma_wait3A_81, %dma_wait3A_82] : memref<16200x64xf32, #tpu.memory_space<hbm>> -> memref<16200x64xf32, #tpu.memory_space<hbm>>
      tpu.wait_indirect_dma semaphore(%arg16 : memref<!tpu.dma_semaphore, #tpu.memory_space<semaphore_mem>>) src(%dma_wait3A_83 : memref<16200x64xf32, #tpu.memory_space<hbm>>) dst(%arg12 : memref<128x64xf32, #tpu.memory_space<vmem>>)
      %ge3A_84 = arith.constant 2 : i32
      %ge3A_85 = arith.cmpi sge, %add3A_73, %ge3A_84 : i32
      %convert_element_type3A_86 = arith.extui %ge3A_85 : i1 to i32
      %cond3A_87 = arith.constant 0 : i32
      %cond3A_88 = arith.cmpi ne, %convert_element_type3A_86, %cond3A_87 : i32
      scf.if %cond3A_88 {
        %dma_wait3A_109 = arith.constant 0 : i32
        %dma_wait3A_110 = tpu.memref_slice %arg6[%mul3A_2, %dma_wait3A_109] : memref<204800x64xf32, #tpu.memory_space<hbm>> -> memref<128x64xf32, #tpu.memory_space<hbm>>
        %dma_wait3A_111 = arith.constant 0 : i32
        %dma_wait3A_112 = tpu.memref_slice %arg6[%mul3A_2, %dma_wait3A_111] : memref<204800x64xf32, #tpu.memory_space<hbm>> -> memref<128x64xf32, #tpu.memory_space<hbm>>
        tpu.wait_dma2 semaphore(%arg18 : memref<!tpu.dma_semaphore, #tpu.memory_space<semaphore_mem>>) src(%arg14 : memref<128x64xf32, #tpu.memory_space<vmem>>) dst(%dma_wait3A_112 : memref<128x64xf32, #tpu.memory_space<hbm>>)
      } else {
      }
      %scan3A_89 = arith.constant 0 : i32
      %scan3A_90 = arith.constant 0 : i32
      %scan3A_91 = arith.constant 16 : i32
      %scan3A_92 = arith.addi %scan3A_90, %scan3A_91 : i32
      %scan3A_93 = arith.constant 1 : i32
      scf.for %scan3A_109 = %scan3A_90 to %scan3A_92 step %scan3A_93  : i32 {
        %mul3A_110 = arith.constant 8 : i32
        %mul3A_111 = arith.muli %scan3A_109, %mul3A_110 : i32
        %add3A_112 = arith.constant 0 : i32
        %add3A_113 = arith.addi %mul3A_111, %add3A_112 : i32
        %get3A = arith.index_cast %add3A_113 : i32 to index
        %get3A_114 = arith.constant 0 : index
        %get3A_115 = tpu.vector_load %arg10[%get3A, %get3A_114] {strides = array<i32>} : memref<128x64xf32, #tpu.memory_space<vmem>>, vector<1x16xf32>,
        %get3A_116 = vector.shape_cast %get3A_115 : vector<1x16xf32> to vector<16xf32>
        %add3A_117 = arith.constant 0 : i32
        %add3A_118 = arith.addi %mul3A_111, %add3A_117 : i32
        %get3A_119 = arith.index_cast %add3A_118 : i32 to index
        %get3A_120 = arith.constant 0 : index
        %get3A_121 = tpu.vector_load %arg12[%get3A_119, %get3A_120] {strides = array<i32>} : memref<128x64xf32, #tpu.memory_space<vmem>>, vector<1x16xf32>,
        %get3A_122 = vector.shape_cast %get3A_121 : vector<1x16xf32> to vector<16xf32>
        %add3A_123 = arith.addf %get3A_116, %get3A_122 : vector<16xf32>
        %add3A_124 = arith.constant 0 : i32
        %add3A_125 = arith.addi %mul3A_111, %add3A_124 : i32
        %swap3A = arith.index_cast %add3A_125 : i32 to index
        %swap3A_126 = arith.constant 0 : index
        %swap3A_127 = tpu.vector_load %arg14[%swap3A, %swap3A_126] {strides = array<i32>} : memref<128x64xf32, #tpu.memory_space<vmem>>, vector<1x16xf32>,
        %swap3A_128 = vector.shape_cast %swap3A_127 : vector<1x16xf32> to vector<16xf32>
        %swap3A_129 = vector.shape_cast %add3A_123 : vector<16xf32> to vector<1x16xf32>
        tpu.vector_store %arg14[%swap3A, %swap3A_126], %swap3A_129 {strides = array<i32>} : memref<128x64xf32, #tpu.memory_space<vmem>>, vector<1x16xf32>,
        %add3A_130 = arith.constant 0 : i32
        %add3A_131 = arith.addi %mul3A_111, %add3A_130 : i32
        %get3A_132 = arith.index_cast %add3A_131 : i32 to index
        %get3A_133 = arith.constant 16 : index
        %get3A_134 = tpu.vector_load %arg10[%get3A_132, %get3A_133] {strides = array<i32>} : memref<128x64xf32, #tpu.memory_space<vmem>>, vector<1x16xf32>,
        %get3A_135 = vector.shape_cast %get3A_134 : vector<1x16xf32> to vector<16xf32>
        %add3A_136 = arith.constant 0 : i32
        %add3A_137 = arith.addi %mul3A_111, %add3A_136 : i32
        %get3A_138 = arith.index_cast %add3A_137 : i32 to index
        %get3A_139 = arith.constant 16 : index
        %get3A_140 = tpu.vector_load %arg12[%get3A_138, %get3A_139] {strides = array<i32>} : memref<128x64xf32, #tpu.memory_space<vmem>>, vector<1x16xf32>,
        %get3A_141 = vector.shape_cast %get3A_140 : vector<1x16xf32> to vector<16xf32>
        %add3A_142 = arith.addf %get3A_135, %get3A_141 : vector<16xf32>
        %add3A_143 = arith.constant 0 : i32
        %add3A_144 = arith.addi %mul3A_111, %add3A_143 : i32
        %swap3A_145 = arith.index_cast %add3A_144 : i32 to index
        %swap3A_146 = arith.constant 16 : index
        %swap3A_147 = tpu.vector_load %arg14[%swap3A_145, %swap3A_146] {strides = array<i32>} : memref<128x64xf32, #tpu.memory_space<vmem>>, vector<1x16xf32>,
        %swap3A_148 = vector.shape_cast %swap3A_147 : vector<1x16xf32> to vector<16xf32>
        %swap3A_149 = vector.shape_cast %add3A_142 : vector<16xf32> to vector<1x16xf32>
        tpu.vector_store %arg14[%swap3A_145, %swap3A_146], %swap3A_149 {strides = array<i32>} : memref<128x64xf32, #tpu.memory_space<vmem>>, vector<1x16xf32>,
        %add3A_150 = arith.constant 0 : i32
        %add3A_151 = arith.addi %mul3A_111, %add3A_150 : i32
        %get3A_152 = arith.index_cast %add3A_151 : i32 to index
        %get3A_153 = arith.constant 32 : index
        %get3A_154 = tpu.vector_load %arg10[%get3A_152, %get3A_153] {strides = array<i32>} : memref<128x64xf32, #tpu.memory_space<vmem>>, vector<1x16xf32>,
        %get3A_155 = vector.shape_cast %get3A_154 : vector<1x16xf32> to vector<16xf32>
        %add3A_156 = arith.constant 0 : i32
        %add3A_157 = arith.addi %mul3A_111, %add3A_156 : i32
        %get3A_158 = arith.index_cast %add3A_157 : i32 to index
        %get3A_159 = arith.constant 32 : index
        %get3A_160 = tpu.vector_load %arg12[%get3A_158, %get3A_159] {strides = array<i32>} : memref<128x64xf32, #tpu.memory_space<vmem>>, vector<1x16xf32>,
        %get3A_161 = vector.shape_cast %get3A_160 : vector<1x16xf32> to vector<16xf32>
        %add3A_162 = arith.addf %get3A_155, %get3A_161 : vector<16xf32>
        %add3A_163 = arith.constant 0 : i32
        %add3A_164 = arith.addi %mul3A_111, %add3A_163 : i32
        %swap3A_165 = arith.index_cast %add3A_164 : i32 to index
        %swap3A_166 = arith.constant 32 : index
        %swap3A_167 = tpu.vector_load %arg14[%swap3A_165, %swap3A_166] {strides = array<i32>} : memref<128x64xf32, #tpu.memory_space<vmem>>, vector<1x16xf32>,
        %swap3A_168 = vector.shape_cast %swap3A_167 : vector<1x16xf32> to vector<16xf32>
        %swap3A_169 = vector.shape_cast %add3A_162 : vector<16xf32> to vector<1x16xf32>
        tpu.vector_store %arg14[%swap3A_165, %swap3A_166], %swap3A_169 {strides = array<i32>} : memref<128x64xf32, #tpu.memory_space<vmem>>, vector<1x16xf32>,
        %add3A_170 = arith.constant 0 : i32
        %add3A_171 = arith.addi %mul3A_111, %add3A_170 : i32
        %get3A_172 = arith.index_cast %add3A_171 : i32 to index
        %get3A_173 = arith.constant 48 : index
        %get3A_174 = tpu.vector_load %arg10[%get3A_172, %get3A_173] {strides = array<i32>} : memref<128x64xf32, #tpu.memory_space<vmem>>, vector<1x16xf32>,
        %get3A_175 = vector.shape_cast %get3A_174 : vector<1x16xf32> to vector<16xf32>
        %add3A_176 = arith.constant 0 : i32
        %add3A_177 = arith.addi %mul3A_111, %add3A_176 : i32
        %get3A_178 = arith.index_cast %add3A_177 : i32 to index
        %get3A_179 = arith.constant 48 : index
        %get3A_180 = tpu.vector_load %arg12[%get3A_178, %get3A_179] {strides = array<i32>} : memref<128x64xf32, #tpu.memory_space<vmem>>, vector<1x16xf32>,
        %get3A_181 = vector.shape_cast %get3A_180 : vector<1x16xf32> to vector<16xf32>
        %add3A_182 = arith.addf %get3A_175, %get3A_181 : vector<16xf32>
        %add3A_183 = arith.constant 0 : i32
        %add3A_184 = arith.addi %mul3A_111, %add3A_183 : i32
        %swap3A_185 = arith.index_cast %add3A_184 : i32 to index
        %swap3A_186 = arith.constant 48 : index
        %swap3A_187 = tpu.vector_load %arg14[%swap3A_185, %swap3A_186] {strides = array<i32>} : memref<128x64xf32, #tpu.memory_space<vmem>>, vector<1x16xf32>,
        %swap3A_188 = vector.shape_cast %swap3A_187 : vector<1x16xf32> to vector<16xf32>
        %swap3A_189 = vector.shape_cast %add3A_182 : vector<16xf32> to vector<1x16xf32>
        tpu.vector_store %arg14[%swap3A_185, %swap3A_186], %swap3A_189 {strides = array<i32>} : memref<128x64xf32, #tpu.memory_space<vmem>>, vector<1x16xf32>,
        %add3A_190 = arith.constant 1 : i32
        %add3A_191 = arith.addi %mul3A_111, %add3A_190 : i32
        %get3A_192 = arith.index_cast %add3A_191 : i32 to index
        %get3A_193 = arith.constant 0 : index
        %get3A_194 = tpu.vector_load %arg10[%get3A_192, %get3A_193] {strides = array<i32>} : memref<128x64xf32, #tpu.memory_space<vmem>>, vector<1x16xf32>,
        %get3A_195 = vector.shape_cast %get3A_194 : vector<1x16xf32> to vector<16xf32>
        %add3A_196 = arith.constant 1 : i32
        %add3A_197 = arith.addi %mul3A_111, %add3A_196 : i32
        %get3A_198 = arith.index_cast %add3A_197 : i32 to index
        %get3A_199 = arith.constant 0 : index
        %get3A_200 = tpu.vector_load %arg12[%get3A_198, %get3A_199] {strides = array<i32>} : memref<128x64xf32, #tpu.memory_space<vmem>>, vector<1x16xf32>,
        %get3A_201 = vector.shape_cast %get3A_200 : vector<1x16xf32> to vector<16xf32>
        %add3A_202 = arith.addf %get3A_195, %get3A_201 : vector<16xf32>
        %add3A_203 = arith.constant 1 : i32
        %add3A_204 = arith.addi %mul3A_111, %add3A_203 : i32
        %swap3A_205 = arith.index_cast %add3A_204 : i32 to index
        %swap3A_206 = arith.constant 0 : index
        %swap3A_207 = tpu.vector_load %arg14[%swap3A_205, %swap3A_206] {strides = array<i32>} : memref<128x64xf32, #tpu.memory_space<vmem>>, vector<1x16xf32>,
        %swap3A_208 = vector.shape_cast %swap3A_207 : vector<1x16xf32> to vector<16xf32>
        %swap3A_209 = vector.shape_cast %add3A_202 : vector<16xf32> to vector<1x16xf32>
        tpu.vector_store %arg14[%swap3A_205, %swap3A_206], %swap3A_209 {strides = array<i32>} : memref<128x64xf32, #tpu.memory_space<vmem>>, vector<1x16xf32>,
        %add3A_210 = arith.constant 1 : i32
        %add3A_211 = arith.addi %mul3A_111, %add3A_210 : i32
        %get3A_212 = arith.index_cast %add3A_211 : i32 to index
        %get3A_213 = arith.constant 16 : index
        %get3A_214 = tpu.vector_load %arg10[%get3A_212, %get3A_213] {strides = array<i32>} : memref<128x64xf32, #tpu.memory_space<vmem>>, vector<1x16xf32>,
        %get3A_215 = vector.shape_cast %get3A_214 : vector<1x16xf32> to vector<16xf32>
        %add3A_216 = arith.constant 1 : i32
        %add3A_217 = arith.addi %mul3A_111, %add3A_216 : i32
        %get3A_218 = arith.index_cast %add3A_217 : i32 to index
        %get3A_219 = arith.constant 16 : index
        %get3A_220 = tpu.vector_load %arg12[%get3A_218, %get3A_219] {strides = array<i32>} : memref<128x64xf32, #tpu.memory_space<vmem>>, vector<1x16xf32>,
        %get3A_221 = vector.shape_cast %get3A_220 : vector<1x16xf32> to vector<16xf32>
        %add3A_222 = arith.addf %get3A_215, %get3A_221 : vector<16xf32>
        %add3A_223 = arith.constant 1 : i32
        %add3A_224 = arith.addi %mul3A_111, %add3A_223 : i32
        %swap3A_225 = arith.index_cast %add3A_224 : i32 to index
        %swap3A_226 = arith.constant 16 : index
        %swap3A_227 = tpu.vector_load %arg14[%swap3A_225, %swap3A_226] {strides = array<i32>} : memref<128x64xf32, #tpu.memory_space<vmem>>, vector<1x16xf32>,
        %swap3A_228 = vector.shape_cast %swap3A_227 : vector<1x16xf32> to vector<16xf32>
        %swap3A_229 = vector.shape_cast %add3A_222 : vector<16xf32> to vector<1x16xf32>
        tpu.vector_store %arg14[%swap3A_225, %swap3A_226], %swap3A_229 {strides = array<i32>} : memref<128x64xf32, #tpu.memory_space<vmem>>, vector<1x16xf32>,
        %add3A_230 = arith.constant 1 : i32
        %add3A_231 = arith.addi %mul3A_111, %add3A_230 : i32
        %get3A_232 = arith.index_cast %add3A_231 : i32 to index
        %get3A_233 = arith.constant 32 : index
        %get3A_234 = tpu.vector_load %arg10[%get3A_232, %get3A_233] {strides = array<i32>} : memref<128x64xf32, #tpu.memory_space<vmem>>, vector<1x16xf32>,
        %get3A_235 = vector.shape_cast %get3A_234 : vector<1x16xf32> to vector<16xf32>
        %add3A_236 = arith.constant 1 : i32
        %add3A_237 = arith.addi %mul3A_111, %add3A_236 : i32
        %get3A_238 = arith.index_cast %add3A_237 : i32 to index
        %get3A_239 = arith.constant 32 : index
        %get3A_240 = tpu.vector_load %arg12[%get3A_238, %get3A_239] {strides = array<i32>} : memref<128x64xf32, #tpu.memory_space<vmem>>, vector<1x16xf32>,
        %get3A_241 = vector.shape_cast %get3A_240 : vector<1x16xf32> to vector<16xf32>
        %add3A_242 = arith.addf %get3A_235, %get3A_241 : vector<16xf32>
        %add3A_243 = arith.constant 1 : i32
        %add3A_244 = arith.addi %mul3A_111, %add3A_243 : i32
        %swap3A_245 = arith.index_cast %add3A_244 : i32 to index
        %swap3A_246 = arith.constant 32 : index
        %swap3A_247 = tpu.vector_load %arg14[%swap3A_245, %swap3A_246] {strides = array<i32>} : memref<128x64xf32, #tpu.memory_space<vmem>>, vector<1x16xf32>,
        %swap3A_248 = vector.shape_cast %swap3A_247 : vector<1x16xf32> to vector<16xf32>
        %swap3A_249 = vector.shape_cast %add3A_242 : vector<16xf32> to vector<1x16xf32>
        tpu.vector_store %arg14[%swap3A_245, %swap3A_246], %swap3A_249 {strides = array<i32>} : memref<128x64xf32, #tpu.memory_space<vmem>>, vector<1x16xf32>,
        %add3A_250 = arith.constant 1 : i32
        %add3A_251 = arith.addi %mul3A_111, %add3A_250 : i32
        %get3A_252 = arith.index_cast %add3A_251 : i32 to index
        %get3A_253 = arith.constant 48 : index
        %get3A_254 = tpu.vector_load %arg10[%get3A_252, %get3A_253] {strides = array<i32>} : memref<128x64xf32, #tpu.memory_space<vmem>>, vector<1x16xf32>,
        %get3A_255 = vector.shape_cast %get3A_254 : vector<1x16xf32> to vector<16xf32>
        %add3A_256 = arith.constant 1 : i32
        %add3A_257 = arith.addi %mul3A_111, %add3A_256 : i32
        %get3A_258 = arith.index_cast %add3A_257 : i32 to index
        %get3A_259 = arith.constant 48 : index
        %get3A_260 = tpu.vector_load %arg12[%get3A_258, %get3A_259] {strides = array<i32>} : memref<128x64xf32, #tpu.memory_space<vmem>>, vector<1x16xf32>,
        %get3A_261 = vector.shape_cast %get3A_260 : vector<1x16xf32> to vector<16xf32>
        %add3A_262 = arith.addf %get3A_255, %get3A_261 : vector<16xf32>
        %add3A_263 = arith.constant 1 : i32
        %add3A_264 = arith.addi %mul3A_111, %add3A_263 : i32
        %swap3A_265 = arith.index_cast %add3A_264 : i32 to index
        %swap3A_266 = arith.constant 48 : index
        %swap3A_267 = tpu.vector_load %arg14[%swap3A_265, %swap3A_266] {strides = array<i32>} : memref<128x64xf32, #tpu.memory_space<vmem>>, vector<1x16xf32>,
        %swap3A_268 = vector.shape_cast %swap3A_267 : vector<1x16xf32> to vector<16xf32>
        %swap3A_269 = vector.shape_cast %add3A_262 : vector<16xf32> to vector<1x16xf32>
        tpu.vector_store %arg14[%swap3A_265, %swap3A_266], %swap3A_269 {strides = array<i32>} : memref<128x64xf32, #tpu.memory_space<vmem>>, vector<1x16xf32>,
        %add3A_270 = arith.constant 2 : i32
        %add3A_271 = arith.addi %mul3A_111, %add3A_270 : i32
        %get3A_272 = arith.index_cast %add3A_271 : i32 to index
        %get3A_273 = arith.constant 0 : index
        %get3A_274 = tpu.vector_load %arg10[%get3A_272, %get3A_273] {strides = array<i32>} : memref<128x64xf32, #tpu.memory_space<vmem>>, vector<1x16xf32>,
        %get3A_275 = vector.shape_cast %get3A_274 : vector<1x16xf32> to vector<16xf32>
        %add3A_276 = arith.constant 2 : i32
        %add3A_277 = arith.addi %mul3A_111, %add3A_276 : i32
        %get3A_278 = arith.index_cast %add3A_277 : i32 to index
        %get3A_279 = arith.constant 0 : index
        %get3A_280 = tpu.vector_load %arg12[%get3A_278, %get3A_279] {strides = array<i32>} : memref<128x64xf32, #tpu.memory_space<vmem>>, vector<1x16xf32>,
        %get3A_281 = vector.shape_cast %get3A_280 : vector<1x16xf32> to vector<16xf32>
        %add3A_282 = arith.addf %get3A_275, %get3A_281 : vector<16xf32>
        %add3A_283 = arith.constant 2 : i32
        %add3A_284 = arith.addi %mul3A_111, %add3A_283 : i32
        %swap3A_285 = arith.index_cast %add3A_284 : i32 to index
        %swap3A_286 = arith.constant 0 : index
        %swap3A_287 = tpu.vector_load %arg14[%swap3A_285, %swap3A_286] {strides = array<i32>} : memref<128x64xf32, #tpu.memory_space<vmem>>, vector<1x16xf32>,
        %swap3A_288 = vector.shape_cast %swap3A_287 : vector<1x16xf32> to vector<16xf32>
        %swap3A_289 = vector.shape_cast %add3A_282 : vector<16xf32> to vector<1x16xf32>
        tpu.vector_store %arg14[%swap3A_285, %swap3A_286], %swap3A_289 {strides = array<i32>} : memref<128x64xf32, #tpu.memory_space<vmem>>, vector<1x16xf32>,
        %add3A_290 = arith.constant 2 : i32
        %add3A_291 = arith.addi %mul3A_111, %add3A_290 : i32
        %get3A_292 = arith.index_cast %add3A_291 : i32 to index
        %get3A_293 = arith.constant 16 : index
        %get3A_294 = tpu.vector_load %arg10[%get3A_292, %get3A_293] {strides = array<i32>} : memref<128x64xf32, #tpu.memory_space<vmem>>, vector<1x16xf32>,
        %get3A_295 = vector.shape_cast %get3A_294 : vector<1x16xf32> to vector<16xf32>
        %add3A_296 = arith.constant 2 : i32
        %add3A_297 = arith.addi %mul3A_111, %add3A_296 : i32
        %get3A_298 = arith.index_cast %add3A_297 : i32 to index
        %get3A_299 = arith.constant 16 : index
        %get3A_300 = tpu.vector_load %arg12[%get3A_298, %get3A_299] {strides = array<i32>} : memref<128x64xf32, #tpu.memory_space<vmem>>, vector<1x16xf32>,
        %get3A_301 = vector.shape_cast %get3A_300 : vector<1x16xf32> to vector<16xf32>
        %add3A_302 = arith.addf %get3A_295, %get3A_301 : vector<16xf32>
        %add3A_303 = arith.constant 2 : i32
        %add3A_304 = arith.addi %mul3A_111, %add3A_303 : i32
        %swap3A_305 = arith.index_cast %add3A_304 : i32 to index
        %swap3A_306 = arith.constant 16 : index
        %swap3A_307 = tpu.vector_load %arg14[%swap3A_305, %swap3A_306] {strides = array<i32>} : memref<128x64xf32, #tpu.memory_space<vmem>>, vector<1x16xf32>,
        %swap3A_308 = vector.shape_cast %swap3A_307 : vector<1x16xf32> to vector<16xf32>
        %swap3A_309 = vector.shape_cast %add3A_302 : vector<16xf32> to vector<1x16xf32>
        tpu.vector_store %arg14[%swap3A_305, %swap3A_306], %swap3A_309 {strides = array<i32>} : memref<128x64xf32, #tpu.memory_space<vmem>>, vector<1x16xf32>,
        %add3A_310 = arith.constant 2 : i32
        %add3A_311 = arith.addi %mul3A_111, %add3A_310 : i32
        %get3A_312 = arith.index_cast %add3A_311 : i32 to index
        %get3A_313 = arith.constant 32 : index
        %get3A_314 = tpu.vector_load %arg10[%get3A_312, %get3A_313] {strides = array<i32>} : memref<128x64xf32, #tpu.memory_space<vmem>>, vector<1x16xf32>,
        %get3A_315 = vector.shape_cast %get3A_314 : vector<1x16xf32> to vector<16xf32>
        %add3A_316 = arith.constant 2 : i32
        %add3A_317 = arith.addi %mul3A_111, %add3A_316 : i32
        %get3A_318 = arith.index_cast %add3A_317 : i32 to index
        %get3A_319 = arith.constant 32 : index
        %get3A_320 = tpu.vector_load %arg12[%get3A_318, %get3A_319] {strides = array<i32>} : memref<128x64xf32, #tpu.memory_space<vmem>>, vector<1x16xf32>,
        %get3A_321 = vector.shape_cast %get3A_320 : vector<1x16xf32> to vector<16xf32>
        %add3A_322 = arith.addf %get3A_315, %get3A_321 : vector<16xf32>
        %add3A_323 = arith.constant 2 : i32
        %add3A_324 = arith.addi %mul3A_111, %add3A_323 : i32
        %swap3A_325 = arith.index_cast %add3A_324 : i32 to index
        %swap3A_326 = arith.constant 32 : index
        %swap3A_327 = tpu.vector_load %arg14[%swap3A_325, %swap3A_326] {strides = array<i32>} : memref<128x64xf32, #tpu.memory_space<vmem>>, vector<1x16xf32>,
        %swap3A_328 = vector.shape_cast %swap3A_327 : vector<1x16xf32> to vector<16xf32>
        %swap3A_329 = vector.shape_cast %add3A_322 : vector<16xf32> to vector<1x16xf32>
        tpu.vector_store %arg14[%swap3A_325, %swap3A_326], %swap3A_329 {strides = array<i32>} : memref<128x64xf32, #tpu.memory_space<vmem>>, vector<1x16xf32>,
        %add3A_330 = arith.constant 2 : i32
        %add3A_331 = arith.addi %mul3A_111, %add3A_330 : i32
        %get3A_332 = arith.index_cast %add3A_331 : i32 to index
        %get3A_333 = arith.constant 48 : index
        %get3A_334 = tpu.vector_load %arg10[%get3A_332, %get3A_333] {strides = array<i32>} : memref<128x64xf32, #tpu.memory_space<vmem>>, vector<1x16xf32>,
        %get3A_335 = vector.shape_cast %get3A_334 : vector<1x16xf32> to vector<16xf32>
        %add3A_336 = arith.constant 2 : i32
        %add3A_337 = arith.addi %mul3A_111, %add3A_336 : i32
        %get3A_338 = arith.index_cast %add3A_337 : i32 to index
        %get3A_339 = arith.constant 48 : index
        %get3A_340 = tpu.vector_load %arg12[%get3A_338, %get3A_339] {strides = array<i32>} : memref<128x64xf32, #tpu.memory_space<vmem>>, vector<1x16xf32>,
        %get3A_341 = vector.shape_cast %get3A_340 : vector<1x16xf32> to vector<16xf32>
        %add3A_342 = arith.addf %get3A_335, %get3A_341 : vector<16xf32>
        %add3A_343 = arith.constant 2 : i32
        %add3A_344 = arith.addi %mul3A_111, %add3A_343 : i32
        %swap3A_345 = arith.index_cast %add3A_344 : i32 to index
        %swap3A_346 = arith.constant 48 : index
        %swap3A_347 = tpu.vector_load %arg14[%swap3A_345, %swap3A_346] {strides = array<i32>} : memref<128x64xf32, #tpu.memory_space<vmem>>, vector<1x16xf32>,
        %swap3A_348 = vector.shape_cast %swap3A_347 : vector<1x16xf32> to vector<16xf32>
        %swap3A_349 = vector.shape_cast %add3A_342 : vector<16xf32> to vector<1x16xf32>
        tpu.vector_store %arg14[%swap3A_345, %swap3A_346], %swap3A_349 {strides = array<i32>} : memref<128x64xf32, #tpu.memory_space<vmem>>, vector<1x16xf32>,
        %add3A_350 = arith.constant 3 : i32
        %add3A_351 = arith.addi %mul3A_111, %add3A_350 : i32
        %get3A_352 = arith.index_cast %add3A_351 : i32 to index
        %get3A_353 = arith.constant 0 : index
        %get3A_354 = tpu.vector_load %arg10[%get3A_352, %get3A_353] {strides = array<i32>} : memref<128x64xf32, #tpu.memory_space<vmem>>, vector<1x16xf32>,
        %get3A_355 = vector.shape_cast %get3A_354 : vector<1x16xf32> to vector<16xf32>
        %add3A_356 = arith.constant 3 : i32
        %add3A_357 = arith.addi %mul3A_111, %add3A_356 : i32
        %get3A_358 = arith.index_cast %add3A_357 : i32 to index
        %get3A_359 = arith.constant 0 : index
        %get3A_360 = tpu.vector_load %arg12[%get3A_358, %get3A_359] {strides = array<i32>} : memref<128x64xf32, #tpu.memory_space<vmem>>, vector<1x16xf32>,
        %get3A_361 = vector.shape_cast %get3A_360 : vector<1x16xf32> to vector<16xf32>
        %add3A_362 = arith.addf %get3A_355, %get3A_361 : vector<16xf32>
        %add3A_363 = arith.constant 3 : i32
        %add3A_364 = arith.addi %mul3A_111, %add3A_363 : i32
        %swap3A_365 = arith.index_cast %add3A_364 : i32 to index
        %swap3A_366 = arith.constant 0 : index
        %swap3A_367 = tpu.vector_load %arg14[%swap3A_365, %swap3A_366] {strides = array<i32>} : memref<128x64xf32, #tpu.memory_space<vmem>>, vector<1x16xf32>,
        %swap3A_368 = vector.shape_cast %swap3A_367 : vector<1x16xf32> to vector<16xf32>
        %swap3A_369 = vector.shape_cast %add3A_362 : vector<16xf32> to vector<1x16xf32>
        tpu.vector_store %arg14[%swap3A_365, %swap3A_366], %swap3A_369 {strides = array<i32>} : memref<128x64xf32, #tpu.memory_space<vmem>>, vector<1x16xf32>,
        %add3A_370 = arith.constant 3 : i32
        %add3A_371 = arith.addi %mul3A_111, %add3A_370 : i32
        %get3A_372 = arith.index_cast %add3A_371 : i32 to index
        %get3A_373 = arith.constant 16 : index
        %get3A_374 = tpu.vector_load %arg10[%get3A_372, %get3A_373] {strides = array<i32>} : memref<128x64xf32, #tpu.memory_space<vmem>>, vector<1x16xf32>,
        %get3A_375 = vector.shape_cast %get3A_374 : vector<1x16xf32> to vector<16xf32>
        %add3A_376 = arith.constant 3 : i32
        %add3A_377 = arith.addi %mul3A_111, %add3A_376 : i32
        %get3A_378 = arith.index_cast %add3A_377 : i32 to index
        %get3A_379 = arith.constant 16 : index
        %get3A_380 = tpu.vector_load %arg12[%get3A_378, %get3A_379] {strides = array<i32>} : memref<128x64xf32, #tpu.memory_space<vmem>>, vector<1x16xf32>,
        %get3A_381 = vector.shape_cast %get3A_380 : vector<1x16xf32> to vector<16xf32>
        %add3A_382 = arith.addf %get3A_375, %get3A_381 : vector<16xf32>
        %add3A_383 = arith.constant 3 : i32
        %add3A_384 = arith.addi %mul3A_111, %add3A_383 : i32
        %swap3A_385 = arith.index_cast %add3A_384 : i32 to index
        %swap3A_386 = arith.constant 16 : index
        %swap3A_387 = tpu.vector_load %arg14[%swap3A_385, %swap3A_386] {strides = array<i32>} : memref<128x64xf32, #tpu.memory_space<vmem>>, vector<1x16xf32>,
        %swap3A_388 = vector.shape_cast %swap3A_387 : vector<1x16xf32> to vector<16xf32>
        %swap3A_389 = vector.shape_cast %add3A_382 : vector<16xf32> to vector<1x16xf32>
        tpu.vector_store %arg14[%swap3A_385, %swap3A_386], %swap3A_389 {strides = array<i32>} : memref<128x64xf32, #tpu.memory_space<vmem>>, vector<1x16xf32>,
        %add3A_390 = arith.constant 3 : i32
        %add3A_391 = arith.addi %mul3A_111, %add3A_390 : i32
        %get3A_392 = arith.index_cast %add3A_391 : i32 to index
        %get3A_393 = arith.constant 32 : index
        %get3A_394 = tpu.vector_load %arg10[%get3A_392, %get3A_393] {strides = array<i32>} : memref<128x64xf32, #tpu.memory_space<vmem>>, vector<1x16xf32>,
        %get3A_395 = vector.shape_cast %get3A_394 : vector<1x16xf32> to vector<16xf32>
        %add3A_396 = arith.constant 3 : i32
        %add3A_397 = arith.addi %mul3A_111, %add3A_396 : i32
        %get3A_398 = arith.index_cast %add3A_397 : i32 to index
        %get3A_399 = arith.constant 32 : index
        %get3A_400 = tpu.vector_load %arg12[%get3A_398, %get3A_399] {strides = array<i32>} : memref<128x64xf32, #tpu.memory_space<vmem>>, vector<1x16xf32>,
        %get3A_401 = vector.shape_cast %get3A_400 : vector<1x16xf32> to vector<16xf32>
        %add3A_402 = arith.addf %get3A_395, %get3A_401 : vector<16xf32>
        %add3A_403 = arith.constant 3 : i32
        %add3A_404 = arith.addi %mul3A_111, %add3A_403 : i32
        %swap3A_405 = arith.index_cast %add3A_404 : i32 to index
        %swap3A_406 = arith.constant 32 : index
        %swap3A_407 = tpu.vector_load %arg14[%swap3A_405, %swap3A_406] {strides = array<i32>} : memref<128x64xf32, #tpu.memory_space<vmem>>, vector<1x16xf32>,
        %swap3A_408 = vector.shape_cast %swap3A_407 : vector<1x16xf32> to vector<16xf32>
        %swap3A_409 = vector.shape_cast %add3A_402 : vector<16xf32> to vector<1x16xf32>
        tpu.vector_store %arg14[%swap3A_405, %swap3A_406], %swap3A_409 {strides = array<i32>} : memref<128x64xf32, #tpu.memory_space<vmem>>, vector<1x16xf32>,
        %add3A_410 = arith.constant 3 : i32
        %add3A_411 = arith.addi %mul3A_111, %add3A_410 : i32
        %get3A_412 = arith.index_cast %add3A_411 : i32 to index
        %get3A_413 = arith.constant 48 : index
        %get3A_414 = tpu.vector_load %arg10[%get3A_412, %get3A_413] {strides = array<i32>} : memref<128x64xf32, #tpu.memory_space<vmem>>, vector<1x16xf32>,
        %get3A_415 = vector.shape_cast %get3A_414 : vector<1x16xf32> to vector<16xf32>
        %add3A_416 = arith.constant 3 : i32
        %add3A_417 = arith.addi %mul3A_111, %add3A_416 : i32
        %get3A_418 = arith.index_cast %add3A_417 : i32 to index
        %get3A_419 = arith.constant 48 : index
        %get3A_420 = tpu.vector_load %arg12[%get3A_418, %get3A_419] {strides = array<i32>} : memref<128x64xf32, #tpu.memory_space<vmem>>, vector<1x16xf32>,
        %get3A_421 = vector.shape_cast %get3A_420 : vector<1x16xf32> to vector<16xf32>
        %add3A_422 = arith.addf %get3A_415, %get3A_421 : vector<16xf32>
        %add3A_423 = arith.constant 3 : i32
        %add3A_424 = arith.addi %mul3A_111, %add3A_423 : i32
        %swap3A_425 = arith.index_cast %add3A_424 : i32 to index
        %swap3A_426 = arith.constant 48 : index
        %swap3A_427 = tpu.vector_load %arg14[%swap3A_425, %swap3A_426] {strides = array<i32>} : memref<128x64xf32, #tpu.memory_space<vmem>>, vector<1x16xf32>,
        %swap3A_428 = vector.shape_cast %swap3A_427 : vector<1x16xf32> to vector<16xf32>
        %swap3A_429 = vector.shape_cast %add3A_422 : vector<16xf32> to vector<1x16xf32>
        tpu.vector_store %arg14[%swap3A_425, %swap3A_426], %swap3A_429 {strides = array<i32>} : memref<128x64xf32, #tpu.memory_space<vmem>>, vector<1x16xf32>,
        %add3A_430 = arith.constant 4 : i32
        %add3A_431 = arith.addi %mul3A_111, %add3A_430 : i32
        %get3A_432 = arith.index_cast %add3A_431 : i32 to index
        %get3A_433 = arith.constant 0 : index
        %get3A_434 = tpu.vector_load %arg10[%get3A_432, %get3A_433] {strides = array<i32>} : memref<128x64xf32, #tpu.memory_space<vmem>>, vector<1x16xf32>,
        %get3A_435 = vector.shape_cast %get3A_434 : vector<1x16xf32> to vector<16xf32>
        %add3A_436 = arith.constant 4 : i32
        %add3A_437 = arith.addi %mul3A_111, %add3A_436 : i32
        %get3A_438 = arith.index_cast %add3A_437 : i32 to index
        %get3A_439 = arith.constant 0 : index
        %get3A_440 = tpu.vector_load %arg12[%get3A_438, %get3A_439] {strides = array<i32>} : memref<128x64xf32, #tpu.memory_space<vmem>>, vector<1x16xf32>,
        %get3A_441 = vector.shape_cast %get3A_440 : vector<1x16xf32> to vector<16xf32>
        %add3A_442 = arith.addf %get3A_435, %get3A_441 : vector<16xf32>
        %add3A_443 = arith.constant 4 : i32
        %add3A_444 = arith.addi %mul3A_111, %add3A_443 : i32
        %swap3A_445 = arith.index_cast %add3A_444 : i32 to index
        %swap3A_446 = arith.constant 0 : index
        %swap3A_447 = tpu.vector_load %arg14[%swap3A_445, %swap3A_446] {strides = array<i32>} : memref<128x64xf32, #tpu.memory_space<vmem>>, vector<1x16xf32>,
        %swap3A_448 = vector.shape_cast %swap3A_447 : vector<1x16xf32> to vector<16xf32>
        %swap3A_449 = vector.shape_cast %add3A_442 : vector<16xf32> to vector<1x16xf32>
        tpu.vector_store %arg14[%swap3A_445, %swap3A_446], %swap3A_449 {strides = array<i32>} : memref<128x64xf32, #tpu.memory_space<vmem>>, vector<1x16xf32>,
        %add3A_450 = arith.constant 4 : i32
        %add3A_451 = arith.addi %mul3A_111, %add3A_450 : i32
        %get3A_452 = arith.index_cast %add3A_451 : i32 to index
        %get3A_453 = arith.constant 16 : index
        %get3A_454 = tpu.vector_load %arg10[%get3A_452, %get3A_453] {strides = array<i32>} : memref<128x64xf32, #tpu.memory_space<vmem>>, vector<1x16xf32>,
        %get3A_455 = vector.shape_cast %get3A_454 : vector<1x16xf32> to vector<16xf32>
        %add3A_456 = arith.constant 4 : i32
        %add3A_457 = arith.addi %mul3A_111, %add3A_456 : i32
        %get3A_458 = arith.index_cast %add3A_457 : i32 to index
        %get3A_459 = arith.constant 16 : index
        %get3A_460 = tpu.vector_load %arg12[%get3A_458, %get3A_459] {strides = array<i32>} : memref<128x64xf32, #tpu.memory_space<vmem>>, vector<1x16xf32>,
        %get3A_461 = vector.shape_cast %get3A_460 : vector<1x16xf32> to vector<16xf32>
        %add3A_462 = arith.addf %get3A_455, %get3A_461 : vector<16xf32>
        %add3A_463 = arith.constant 4 : i32
        %add3A_464 = arith.addi %mul3A_111, %add3A_463 : i32
        %swap3A_465 = arith.index_cast %add3A_464 : i32 to index
        %swap3A_466 = arith.constant 16 : index
        %swap3A_467 = tpu.vector_load %arg14[%swap3A_465, %swap3A_466] {strides = array<i32>} : memref<128x64xf32, #tpu.memory_space<vmem>>, vector<1x16xf32>,
        %swap3A_468 = vector.shape_cast %swap3A_467 : vector<1x16xf32> to vector<16xf32>
        %swap3A_469 = vector.shape_cast %add3A_462 : vector<16xf32> to vector<1x16xf32>
        tpu.vector_store %arg14[%swap3A_465, %swap3A_466], %swap3A_469 {strides = array<i32>} : memref<128x64xf32, #tpu.memory_space<vmem>>, vector<1x16xf32>,
        %add3A_470 = arith.constant 4 : i32
        %add3A_471 = arith.addi %mul3A_111, %add3A_470 : i32
        %get3A_472 = arith.index_cast %add3A_471 : i32 to index
        %get3A_473 = arith.constant 32 : index
        %get3A_474 = tpu.vector_load %arg10[%get3A_472, %get3A_473] {strides = array<i32>} : memref<128x64xf32, #tpu.memory_space<vmem>>, vector<1x16xf32>,
        %get3A_475 = vector.shape_cast %get3A_474 : vector<1x16xf32> to vector<16xf32>
        %add3A_476 = arith.constant 4 : i32
        %add3A_477 = arith.addi %mul3A_111, %add3A_476 : i32
        %get3A_478 = arith.index_cast %add3A_477 : i32 to index
        %get3A_479 = arith.constant 32 : index
        %get3A_480 = tpu.vector_load %arg12[%get3A_478, %get3A_479] {strides = array<i32>} : memref<128x64xf32, #tpu.memory_space<vmem>>, vector<1x16xf32>,
        %get3A_481 = vector.shape_cast %get3A_480 : vector<1x16xf32> to vector<16xf32>
        %add3A_482 = arith.addf %get3A_475, %get3A_481 : vector<16xf32>
        %add3A_483 = arith.constant 4 : i32
        %add3A_484 = arith.addi %mul3A_111, %add3A_483 : i32
        %swap3A_485 = arith.index_cast %add3A_484 : i32 to index
        %swap3A_486 = arith.constant 32 : index
        %swap3A_487 = tpu.vector_load %arg14[%swap3A_485, %swap3A_486] {strides = array<i32>} : memref<128x64xf32, #tpu.memory_space<vmem>>, vector<1x16xf32>,
        %swap3A_488 = vector.shape_cast %swap3A_487 : vector<1x16xf32> to vector<16xf32>
        %swap3A_489 = vector.shape_cast %add3A_482 : vector<16xf32> to vector<1x16xf32>
        tpu.vector_store %arg14[%swap3A_485, %swap3A_486], %swap3A_489 {strides = array<i32>} : memref<128x64xf32, #tpu.memory_space<vmem>>, vector<1x16xf32>,
        %add3A_490 = arith.constant 4 : i32
        %add3A_491 = arith.addi %mul3A_111, %add3A_490 : i32
        %get3A_492 = arith.index_cast %add3A_491 : i32 to index
        %get3A_493 = arith.constant 48 : index
        %get3A_494 = tpu.vector_load %arg10[%get3A_492, %get3A_493] {strides = array<i32>} : memref<128x64xf32, #tpu.memory_space<vmem>>, vector<1x16xf32>,
        %get3A_495 = vector.shape_cast %get3A_494 : vector<1x16xf32> to vector<16xf32>
        %add3A_496 = arith.constant 4 : i32
        %add3A_497 = arith.addi %mul3A_111, %add3A_496 : i32
        %get3A_498 = arith.index_cast %add3A_497 : i32 to index
        %get3A_499 = arith.constant 48 : index
        %get3A_500 = tpu.vector_load %arg12[%get3A_498, %get3A_499] {strides = array<i32>} : memref<128x64xf32, #tpu.memory_space<vmem>>, vector<1x16xf32>,
        %get3A_501 = vector.shape_cast %get3A_500 : vector<1x16xf32> to vector<16xf32>
        %add3A_502 = arith.addf %get3A_495, %get3A_501 : vector<16xf32>
        %add3A_503 = arith.constant 4 : i32
        %add3A_504 = arith.addi %mul3A_111, %add3A_503 : i32
        %swap3A_505 = arith.index_cast %add3A_504 : i32 to index
        %swap3A_506 = arith.constant 48 : index
        %swap3A_507 = tpu.vector_load %arg14[%swap3A_505, %swap3A_506] {strides = array<i32>} : memref<128x64xf32, #tpu.memory_space<vmem>>, vector<1x16xf32>,
        %swap3A_508 = vector.shape_cast %swap3A_507 : vector<1x16xf32> to vector<16xf32>
        %swap3A_509 = vector.shape_cast %add3A_502 : vector<16xf32> to vector<1x16xf32>
        tpu.vector_store %arg14[%swap3A_505, %swap3A_506], %swap3A_509 {strides = array<i32>} : memref<128x64xf32, #tpu.memory_space<vmem>>, vector<1x16xf32>,
        %add3A_510 = arith.constant 5 : i32
        %add3A_511 = arith.addi %mul3A_111, %add3A_510 : i32
        %get3A_512 = arith.index_cast %add3A_511 : i32 to index
        %get3A_513 = arith.constant 0 : index
        %get3A_514 = tpu.vector_load %arg10[%get3A_512, %get3A_513] {strides = array<i32>} : memref<128x64xf32, #tpu.memory_space<vmem>>, vector<1x16xf32>,
        %get3A_515 = vector.shape_cast %get3A_514 : vector<1x16xf32> to vector<16xf32>
        %add3A_516 = arith.constant 5 : i32
        %add3A_517 = arith.addi %mul3A_111, %add3A_516 : i32
        %get3A_518 = arith.index_cast %add3A_517 : i32 to index
        %get3A_519 = arith.constant 0 : index
        %get3A_520 = tpu.vector_load %arg12[%get3A_518, %get3A_519] {strides = array<i32>} : memref<128x64xf32, #tpu.memory_space<vmem>>, vector<1x16xf32>,
        %get3A_521 = vector.shape_cast %get3A_520 : vector<1x16xf32> to vector<16xf32>
        %add3A_522 = arith.addf %get3A_515, %get3A_521 : vector<16xf32>
        %add3A_523 = arith.constant 5 : i32
        %add3A_524 = arith.addi %mul3A_111, %add3A_523 : i32
        %swap3A_525 = arith.index_cast %add3A_524 : i32 to index
        %swap3A_526 = arith.constant 0 : index
        %swap3A_527 = tpu.vector_load %arg14[%swap3A_525, %swap3A_526] {strides = array<i32>} : memref<128x64xf32, #tpu.memory_space<vmem>>, vector<1x16xf32>,
        %swap3A_528 = vector.shape_cast %swap3A_527 : vector<1x16xf32> to vector<16xf32>
        %swap3A_529 = vector.shape_cast %add3A_522 : vector<16xf32> to vector<1x16xf32>
        tpu.vector_store %arg14[%swap3A_525, %swap3A_526], %swap3A_529 {strides = array<i32>} : memref<128x64xf32, #tpu.memory_space<vmem>>, vector<1x16xf32>,
        %add3A_530 = arith.constant 5 : i32
        %add3A_531 = arith.addi %mul3A_111, %add3A_530 : i32
        %get3A_532 = arith.index_cast %add3A_531 : i32 to index
        %get3A_533 = arith.constant 16 : index
        %get3A_534 = tpu.vector_load %arg10[%get3A_532, %get3A_533] {strides = array<i32>} : memref<128x64xf32, #tpu.memory_space<vmem>>, vector<1x16xf32>,
        %get3A_535 = vector.shape_cast %get3A_534 : vector<1x16xf32> to vector<16xf32>
        %add3A_536 = arith.constant 5 : i32
        %add3A_537 = arith.addi %mul3A_111, %add3A_536 : i32
        %get3A_538 = arith.index_cast %add3A_537 : i32 to index
        %get3A_539 = arith.constant 16 : index
        %get3A_540 = tpu.vector_load %arg12[%get3A_538, %get3A_539] {strides = array<i32>} : memref<128x64xf32, #tpu.memory_space<vmem>>, vector<1x16xf32>,
        %get3A_541 = vector.shape_cast %get3A_540 : vector<1x16xf32> to vector<16xf32>
        %add3A_542 = arith.addf %get3A_535, %get3A_541 : vector<16xf32>
        %add3A_543 = arith.constant 5 : i32
        %add3A_544 = arith.addi %mul3A_111, %add3A_543 : i32
        %swap3A_545 = arith.index_cast %add3A_544 : i32 to index
        %swap3A_546 = arith.constant 16 : index
        %swap3A_547 = tpu.vector_load %arg14[%swap3A_545, %swap3A_546] {strides = array<i32>} : memref<128x64xf32, #tpu.memory_space<vmem>>, vector<1x16xf32>,
        %swap3A_548 = vector.shape_cast %swap3A_547 : vector<1x16xf32> to vector<16xf32>
        %swap3A_549 = vector.shape_cast %add3A_542 : vector<16xf32> to vector<1x16xf32>
        tpu.vector_store %arg14[%swap3A_545, %swap3A_546], %swap3A_549 {strides = array<i32>} : memref<128x64xf32, #tpu.memory_space<vmem>>, vector<1x16xf32>,
        %add3A_550 = arith.constant 5 : i32
        %add3A_551 = arith.addi %mul3A_111, %add3A_550 : i32
        %get3A_552 = arith.index_cast %add3A_551 : i32 to index
        %get3A_553 = arith.constant 32 : index
        %get3A_554 = tpu.vector_load %arg10[%get3A_552, %get3A_553] {strides = array<i32>} : memref<128x64xf32, #tpu.memory_space<vmem>>, vector<1x16xf32>,
        %get3A_555 = vector.shape_cast %get3A_554 : vector<1x16xf32> to vector<16xf32>
        %add3A_556 = arith.constant 5 : i32
        %add3A_557 = arith.addi %mul3A_111, %add3A_556 : i32
        %get3A_558 = arith.index_cast %add3A_557 : i32 to index
        %get3A_559 = arith.constant 32 : index
        %get3A_560 = tpu.vector_load %arg12[%get3A_558, %get3A_559] {strides = array<i32>} : memref<128x64xf32, #tpu.memory_space<vmem>>, vector<1x16xf32>,
        %get3A_561 = vector.shape_cast %get3A_560 : vector<1x16xf32> to vector<16xf32>
        %add3A_562 = arith.addf %get3A_555, %get3A_561 : vector<16xf32>
        %add3A_563 = arith.constant 5 : i32
        %add3A_564 = arith.addi %mul3A_111, %add3A_563 : i32
        %swap3A_565 = arith.index_cast %add3A_564 : i32 to index
        %swap3A_566 = arith.constant 32 : index
        %swap3A_567 = tpu.vector_load %arg14[%swap3A_565, %swap3A_566] {strides = array<i32>} : memref<128x64xf32, #tpu.memory_space<vmem>>, vector<1x16xf32>,
        %swap3A_568 = vector.shape_cast %swap3A_567 : vector<1x16xf32> to vector<16xf32>
        %swap3A_569 = vector.shape_cast %add3A_562 : vector<16xf32> to vector<1x16xf32>
        tpu.vector_store %arg14[%swap3A_565, %swap3A_566], %swap3A_569 {strides = array<i32>} : memref<128x64xf32, #tpu.memory_space<vmem>>, vector<1x16xf32>,
        %add3A_570 = arith.constant 5 : i32
        %add3A_571 = arith.addi %mul3A_111, %add3A_570 : i32
        %get3A_572 = arith.index_cast %add3A_571 : i32 to index
        %get3A_573 = arith.constant 48 : index
        %get3A_574 = tpu.vector_load %arg10[%get3A_572, %get3A_573] {strides = array<i32>} : memref<128x64xf32, #tpu.memory_space<vmem>>, vector<1x16xf32>,
        %get3A_575 = vector.shape_cast %get3A_574 : vector<1x16xf32> to vector<16xf32>
        %add3A_576 = arith.constant 5 : i32
        %add3A_577 = arith.addi %mul3A_111, %add3A_576 : i32
        %get3A_578 = arith.index_cast %add3A_577 : i32 to index
        %get3A_579 = arith.constant 48 : index
        %get3A_580 = tpu.vector_load %arg12[%get3A_578, %get3A_579] {strides = array<i32>} : memref<128x64xf32, #tpu.memory_space<vmem>>, vector<1x16xf32>,
        %get3A_581 = vector.shape_cast %get3A_580 : vector<1x16xf32> to vector<16xf32>
        %add3A_582 = arith.addf %get3A_575, %get3A_581 : vector<16xf32>
        %add3A_583 = arith.constant 5 : i32
        %add3A_584 = arith.addi %mul3A_111, %add3A_583 : i32
        %swap3A_585 = arith.index_cast %add3A_584 : i32 to index
        %swap3A_586 = arith.constant 48 : index
        %swap3A_587 = tpu.vector_load %arg14[%swap3A_585, %swap3A_586] {strides = array<i32>} : memref<128x64xf32, #tpu.memory_space<vmem>>, vector<1x16xf32>,
        %swap3A_588 = vector.shape_cast %swap3A_587 : vector<1x16xf32> to vector<16xf32>
        %swap3A_589 = vector.shape_cast %add3A_582 : vector<16xf32> to vector<1x16xf32>
        tpu.vector_store %arg14[%swap3A_585, %swap3A_586], %swap3A_589 {strides = array<i32>} : memref<128x64xf32, #tpu.memory_space<vmem>>, vector<1x16xf32>,
        %add3A_590 = arith.constant 6 : i32
        %add3A_591 = arith.addi %mul3A_111, %add3A_590 : i32
        %get3A_592 = arith.index_cast %add3A_591 : i32 to index
        %get3A_593 = arith.constant 0 : index
        %get3A_594 = tpu.vector_load %arg10[%get3A_592, %get3A_593] {strides = array<i32>} : memref<128x64xf32, #tpu.memory_space<vmem>>, vector<1x16xf32>,
        %get3A_595 = vector.shape_cast %get3A_594 : vector<1x16xf32> to vector<16xf32>
        %add3A_596 = arith.constant 6 : i32
        %add3A_597 = arith.addi %mul3A_111, %add3A_596 : i32
        %get3A_598 = arith.index_cast %add3A_597 : i32 to index
        %get3A_599 = arith.constant 0 : index
        %get3A_600 = tpu.vector_load %arg12[%get3A_598, %get3A_599] {strides = array<i32>} : memref<128x64xf32, #tpu.memory_space<vmem>>, vector<1x16xf32>,
        %get3A_601 = vector.shape_cast %get3A_600 : vector<1x16xf32> to vector<16xf32>
        %add3A_602 = arith.addf %get3A_595, %get3A_601 : vector<16xf32>
        %add3A_603 = arith.constant 6 : i32
        %add3A_604 = arith.addi %mul3A_111, %add3A_603 : i32
        %swap3A_605 = arith.index_cast %add3A_604 : i32 to index
        %swap3A_606 = arith.constant 0 : index
        %swap3A_607 = tpu.vector_load %arg14[%swap3A_605, %swap3A_606] {strides = array<i32>} : memref<128x64xf32, #tpu.memory_space<vmem>>, vector<1x16xf32>,
        %swap3A_608 = vector.shape_cast %swap3A_607 : vector<1x16xf32> to vector<16xf32>
        %swap3A_609 = vector.shape_cast %add3A_602 : vector<16xf32> to vector<1x16xf32>
        tpu.vector_store %arg14[%swap3A_605, %swap3A_606], %swap3A_609 {strides = array<i32>} : memref<128x64xf32, #tpu.memory_space<vmem>>, vector<1x16xf32>,
        %add3A_610 = arith.constant 6 : i32
        %add3A_611 = arith.addi %mul3A_111, %add3A_610 : i32
        %get3A_612 = arith.index_cast %add3A_611 : i32 to index
        %get3A_613 = arith.constant 16 : index
        %get3A_614 = tpu.vector_load %arg10[%get3A_612, %get3A_613] {strides = array<i32>} : memref<128x64xf32, #tpu.memory_space<vmem>>, vector<1x16xf32>,
        %get3A_615 = vector.shape_cast %get3A_614 : vector<1x16xf32> to vector<16xf32>
        %add3A_616 = arith.constant 6 : i32
        %add3A_617 = arith.addi %mul3A_111, %add3A_616 : i32
        %get3A_618 = arith.index_cast %add3A_617 : i32 to index
        %get3A_619 = arith.constant 16 : index
        %get3A_620 = tpu.vector_load %arg12[%get3A_618, %get3A_619] {strides = array<i32>} : memref<128x64xf32, #tpu.memory_space<vmem>>, vector<1x16xf32>,
        %get3A_621 = vector.shape_cast %get3A_620 : vector<1x16xf32> to vector<16xf32>
        %add3A_622 = arith.addf %get3A_615, %get3A_621 : vector<16xf32>
        %add3A_623 = arith.constant 6 : i32
        %add3A_624 = arith.addi %mul3A_111, %add3A_623 : i32
        %swap3A_625 = arith.index_cast %add3A_624 : i32 to index
        %swap3A_626 = arith.constant 16 : index
        %swap3A_627 = tpu.vector_load %arg14[%swap3A_625, %swap3A_626] {strides = array<i32>} : memref<128x64xf32, #tpu.memory_space<vmem>>, vector<1x16xf32>,
        %swap3A_628 = vector.shape_cast %swap3A_627 : vector<1x16xf32> to vector<16xf32>
        %swap3A_629 = vector.shape_cast %add3A_622 : vector<16xf32> to vector<1x16xf32>
        tpu.vector_store %arg14[%swap3A_625, %swap3A_626], %swap3A_629 {strides = array<i32>} : memref<128x64xf32, #tpu.memory_space<vmem>>, vector<1x16xf32>,
        %add3A_630 = arith.constant 6 : i32
        %add3A_631 = arith.addi %mul3A_111, %add3A_630 : i32
        %get3A_632 = arith.index_cast %add3A_631 : i32 to index
        %get3A_633 = arith.constant 32 : index
        %get3A_634 = tpu.vector_load %arg10[%get3A_632, %get3A_633] {strides = array<i32>} : memref<128x64xf32, #tpu.memory_space<vmem>>, vector<1x16xf32>,
        %get3A_635 = vector.shape_cast %get3A_634 : vector<1x16xf32> to vector<16xf32>
        %add3A_636 = arith.constant 6 : i32
        %add3A_637 = arith.addi %mul3A_111, %add3A_636 : i32
        %get3A_638 = arith.index_cast %add3A_637 : i32 to index
        %get3A_639 = arith.constant 32 : index
        %get3A_640 = tpu.vector_load %arg12[%get3A_638, %get3A_639] {strides = array<i32>} : memref<128x64xf32, #tpu.memory_space<vmem>>, vector<1x16xf32>,
        %get3A_641 = vector.shape_cast %get3A_640 : vector<1x16xf32> to vector<16xf32>
        %add3A_642 = arith.addf %get3A_635, %get3A_641 : vector<16xf32>
        %add3A_643 = arith.constant 6 : i32
        %add3A_644 = arith.addi %mul3A_111, %add3A_643 : i32
        %swap3A_645 = arith.index_cast %add3A_644 : i32 to index
        %swap3A_646 = arith.constant 32 : index
        %swap3A_647 = tpu.vector_load %arg14[%swap3A_645, %swap3A_646] {strides = array<i32>} : memref<128x64xf32, #tpu.memory_space<vmem>>, vector<1x16xf32>,
        %swap3A_648 = vector.shape_cast %swap3A_647 : vector<1x16xf32> to vector<16xf32>
        %swap3A_649 = vector.shape_cast %add3A_642 : vector<16xf32> to vector<1x16xf32>
        tpu.vector_store %arg14[%swap3A_645, %swap3A_646], %swap3A_649 {strides = array<i32>} : memref<128x64xf32, #tpu.memory_space<vmem>>, vector<1x16xf32>,
        %add3A_650 = arith.constant 6 : i32
        %add3A_651 = arith.addi %mul3A_111, %add3A_650 : i32
        %get3A_652 = arith.index_cast %add3A_651 : i32 to index
        %get3A_653 = arith.constant 48 : index
        %get3A_654 = tpu.vector_load %arg10[%get3A_652, %get3A_653] {strides = array<i32>} : memref<128x64xf32, #tpu.memory_space<vmem>>, vector<1x16xf32>,
        %get3A_655 = vector.shape_cast %get3A_654 : vector<1x16xf32> to vector<16xf32>
        %add3A_656 = arith.constant 6 : i32
        %add3A_657 = arith.addi %mul3A_111, %add3A_656 : i32
        %get3A_658 = arith.index_cast %add3A_657 : i32 to index
        %get3A_659 = arith.constant 48 : index
        %get3A_660 = tpu.vector_load %arg12[%get3A_658, %get3A_659] {strides = array<i32>} : memref<128x64xf32, #tpu.memory_space<vmem>>, vector<1x16xf32>,
        %get3A_661 = vector.shape_cast %get3A_660 : vector<1x16xf32> to vector<16xf32>
        %add3A_662 = arith.addf %get3A_655, %get3A_661 : vector<16xf32>
        %add3A_663 = arith.constant 6 : i32
        %add3A_664 = arith.addi %mul3A_111, %add3A_663 : i32
        %swap3A_665 = arith.index_cast %add3A_664 : i32 to index
        %swap3A_666 = arith.constant 48 : index
        %swap3A_667 = tpu.vector_load %arg14[%swap3A_665, %swap3A_666] {strides = array<i32>} : memref<128x64xf32, #tpu.memory_space<vmem>>, vector<1x16xf32>,
        %swap3A_668 = vector.shape_cast %swap3A_667 : vector<1x16xf32> to vector<16xf32>
        %swap3A_669 = vector.shape_cast %add3A_662 : vector<16xf32> to vector<1x16xf32>
        tpu.vector_store %arg14[%swap3A_665, %swap3A_666], %swap3A_669 {strides = array<i32>} : memref<128x64xf32, #tpu.memory_space<vmem>>, vector<1x16xf32>,
        %add3A_670 = arith.constant 7 : i32
        %add3A_671 = arith.addi %mul3A_111, %add3A_670 : i32
        %get3A_672 = arith.index_cast %add3A_671 : i32 to index
        %get3A_673 = arith.constant 0 : index
        %get3A_674 = tpu.vector_load %arg10[%get3A_672, %get3A_673] {strides = array<i32>} : memref<128x64xf32, #tpu.memory_space<vmem>>, vector<1x16xf32>,
        %get3A_675 = vector.shape_cast %get3A_674 : vector<1x16xf32> to vector<16xf32>
        %add3A_676 = arith.constant 7 : i32
        %add3A_677 = arith.addi %mul3A_111, %add3A_676 : i32
        %get3A_678 = arith.index_cast %add3A_677 : i32 to index
        %get3A_679 = arith.constant 0 : index
        %get3A_680 = tpu.vector_load %arg12[%get3A_678, %get3A_679] {strides = array<i32>} : memref<128x64xf32, #tpu.memory_space<vmem>>, vector<1x16xf32>,
        %get3A_681 = vector.shape_cast %get3A_680 : vector<1x16xf32> to vector<16xf32>
        %add3A_682 = arith.addf %get3A_675, %get3A_681 : vector<16xf32>
        %add3A_683 = arith.constant 7 : i32
        %add3A_684 = arith.addi %mul3A_111, %add3A_683 : i32
        %swap3A_685 = arith.index_cast %add3A_684 : i32 to index
        %swap3A_686 = arith.constant 0 : index
        %swap3A_687 = tpu.vector_load %arg14[%swap3A_685, %swap3A_686] {strides = array<i32>} : memref<128x64xf32, #tpu.memory_space<vmem>>, vector<1x16xf32>,
        %swap3A_688 = vector.shape_cast %swap3A_687 : vector<1x16xf32> to vector<16xf32>
        %swap3A_689 = vector.shape_cast %add3A_682 : vector<16xf32> to vector<1x16xf32>
        tpu.vector_store %arg14[%swap3A_685, %swap3A_686], %swap3A_689 {strides = array<i32>} : memref<128x64xf32, #tpu.memory_space<vmem>>, vector<1x16xf32>,
        %add3A_690 = arith.constant 7 : i32
        %add3A_691 = arith.addi %mul3A_111, %add3A_690 : i32
        %get3A_692 = arith.index_cast %add3A_691 : i32 to index
        %get3A_693 = arith.constant 16 : index
        %get3A_694 = tpu.vector_load %arg10[%get3A_692, %get3A_693] {strides = array<i32>} : memref<128x64xf32, #tpu.memory_space<vmem>>, vector<1x16xf32>,
        %get3A_695 = vector.shape_cast %get3A_694 : vector<1x16xf32> to vector<16xf32>
        %add3A_696 = arith.constant 7 : i32
        %add3A_697 = arith.addi %mul3A_111, %add3A_696 : i32
        %get3A_698 = arith.index_cast %add3A_697 : i32 to index
        %get3A_699 = arith.constant 16 : index
        %get3A_700 = tpu.vector_load %arg12[%get3A_698, %get3A_699] {strides = array<i32>} : memref<128x64xf32, #tpu.memory_space<vmem>>, vector<1x16xf32>,
        %get3A_701 = vector.shape_cast %get3A_700 : vector<1x16xf32> to vector<16xf32>
        %add3A_702 = arith.addf %get3A_695, %get3A_701 : vector<16xf32>
        %add3A_703 = arith.constant 7 : i32
        %add3A_704 = arith.addi %mul3A_111, %add3A_703 : i32
        %swap3A_705 = arith.index_cast %add3A_704 : i32 to index
        %swap3A_706 = arith.constant 16 : index
        %swap3A_707 = tpu.vector_load %arg14[%swap3A_705, %swap3A_706] {strides = array<i32>} : memref<128x64xf32, #tpu.memory_space<vmem>>, vector<1x16xf32>,
        %swap3A_708 = vector.shape_cast %swap3A_707 : vector<1x16xf32> to vector<16xf32>
        %swap3A_709 = vector.shape_cast %add3A_702 : vector<16xf32> to vector<1x16xf32>
        tpu.vector_store %arg14[%swap3A_705, %swap3A_706], %swap3A_709 {strides = array<i32>} : memref<128x64xf32, #tpu.memory_space<vmem>>, vector<1x16xf32>,
        %add3A_710 = arith.constant 7 : i32
        %add3A_711 = arith.addi %mul3A_111, %add3A_710 : i32
        %get3A_712 = arith.index_cast %add3A_711 : i32 to index
        %get3A_713 = arith.constant 32 : index
        %get3A_714 = tpu.vector_load %arg10[%get3A_712, %get3A_713] {strides = array<i32>} : memref<128x64xf32, #tpu.memory_space<vmem>>, vector<1x16xf32>,
        %get3A_715 = vector.shape_cast %get3A_714 : vector<1x16xf32> to vector<16xf32>
        %add3A_716 = arith.constant 7 : i32
        %add3A_717 = arith.addi %mul3A_111, %add3A_716 : i32
        %get3A_718 = arith.index_cast %add3A_717 : i32 to index
        %get3A_719 = arith.constant 32 : index
        %get3A_720 = tpu.vector_load %arg12[%get3A_718, %get3A_719] {strides = array<i32>} : memref<128x64xf32, #tpu.memory_space<vmem>>, vector<1x16xf32>,
        %get3A_721 = vector.shape_cast %get3A_720 : vector<1x16xf32> to vector<16xf32>
        %add3A_722 = arith.addf %get3A_715, %get3A_721 : vector<16xf32>
        %add3A_723 = arith.constant 7 : i32
        %add3A_724 = arith.addi %mul3A_111, %add3A_723 : i32
        %swap3A_725 = arith.index_cast %add3A_724 : i32 to index
        %swap3A_726 = arith.constant 32 : index
        %swap3A_727 = tpu.vector_load %arg14[%swap3A_725, %swap3A_726] {strides = array<i32>} : memref<128x64xf32, #tpu.memory_space<vmem>>, vector<1x16xf32>,
        %swap3A_728 = vector.shape_cast %swap3A_727 : vector<1x16xf32> to vector<16xf32>
        %swap3A_729 = vector.shape_cast %add3A_722 : vector<16xf32> to vector<1x16xf32>
        tpu.vector_store %arg14[%swap3A_725, %swap3A_726], %swap3A_729 {strides = array<i32>} : memref<128x64xf32, #tpu.memory_space<vmem>>, vector<1x16xf32>,
        %add3A_730 = arith.constant 7 : i32
        %add3A_731 = arith.addi %mul3A_111, %add3A_730 : i32
        %get3A_732 = arith.index_cast %add3A_731 : i32 to index
        %get3A_733 = arith.constant 48 : index
        %get3A_734 = tpu.vector_load %arg10[%get3A_732, %get3A_733] {strides = array<i32>} : memref<128x64xf32, #tpu.memory_space<vmem>>, vector<1x16xf32>,
        %get3A_735 = vector.shape_cast %get3A_734 : vector<1x16xf32> to vector<16xf32>
        %add3A_736 = arith.constant 7 : i32
        %add3A_737 = arith.addi %mul3A_111, %add3A_736 : i32
        %get3A_738 = arith.index_cast %add3A_737 : i32 to index
        %get3A_739 = arith.constant 48 : index
        %get3A_740 = tpu.vector_load %arg12[%get3A_738, %get3A_739] {strides = array<i32>} : memref<128x64xf32, #tpu.memory_space<vmem>>, vector<1x16xf32>,
        %get3A_741 = vector.shape_cast %get3A_740 : vector<1x16xf32> to vector<16xf32>
        %add3A_742 = arith.addf %get3A_735, %get3A_741 : vector<16xf32>
        %add3A_743 = arith.constant 7 : i32
        %add3A_744 = arith.addi %mul3A_111, %add3A_743 : i32
        %swap3A_745 = arith.index_cast %add3A_744 : i32 to index
        %swap3A_746 = arith.constant 48 : index
        %swap3A_747 = tpu.vector_load %arg14[%swap3A_745, %swap3A_746] {strides = array<i32>} : memref<128x64xf32, #tpu.memory_space<vmem>>, vector<1x16xf32>,
        %swap3A_748 = vector.shape_cast %swap3A_747 : vector<1x16xf32> to vector<16xf32>
        %swap3A_749 = vector.shape_cast %add3A_742 : vector<16xf32> to vector<1x16xf32>
        tpu.vector_store %arg14[%swap3A_745, %swap3A_746], %swap3A_749 {strides = array<i32>} : memref<128x64xf32, #tpu.memory_space<vmem>>, vector<1x16xf32>,
      }
      %scan3A_94 = arith.constant 16 : i32
      %mul3A_95 = arith.constant 128 : i32
      %mul3A_96 = arith.muli %add3A_73, %mul3A_95 : i32
      %add3A_97 = arith.addi %mul3A_2, %mul3A_96 : i32
      %dma_start3A_98 = arith.constant 0 : i32
      %dma_start3A_99 = tpu.memref_slice %arg6[%add3A_97, %dma_start3A_98] : memref<204800x64xf32, #tpu.memory_space<hbm>> -> memref<128x64xf32, #tpu.memory_space<hbm>>
      %dma_start3A_100 = arith.constant 0 : i32
      %dma_start3A_101 = tpu.memref_slice %arg6[%add3A_97, %dma_start3A_100] : memref<204800x64xf32, #tpu.memory_space<hbm>> -> memref<128x64xf32, #tpu.memory_space<hbm>>
      tpu.enqueue_dma source(%arg14 : memref<128x64xf32, #tpu.memory_space<vmem>>) target(%dma_start3A_101 : memref<128x64xf32, #tpu.memory_space<hbm>>) target_semaphore(%arg18 : memref<!tpu.dma_semaphore, #tpu.memory_space<semaphore_mem>>)
      %add3A_102 = arith.constant 2 : i32
      %add3A_103 = arith.addi %add3A_73, %add3A_102 : i32
      %lt3A_104 = arith.constant 50 : i32
      %lt3A_105 = arith.cmpi slt, %add3A_103, %lt3A_104 : i32
      %convert_element_type3A_106 = arith.extui %lt3A_105 : i1 to i32
      %cond3A_107 = arith.constant 0 : i32
      %cond3A_108 = arith.cmpi ne, %convert_element_type3A_106, %cond3A_107 : i32
      scf.if %cond3A_108 {
        %add3A_109 = arith.constant 2 : i32
        %add3A_110 = arith.addi %add3A_73, %add3A_109 : i32
        %mul3A_111 = arith.constant 128 : i32
        %mul3A_112 = arith.muli %add3A_110, %mul3A_111 : i32
        %dma_start3A_113 = tpu.memref_slice %arg7[%mul3A_112] : memref<6400xi32, #tpu.memory_space<vmem>> -> memref<128xi32, #tpu.memory_space<vmem>>
        %dma_start3A_114 = arith.constant 0 : i32
        %dma_start3A_115 = arith.constant 0 : i32
        %dma_start3A_116 = tpu.memref_slice %arg4[%dma_start3A_114, %dma_start3A_115] : memref<8100x64xf32, #tpu.memory_space<hbm>> -> memref<8100x64xf32, #tpu.memory_space<hbm>>
        tpu.enqueue_indirect_dma source(%dma_start3A_116 : memref<8100x64xf32, #tpu.memory_space<hbm>>) target(%arg10 : memref<128x64xf32, #tpu.memory_space<vmem>>) offsets(%dma_start3A_113 : memref<128xi32, #tpu.memory_space<vmem>>) semaphore(%arg16 : memref<!tpu.dma_semaphore, #tpu.memory_space<semaphore_mem>>)
        %mul3A_117 = arith.constant 128 : i32
        %mul3A_118 = arith.muli %add3A_110, %mul3A_117 : i32
        %dma_start3A_119 = tpu.memref_slice %arg8[%mul3A_118] : memref<6400xi32, #tpu.memory_space<vmem>> -> memref<128xi32, #tpu.memory_space<vmem>>
        %dma_start3A_120 = arith.constant 0 : i32
        %dma_start3A_121 = arith.constant 0 : i32
        %dma_start3A_122 = tpu.memref_slice %arg5[%dma_start3A_120, %dma_start3A_121] : memref<16200x64xf32, #tpu.memory_space<hbm>> -> memref<16200x64xf32, #tpu.memory_space<hbm>>
        tpu.enqueue_indirect_dma source(%dma_start3A_122 : memref<16200x64xf32, #tpu.memory_space<hbm>>) target(%arg12 : memref<128x64xf32, #tpu.memory_space<vmem>>) offsets(%dma_start3A_119 : memref<128xi32, #tpu.memory_space<vmem>>) semaphore(%arg16 : memref<!tpu.dma_semaphore, #tpu.memory_space<semaphore_mem>>)
      } else {
      }
    }
    %scan3A_26 = arith.constant 25 : i32
    %dma_wait3A = arith.constant 0 : i32
    %dma_wait3A_27 = tpu.memref_slice %arg6[%mul3A_2, %dma_wait3A] : memref<204800x64xf32, #tpu.memory_space<hbm>> -> memref<128x64xf32, #tpu.memory_space<hbm>>
    %dma_wait3A_28 = arith.constant 0 : i32
    %dma_wait3A_29 = tpu.memref_slice %arg6[%mul3A_2, %dma_wait3A_28] : memref<204800x64xf32, #tpu.memory_space<hbm>> -> memref<128x64xf32, #tpu.memory_space<hbm>>
    tpu.wait_dma2 semaphore(%arg17 : memref<!tpu.dma_semaphore, #tpu.memory_space<semaphore_mem>>) src(%arg13 : memref<128x64xf32, #tpu.memory_space<vmem>>) dst(%dma_wait3A_29 : memref<128x64xf32, #tpu.memory_space<hbm>>)
    %dma_wait3A_30 = arith.constant 0 : i32
    %dma_wait3A_31 = tpu.memref_slice %arg6[%mul3A_2, %dma_wait3A_30] : memref<204800x64xf32, #tpu.memory_space<hbm>> -> memref<128x64xf32, #tpu.memory_space<hbm>>
    %dma_wait3A_32 = arith.constant 0 : i32
    %dma_wait3A_33 = tpu.memref_slice %arg6[%mul3A_2, %dma_wait3A_32] : memref<204800x64xf32, #tpu.memory_space<hbm>> -> memref<128x64xf32, #tpu.memory_space<hbm>>
    tpu.wait_dma2 semaphore(%arg18 : memref<!tpu.dma_semaphore, #tpu.memory_space<semaphore_mem>>) src(%arg14 : memref<128x64xf32, #tpu.memory_space<vmem>>) dst(%dma_wait3A_33 : memref<128x64xf32, #tpu.memory_space<hbm>>)
    return
  }
}

module attributes {stable_mosaic.version = 14 : i64} {
  func.func @_idx_body(%arg0: memref<4x25x8192xi32, #tpu.memory_space<vmem>>, %arg1: memref<1x25x8192xi32, #tpu.memory_space<vmem>>, %arg2: memref<25x8192xi32, #tpu.memory_space<vmem>>, %arg3: memref<25x8192xi32, #tpu.memory_space<vmem>>) attributes {dimension_semantics = [], scalar_prefetch = 0 : i64, scratch_operands = 0 : i64, tpu.core_type = #tpu.core_type<tc>} {
    %get3A = arith.constant 0 : index
    %get3A_0 = arith.constant 0 : index
    %get3A_1 = arith.constant 0 : index
    %get3A_2 = vector.load %arg0[%get3A, %get3A_0, %get3A_1] : memref<4x25x8192xi32, #tpu.memory_space<vmem>>, vector<4x25x8192xi32>
    %get3A_3 = arith.constant 0 : index
    %get3A_4 = arith.constant 0 : index
    %get3A_5 = arith.constant 0 : index
    %get3A_6 = vector.load %arg1[%get3A_3, %get3A_4, %get3A_5] : memref<1x25x8192xi32, #tpu.memory_space<vmem>>, vector<1x25x8192xi32>
    %get3A_7 = vector.shape_cast %get3A_6 : vector<1x25x8192xi32> to vector<25x8192xi32>
    %slice3A = vector.extract_strided_slice %get3A_2 {offsets = [0, 0, 0], sizes = [1, 25, 8192], strides = [1, 1, 1]} : vector<4x25x8192xi32> to vector<1x25x8192xi32>
    %squeeze3A = vector.shape_cast %slice3A : vector<1x25x8192xi32> to vector<25x8192xi32>
    %mul3A = arith.constant 90 : i32
    %mul3A_8 = vector.broadcast %mul3A : i32 to vector<25x8192xi32>
    %mul3A_9 = arith.muli %squeeze3A, %mul3A_8 : vector<25x8192xi32>
    %slice3A_10 = vector.extract_strided_slice %get3A_2 {offsets = [1, 0, 0], sizes = [1, 25, 8192], strides = [1, 1, 1]} : vector<4x25x8192xi32> to vector<1x25x8192xi32>
    %squeeze3A_11 = vector.shape_cast %slice3A_10 : vector<1x25x8192xi32> to vector<25x8192xi32>
    %add3A = arith.addi %mul3A_9, %squeeze3A_11 : vector<25x8192xi32>
    %swap3A = arith.constant 0 : index
    %swap3A_12 = arith.constant 0 : index
    %swap3A_13 = vector.load %arg2[%swap3A, %swap3A_12] : memref<25x8192xi32, #tpu.memory_space<vmem>>, vector<25x8192xi32>
    tpu.vector_store %arg2[%swap3A, %swap3A_12], %add3A {strides = array<i32>} : memref<25x8192xi32, #tpu.memory_space<vmem>>, vector<25x8192xi32>,
    %mul3A_14 = arith.constant 90 : i32
    %mul3A_15 = vector.broadcast %mul3A_14 : i32 to vector<25x8192xi32>
    %mul3A_16 = arith.muli %get3A_7, %mul3A_15 : vector<25x8192xi32>
    %slice3A_17 = vector.extract_strided_slice %get3A_2 {offsets = [2, 0, 0], sizes = [1, 25, 8192], strides = [1, 1, 1]} : vector<4x25x8192xi32> to vector<1x25x8192xi32>
    %squeeze3A_18 = vector.shape_cast %slice3A_17 : vector<1x25x8192xi32> to vector<25x8192xi32>
    %add3A_19 = arith.addi %mul3A_16, %squeeze3A_18 : vector<25x8192xi32>
    %mul3A_20 = arith.constant 90 : i32
    %mul3A_21 = vector.broadcast %mul3A_20 : i32 to vector<25x8192xi32>
    %mul3A_22 = arith.muli %add3A_19, %mul3A_21 : vector<25x8192xi32>
    %slice3A_23 = vector.extract_strided_slice %get3A_2 {offsets = [3, 0, 0], sizes = [1, 25, 8192], strides = [1, 1, 1]} : vector<4x25x8192xi32> to vector<1x25x8192xi32>
    %squeeze3A_24 = vector.shape_cast %slice3A_23 : vector<1x25x8192xi32> to vector<25x8192xi32>
    %add3A_25 = arith.addi %mul3A_22, %squeeze3A_24 : vector<25x8192xi32>
    %swap3A_26 = arith.constant 0 : index
    %swap3A_27 = arith.constant 0 : index
    %swap3A_28 = vector.load %arg3[%swap3A_26, %swap3A_27] : memref<25x8192xi32, #tpu.memory_space<vmem>>, vector<25x8192xi32>
    tpu.vector_store %arg3[%swap3A_26, %swap3A_27], %add3A_25 {strides = array<i32>} : memref<25x8192xi32, #tpu.memory_space<vmem>>, vector<25x8192xi32>,
    return
  }
}

module attributes {stable_mosaic.version = 14 : i64} {
  func.func @_tables_body(%arg0: memref<90x64xf32, #tpu.memory_space<vmem>>, %arg1: memref<90x64xf32, #tpu.memory_space<vmem>>, %arg2: memref<64x64xf32, #tpu.memory_space<vmem>>, %arg3: memref<1x64xf32, #tpu.memory_space<vmem>>, %arg4: memref<1x64xf32, #tpu.memory_space<vmem>>, %arg5: memref<2x64xf32, #tpu.memory_space<vmem>>, %arg6: memref<1x64xf32, #tpu.memory_space<vmem>>, %arg7: memref<1x64xf32, #tpu.memory_space<vmem>>, %arg8: memref<90x90x64xf32, #tpu.memory_space<vmem>>, %arg9: memref<2x90x90x64xf32, #tpu.memory_space<vmem>>) attributes {dimension_semantics = [], scalar_prefetch = 0 : i64, scratch_operands = 0 : i64, tpu.core_type = #tpu.core_type<tc>} {
    %get3A = arith.constant 0 : index
    %get3A_0 = arith.constant 0 : index
    %get3A_1 = vector.load %arg0[%get3A, %get3A_0] : memref<90x64xf32, #tpu.memory_space<vmem>>, vector<90x64xf32>
    %get3A_2 = arith.constant 0 : index
    %get3A_3 = arith.constant 0 : index
    %get3A_4 = vector.load %arg2[%get3A_2, %get3A_3] : memref<64x64xf32, #tpu.memory_space<vmem>>, vector<64x64xf32>
    %dot_general3A = arith.constant dense<0.000000e+00> : vector<90x64xf32>
    %dot_general3A_5 = tpu.matmul %get3A_1, %get3A_4, %dot_general3A {dimension_numbers = #tpu.dot_dimension_numbers<[1], [1], [0], [0], [0, 0, 1, 0], [], []>, transpose_lhs_hint = false} : vector<90x64xf32>, vector<64x64xf32>, vector<90x64xf32> -> vector<90x64xf32>
    %get3A_6 = arith.constant 0 : index
    %get3A_7 = arith.constant 0 : index
    %get3A_8 = vector.load %arg3[%get3A_6, %get3A_7] : memref<1x64xf32, #tpu.memory_space<vmem>>, vector<1x64xf32>
    %add3A = vector.broadcast %get3A_8 : vector<1x64xf32> to vector<90x64xf32>
    %add3A_9 = arith.addf %dot_general3A_5, %add3A : vector<90x64xf32>
    %iota3A = tpu.iota {dimensions = array<i32: 0>} : vector<90x1xi32>
    %eq3A = arith.constant 0 : i32
    %eq3A_10 = vector.broadcast %eq3A : i32 to vector<90x1xi32>
    %eq3A_11 = arith.cmpi eq, %iota3A, %eq3A_10 : vector<90x1xi32>
    %get3A_12 = arith.constant 0 : index
    %get3A_13 = arith.constant 0 : index
    %get3A_14 = vector.load %arg4[%get3A_12, %get3A_13] : memref<1x64xf32, #tpu.memory_space<vmem>>, vector<1x64xf32>
    %broadcast_in_dim3A = vector.shape_cast %eq3A_11 : vector<90x1xi1> to vector<90x1xi1>
    %broadcast_in_dim3A_15 = vector.broadcast %broadcast_in_dim3A : vector<90x1xi1> to vector<90x64xi1>
    %broadcast_in_dim3A_16 = vector.shape_cast %get3A_14 : vector<1x64xf32> to vector<1x64xf32>
    %broadcast_in_dim3A_17 = vector.broadcast %broadcast_in_dim3A_16 : vector<1x64xf32> to vector<90x64xf32>
    %select_n3A = arith.select %broadcast_in_dim3A_15, %broadcast_in_dim3A_17, %add3A_9 : vector<90x64xi1>, vector<90x64xf32>
    %broadcast_in_dim3A_18 = vector.shape_cast %get3A_1 : vector<90x64xf32> to vector<90x1x64xf32>
    %get3A_19 = arith.constant 0 : index
    %get3A_20 = arith.constant 0 : index
    %get3A_21 = vector.load %arg1[%get3A_19, %get3A_20] : memref<90x64xf32, #tpu.memory_space<vmem>>, vector<90x64xf32>
    %broadcast_in_dim3A_22 = vector.shape_cast %get3A_21 : vector<90x64xf32> to vector<1x90x64xf32>
    %add3A_23 = vector.broadcast %broadcast_in_dim3A_18 : vector<90x1x64xf32> to vector<90x90x64xf32>
    %add3A_24 = vector.broadcast %broadcast_in_dim3A_22 : vector<1x90x64xf32> to vector<90x90x64xf32>
    %add3A_25 = arith.addf %add3A_23, %add3A_24 : vector<90x90x64xf32>
    %swap3A = arith.constant 0 : index
    %swap3A_26 = arith.constant 0 : index
    %swap3A_27 = arith.constant 0 : index
    %swap3A_28 = vector.load %arg8[%swap3A, %swap3A_26, %swap3A_27] : memref<90x90x64xf32, #tpu.memory_space<vmem>>, vector<90x90x64xf32>
    tpu.vector_store %arg8[%swap3A, %swap3A_26, %swap3A_27], %add3A_25 {strides = array<i32>} : memref<90x90x64xf32, #tpu.memory_space<vmem>>, vector<90x90x64xf32>,
    %convert_element_type3A = arith.sitofp %iota3A : vector<90x1xi32> to vector<90x1xf32>
    %div3A = arith.constant 1.000000e+01 : f32
    %div3A_29 = vector.broadcast %div3A : f32 to vector<90x1xf32>
    %div3A_30 = arith.divf %convert_element_type3A, %div3A_29 : vector<90x1xf32>
    %get3A_31 = arith.constant 0 : index
    %get3A_32 = arith.constant 0 : index
    %get3A_33 = vector.load %arg6[%get3A_31, %get3A_32] : memref<1x64xf32, #tpu.memory_space<vmem>>, vector<1x64xf32>
    %mul3A = vector.broadcast %div3A_30 : vector<90x1xf32> to vector<90x64xf32>
    %mul3A_34 = vector.broadcast %get3A_33 : vector<1x64xf32> to vector<90x64xf32>
    %mul3A_35 = arith.mulf %mul3A, %mul3A_34 : vector<90x64xf32>
    %get3A_36 = arith.constant 0 : index
    %get3A_37 = arith.constant 0 : index
    %get3A_38 = vector.load %arg7[%get3A_36, %get3A_37] : memref<1x64xf32, #tpu.memory_space<vmem>>, vector<1x64xf32>
    %add3A_39 = vector.broadcast %get3A_38 : vector<1x64xf32> to vector<90x64xf32>
    %add3A_40 = arith.addf %mul3A_35, %add3A_39 : vector<90x64xf32>
    %get3A_41 = arith.constant 0 : index
    %get3A_42 = arith.constant 0 : index
    %get3A_43 = vector.load %arg5[%get3A_41, %get3A_42] : memref<2x64xf32, #tpu.memory_space<vmem>>, vector<2x64xf32>
    %broadcast_in_dim3A_44 = vector.shape_cast %get3A_43 : vector<2x64xf32> to vector<2x1x1x64xf32>
    %broadcast_in_dim3A_45 = vector.shape_cast %select_n3A : vector<90x64xf32> to vector<1x90x1x64xf32>
    %add3A_46 = vector.broadcast %broadcast_in_dim3A_44 : vector<2x1x1x64xf32> to vector<2x90x1x64xf32>
    %add3A_47 = vector.broadcast %broadcast_in_dim3A_45 : vector<1x90x1x64xf32> to vector<2x90x1x64xf32>
    %add3A_48 = arith.addf %add3A_46, %add3A_47 : vector<2x90x1x64xf32>
    %broadcast_in_dim3A_49 = vector.shape_cast %add3A_40 : vector<90x64xf32> to vector<1x1x90x64xf32>
    %add3A_50 = vector.broadcast %add3A_48 : vector<2x90x1x64xf32> to vector<2x90x90x64xf32>
    %add3A_51 = vector.broadcast %broadcast_in_dim3A_49 : vector<1x1x90x64xf32> to vector<2x90x90x64xf32>
    %add3A_52 = arith.addf %add3A_50, %add3A_51 : vector<2x90x90x64xf32>
    %swap3A_53 = arith.constant 0 : index
    %swap3A_54 = arith.constant 0 : index
    %swap3A_55 = arith.constant 0 : index
    %swap3A_56 = arith.constant 0 : index
    %swap3A_57 = vector.load %arg9[%swap3A_53, %swap3A_54, %swap3A_55, %swap3A_56] : memref<2x90x90x64xf32, #tpu.memory_space<vmem>>, vector<2x90x90x64xf32>
    tpu.vector_store %arg9[%swap3A_53, %swap3A_54, %swap3A_55, %swap3A_56], %add3A_52 {strides = array<i32>} : memref<2x90x90x64xf32, #tpu.memory_space<vmem>>, vector<2x90x90x64xf32>,
    return
  }
}

module attributes {stable_mosaic.version = 14 : i64} {
  func.func @_ln_body(%arg0: i32, %arg1: memref<4096x128xf32, #tpu.memory_space<vmem>>, %arg2: memref<128x8xf32, #tpu.memory_space<vmem>>, %arg3: memref<8x128xf32, #tpu.memory_space<vmem>>, %arg4: memref<1x128xf32, #tpu.memory_space<vmem>>, %arg5: memref<1x128xf32, #tpu.memory_space<vmem>>, %arg6: memref<4096x128xf32, #tpu.memory_space<vmem>>) attributes {dimension_semantics = [#tpu.dimension_semantics<arbitrary>], iteration_bounds = array<i64: 25>, scalar_prefetch = 0 : i64, scratch_operands = 0 : i64, tpu.core_type = #tpu.core_type<tc>, window_params = [{transform_indices = @transform_0, window_bounds = array<i64: 4096, 128>}, {pipeline_mode = #tpu.pipeline_mode<synchronous>, transform_indices = @transform_1, window_bounds = array<i64: 128, 8>}, {pipeline_mode = #tpu.pipeline_mode<synchronous>, transform_indices = @transform_2, window_bounds = array<i64: 8, 128>}, {pipeline_mode = #tpu.pipeline_mode<synchronous>, transform_indices = @transform_3, window_bounds = array<i64: 1, 128>}, {pipeline_mode = #tpu.pipeline_mode<synchronous>, transform_indices = @transform_4, window_bounds = array<i64: 1, 128>}, {transform_indices = @transform_5, window_bounds = array<i64: 4096, 128>}]} {
    %get3A = arith.constant 0 : index
    %get3A_0 = arith.constant 0 : index
    %get3A_1 = vector.load %arg1[%get3A, %get3A_0] : memref<4096x128xf32, #tpu.memory_space<vmem>>, vector<4096x128xf32>
    %get3A_2 = arith.constant 0 : index
    %get3A_3 = arith.constant 0 : index
    %get3A_4 = vector.load %arg2[%get3A_2, %get3A_3] : memref<128x8xf32, #tpu.memory_space<vmem>>, vector<128x8xf32>
    %get3A_5 = arith.constant 0 : index
    %get3A_6 = arith.constant 0 : index
    %get3A_7 = vector.load %arg3[%get3A_5, %get3A_6] : memref<8x128xf32, #tpu.memory_space<vmem>>, vector<8x128xf32>
    %dot_general3A = arith.constant dense<0.000000e+00> : vector<4096x8xf32>
    %dot_general3A_8 = tpu.matmul %get3A_1, %get3A_4, %dot_general3A {dimension_numbers = #tpu.dot_dimension_numbers<[1], [0], [0], [1], [0, 0, 1, 1], [], []>, transpose_lhs_hint = false} : vector<4096x128xf32>, vector<128x8xf32>, vector<4096x8xf32> -> vector<4096x8xf32>
    %mul3A = arith.mulf %get3A_1, %get3A_1 : vector<4096x128xf32>
    %dot_general3A_9 = arith.constant dense<0.000000e+00> : vector<4096x8xf32>
    %dot_general3A_10 = tpu.matmul %mul3A, %get3A_4, %dot_general3A_9 {dimension_numbers = #tpu.dot_dimension_numbers<[1], [0], [0], [1], [0, 0, 1, 1], [], []>, transpose_lhs_hint = false} : vector<4096x128xf32>, vector<128x8xf32>, vector<4096x8xf32> -> vector<4096x8xf32>
    %dot_general3A_11 = arith.constant dense<0.000000e+00> : vector<4096x128xf32>
    %dot_general3A_12 = tpu.matmul %dot_general3A_8, %get3A_7, %dot_general3A_11 {dimension_numbers = #tpu.dot_dimension_numbers<[1], [0], [0], [1], [0, 0, 1, 1], [], []>, transpose_lhs_hint = false} : vector<4096x8xf32>, vector<8x128xf32>, vector<4096x128xf32> -> vector<4096x128xf32>
    %dot_general3A_13 = arith.constant dense<0.000000e+00> : vector<4096x128xf32>
    %dot_general3A_14 = tpu.matmul %dot_general3A_10, %get3A_7, %dot_general3A_13 {dimension_numbers = #tpu.dot_dimension_numbers<[1], [0], [0], [1], [0, 0, 1, 1], [], []>, transpose_lhs_hint = false} : vector<4096x8xf32>, vector<8x128xf32>, vector<4096x128xf32> -> vector<4096x128xf32>
    %mul3A_15 = arith.mulf %dot_general3A_12, %dot_general3A_12 : vector<4096x128xf32>
    %sub3A = arith.subf %dot_general3A_14, %mul3A_15 : vector<4096x128xf32>
    %sub3A_16 = arith.subf %get3A_1, %dot_general3A_12 : vector<4096x128xf32>
    %add3A = arith.constant 9.99999974E-6 : f32
    %add3A_17 = vector.broadcast %add3A : f32 to vector<4096x128xf32>
    %add3A_18 = arith.addf %sub3A, %add3A_17 : vector<4096x128xf32>
    %rsqrt3A = math.rsqrt %add3A_18 : vector<4096x128xf32>
    %mul3A_19 = arith.mulf %sub3A_16, %rsqrt3A : vector<4096x128xf32>
    %get3A_20 = arith.constant 0 : index
    %get3A_21 = arith.constant 0 : index
    %get3A_22 = vector.load %arg4[%get3A_20, %get3A_21] : memref<1x128xf32, #tpu.memory_space<vmem>>, vector<1x128xf32>
    %mul3A_23 = vector.broadcast %get3A_22 : vector<1x128xf32> to vector<4096x128xf32>
    %mul3A_24 = arith.mulf %mul3A_19, %mul3A_23 : vector<4096x128xf32>
    %get3A_25 = arith.constant 0 : index
    %get3A_26 = arith.constant 0 : index
    %get3A_27 = vector.load %arg5[%get3A_25, %get3A_26] : memref<1x128xf32, #tpu.memory_space<vmem>>, vector<1x128xf32>
    %add3A_28 = vector.broadcast %get3A_27 : vector<1x128xf32> to vector<4096x128xf32>
    %add3A_29 = arith.addf %mul3A_24, %add3A_28 : vector<4096x128xf32>
    %swap3A = arith.constant 0 : index
    %swap3A_30 = arith.constant 0 : index
    %swap3A_31 = vector.load %arg6[%swap3A, %swap3A_30] : memref<4096x128xf32, #tpu.memory_space<vmem>>, vector<4096x128xf32>
    tpu.vector_store %arg6[%swap3A, %swap3A_30], %add3A_29 {strides = array<i32>} : memref<4096x128xf32, #tpu.memory_space<vmem>>, vector<4096x128xf32>,
    return
  }
  func.func @transform_0(%arg0: i32) -> (i32, i32) {
    %c0_i32 = arith.constant 0 : i32
    %c0_i32_0 = arith.constant 0 : i32
    return %arg0, %c0_i32 : i32, i32
  }
  func.func @transform_1(%arg0: i32) -> (i32, i32) {
    %c0_i32 = arith.constant 0 : i32
    %c0_i32_0 = arith.constant 0 : i32
    %c0_i32_1 = arith.constant 0 : i32
    return %c0_i32, %c0_i32_0 : i32, i32
  }
  func.func @transform_2(%arg0: i32) -> (i32, i32) {
    %c0_i32 = arith.constant 0 : i32
    %c0_i32_0 = arith.constant 0 : i32
    %c0_i32_1 = arith.constant 0 : i32
    return %c0_i32, %c0_i32_0 : i32, i32
  }
  func.func @transform_3(%arg0: i32) -> (i32, i32) {
    %c0_i32 = arith.constant 0 : i32
    %c0_i32_0 = arith.constant 0 : i32
    %c0_i32_1 = arith.constant 0 : i32
    return %c0_i32, %c0_i32_0 : i32, i32
  }
  func.func @transform_4(%arg0: i32) -> (i32, i32) {
    %c0_i32 = arith.constant 0 : i32
    %c0_i32_0 = arith.constant 0 : i32
    %c0_i32_1 = arith.constant 0 : i32
    return %c0_i32, %c0_i32_0 : i32, i32
  }
  func.func @transform_5(%arg0: i32) -> (i32, i32) {
    %c0_i32 = arith.constant 0 : i32
    %c0_i32_0 = arith.constant 0 : i32
    return %arg0, %c0_i32 : i32, i32
  }
}

</mosaic_0001>

<sc_bundles>
// kernel: kernel.6.cloned.1.call-start
scs
__scs_entry_jumppad:
0x0: {  	(pc) =	sbr.rel $0x88, $3  }
0x1: {  	(tag) =	ssettag $0x0;
	lr =	simm.s32 $0x1  }
0x2: {  	[smem:$0x3F95] =	sst lr;
	_ =	strace $0xD0000000  }
0x3: {  	_ = 	snop  }
0x4: {  	_ = 	snop  }
0x5: {  	_ = 	snop  }
0x6: {  	_ = 	snop  }
0x7: {  	_ = 	snop  }
__scs_overlays_trampoline_lowered:
0x8: {  	[smem:$0x3FA4] =	sst s0  }
0x9: {  	[smem:$0x3FA5] =	sst s1  }
0xa: {  	[smem:$0x3FA6] =	sst s2  }
0xb: {  	[smem:$0x3FA7] =	sst s3  }
0xc: {  	[smem:$0x3FA8] =	sst s4  }
0xd: {  	[smem:$0x3FA9] =	sst s5  }
0xe: {  	[smem:$0x3FAA] =	sst s6  }
0xf: {  	[smem:$0x3FAB] =	sst s7  }
0x10: {  	[smem:$0x3FAC] =	sst s8  }
0x11: {  	[smem:$0x3FAD] =	sst s9;
	s0 =	simm.s32 @!p0 $0x0  }
0x12: {  	s1 =	sld [smem:$0x3F93];
	s0 =	simm.s32 @p0 $0x1  }
0x13: {  	[smem:$0x3FAE] =	sst s0;
	s0 =	simm.s32 @!p1 $0x0  }
0x14: {  	s2 =	sld [smem:$0x3F92];
	s0 =	simm.s32 @p1 $0x1  }
0x15: {  	[smem:$0x3FAF] =	sst s0;
	s0 =	simm.s32 @!p2 $0x0  }
0x16: {  	s3 =	sld [smem:$0x3FDB];
	s0 =	simm.s32 @p2 $0x1  }
0x17: {  	s4 =	simm.s32 $0x1BF5;
	[smem:$0x3FB1] =	sst s0  }
0x18: {  	s0 =	sld [smem:$0x3F94];
	_ =	swait.ge [sflag:s4], $0x0  }
0x19: {  	s7 =	sld [smem:$0x3F95]  }
0x1a: {  	s8 =	sadd.s32 $0xFFFFE003, lr  }
0x1b: {  	s9 =	sadd.s32 $0xFFFFFEF7, lr;
	s5 =	simm.s32 $0xFFFFFFFF;
	p2 =	slt.u32 s8, $0xFFFFF086  }
0x1c: {  	p1 =	slt.u32 s9, $0xF7A;
	s5 =	simm.s32 @!p2 $0x0  }
0x1d: {  	s5 =	simm.s32 @p1 $0x1;
	p0 =	seq.s32 s7, s2  }
0x1e: {  	s7 =	smul.u32 @!p0 $0xF7A, s2;
	p2 =	seq.s32 @!p0 s5, $0x0  }
0x1f: {  	s9 =	smul.u32 $0xF7A, s1;
	s8 =	simm.s32 @!p0 $0x1BF5;
	p2 =	por !p2, p0  }
0x20: {  	[sflag:s8] =	ssyncset.s32 @!p0 $0xFFFFF086;
	s6 =	sadd.s32 @!p0 s3, s7;
	s7 =	simm.s32 @!p0 $0x108  }
0x21: {  	s3 =	sadd.s32 s3, s9;
	s6 =	sadd.s32 @!p0 $0x88, s6;
	s7 =	simm.s32 @p2 $0x1082  }
0x22: {  	[simem:s7], [sflag:s8] =	dma.local @!p0 [hbm:s6], $0xF7A  }
0x23: {  	s9 =	sor.u32 $0xD0000000, s2;
	s6 =	simm.s32 $0x108;
	_ =	swait.ge @!p0 [sflag:s8], $0x0  }
0x24: {  	s3 =	sadd.s32 $0x88, s3;
	s6 =	simm.s32 @!p1 $0x1082;
	[sflag:s4] =	ssyncset.s32 $0xFFFFF086  }
0x25: {  	[simem:s6], [sflag:s4] =	dma.local [hbm:s3], $0xF7A  }
0x26: {  	[smem:$0x3F95] =	sst s1;
	(tag) =	ssettag s2;
	_ =	strace s9  }
0x27: {  	s1 =	sld [smem:$0x3FA5]  }
0x28: {  	s2 =	sld [smem:$0x3FA6]  }
0x29: {  	s4 =	sld [smem:$0x3FA8]  }
0x2a: {  	p0 =	seq.s32 s5, $0x0;
	s5 =	sld [smem:$0x3FA9]  }
0x2b: {  	s6 =	sld [smem:$0x3FAA]  }
0x2c: {  	s7 =	sld [smem:$0x3FAB]  }
0x2d: {  	s3 =	simm.s32 $0x108;
	s8 =	sld [smem:$0x3FAC]  }
0x2e: {  	s3 =	simm.s32 @!p0 $0x1082;
	s9 =	sld [smem:$0x3FAD]  }
0x2f: {  	lr =	sadd.s32 s0, s3;
	s0 =	sld [smem:$0x3FA4]  }
0x30: {  	s3 =	sld [smem:$0x3FA7]  }
0x31: {  	[smem:$0x3FB0] =	sst s10  }
0x32: {  	s10 =	sld [smem:$0x3FAE];
	_ =	sdelay $0x3  }
0x33: {  	p0 =	seq.s32 s10, $0x1;
	s10 =	sld [smem:$0x3FB0];
	_ =	sdelay $0x3  }
0x34: {  	[smem:$0x3FB0] =	sst s10  }
0x35: {  	s10 =	sld [smem:$0x3FAF];
	_ =	sdelay $0x3  }
0x36: {  	p1 =	seq.s32 s10, $0x1;
	s10 =	sld [smem:$0x3FB0];
	_ =	sdelay $0x3  }
0x37: {  	[smem:$0x3FB0] =	sst s10  }
0x38: {  	s10 =	sld [smem:$0x3FB1]  }
0x39: {  	_ = 	snop;
	(pc) =	sbr.ind lr, $3  }
0x3a: {  	_ = 	snop  }
0x3b: {  	_ = 	snop  }
0x3c: {  	p2 =	seq.s32 s10, $0x1;
	s10 =	sld [smem:$0x3FB0]  }
0x3d: {  	_ =	shalt  }
0x3e: {  	_ =	shalt  }
0x3f: {  	_ =	shalt  }
0x40: {  	_ =	shalt  }
0x41: {  	_ =	shalt  }
0x42: {  	_ =	shalt  }
0x43: {  	_ =	shalt  }
0x44: {  	_ =	shalt  }
0x45: {  	_ =	shalt  }
0x46: {  	_ =	shalt  }
0x47: {  	_ =	shalt  }
0x48: {  	_ =	shalt  }
0x49: {  	_ =	shalt  }
0x4a: {  	_ =	shalt  }
0x4b: {  	_ =	shalt  }
0x4c: {  	_ =	shalt  }
0x4d: {  	_ =	shalt  }
0x4e: {  	_ =	shalt  }
0x4f: {  	_ =	shalt  }
0x50: {  	_ =	shalt  }
0x51: {  	_ =	shalt  }
0x52: {  	_ =	shalt  }
0x53: {  	_ =	shalt  }
0x54: {  	_ =	shalt  }
0x55: {  	_ =	shalt  }
0x56: {  	_ =	shalt  }
0x57: {  	_ =	shalt  }
0x58: {  	_ =	shalt  }
0x59: {  	_ =	shalt  }
0x5a: {  	_ =	shalt  }
0x5b: {  	_ =	shalt  }
0x5c: {  	_ =	shalt  }
0x5d: {  	_ =	shalt  }
0x5e: {  	_ =	shalt  }
0x5f: {  	_ =	shalt  }
0x60: {  	_ =	shalt  }
0x61: {  	_ =	shalt  }
0x62: {  	_ =	shalt  }
0x63: {  	_ =	shalt  }
0x64: {  	_ =	shalt  }
0x65: {  	_ =	shalt  }
0x66: {  	_ =	shalt  }
0x67: {  	_ =	shalt  }
0x68: {  	_ =	shalt  }
0x69: {  	_ =	shalt  }
0x6a: {  	_ =	shalt  }
0x6b: {  	_ =	shalt  }
0x6c: {  	_ =	shalt  }
0x6d: {  	_ =	shalt  }
0x6e: {  	_ =	shalt  }
0x6f: {  	_ =	shalt  }
0x70: {  	_ =	shalt  }
0x71: {  	_ =	shalt  }
0x72: {  	_ =	shalt  }
0x73: {  	_ =	shalt  }
0x74: {  	_ =	shalt  }
0x75: {  	_ =	shalt  }
0x76: {  	_ =	shalt  }
0x77: {  	_ =	shalt  }
0x78: {  	_ =	shalt  }
0x79: {  	_ =	shalt  }
0x7a: {  	_ =	shalt  }
0x7b: {  	_ =	shalt  }
0x7c: {  	_ =	shalt  }
0x7d: {  	_ =	shalt  }
0x7e: {  	_ =	shalt  }
0x7f: {  	_ =	shalt  }
0x80: {  	_ =	shalt  }
0x81: {  	_ =	shalt  }
0x82: {  	_ =	shalt  }
0x83: {  	_ =	shalt  }
0x84: {  	_ =	shalt  }
0x85: {  	_ =	shalt  }
0x86: {  	_ =	shalt  }
0x87: {  	_ =	shalt  }
.Lfunc_end0:
.L_simem_size_0:
called_computation.1_lowered:
.L_overlay_start_0:
0x88: {  	s2 =	sld [smem:$0x3FD9]  }
0x89: {  	s3 =	sld [smem:$0x3FFE];
	_ =	sdelay $0x1  }
0x8a: {  	s1 =	srdreg.scid  }
0x8b: {  	s0 =	sand.u32 $0x1, s1  }
0x8c: {  	s17 =	sshll.u32 s0, $0xA;
	s2 =	sadd.s32 s3, s2  }
0x8d: {  	s2 =	sadd.s32 s2, s17  }
0x8e: {  	[smem:$0x3FBC] =	sst s2  }
0x8f: {  	_ = 	snop  }
0x90: {  	s2 =	sld [smem:$0x3FD0];
	(tm) =	ssettm $0x1  }
0x91: {  	s18 =	sld [smem:$0x3FFB];
	_ =	sdelay $0x3  }
0x92: {  	_ =	strace s18  }
0x93: {  	s3 =	sld [smem:$0x3FFC];
	_ =	sdelay $0x3  }
0x94: {  	_ =	strace s3  }
0x95: {  	s3 =	sld [smem:$0x3FFD];
	_ =	sdelay $0x3  }
0x96: {  	_ =	strace s3  }
0x97: {  	_ =	strace $0x8FFFFFFF  }
0x98: {  	s19 =	sld [smem:$0x3FDB];
	_ =	sdelay $0x1  }
0x99: {  	s4 =	simm.s32 $_scs_section_size  }
0x9a: {  	s5 =	simm.s32 $_size__tile_overlayer_lowered;
	s6 =	simm.s32 $_tile_overlayer_lowered  }
0x9b: {  	s22 =	simm.s32 $0x1BFF;
	s21 =	sshll.u32 s6, $0x1;
	s3 =	sadd.s32 s4, s19  }
0x9c: {  	s7 =	simm.s32 $0x0;
	s20 =	sshll.u32 s5, $0x1;
	s5 =	sadd.s32 s21, s3  }
0x9d: {  	[timem:s7], [sflag:s22] =	dma.local [hbm:s5], s20  }
0x9e: {  	_ =	swait.ge [sflag:s22], s20  }
0x9f: {  	s4 =	ssub.s32 $0x0, s20;
	[sflag:s22] =	ssyncset.done $0x0  }
0xa0: {  	[sflag:s22] =	ssyncadd.s32 s4;
	_ =	sdelay $0x1  }
0xa1: {  	s23 =	simm.s32 $0x1B8B  }
0xa2: {  	_ =	swait.ge [sflag:s23], $0x1  }
0xa3: {  	[sflag:s23] =	ssyncset.done $0x0  }
0xa4: {  	s25 =	simm.s32 $0x1B8E;
	s24 =	sld [smem:$0x3FFE];
	[sflag:s23] =	ssyncadd.s32 $0xFFFFFFFF  }
0xa5: {  	s26 =	simm.s32 $execute0_lowered;
	[smem:$0x3FD2] =	sst s25  }
0xa6: {  	s5 =	sshll.u32 s26, $0x1;
	_ =	strace $0x80000046;
	[dreg:$0x1] =	wrdreg $0xFFFFFFFF  }
0xa7: {  	s28 =	simm.s32 $_size_execute0_lowered;
	s3 =	sadd.s32 s3, s5;
	[dreg:$0x0] =	wrdreg $0x0  }
0xa8: {  	s5 =	sshll.u32 s28, $0x1;
	[dreg:$0x2] =	wrdreg s3  }
0xa9: {  	[dreg:$0x3] =	wrdreg s5  }
0xaa: {  	[dreg:$0x4] =	wrdreg $0xC0  }
0xab: {  	_ =	task [dreg:s7], $0x5FFFF  }
0xac: {  	[dreg:$0x1] =	wrdreg $0xFFFFFFFF  }
0xad: {  	[dreg:$0x0] =	wrdreg $0x60  }
0xae: {  	[dreg:$0x2] =	wrdreg s24  }
0xaf: {  	[dreg:$0x3] =	wrdreg s2  }
0xb0: {  	[dreg:$0x4] =	wrdreg $0x9  }
0xb1: {  	_ =	task.clear_ibuf [dreg:s7], $0x5FFFF;
	_ =	strace $0x90000046  }
0xb2: {  	s29 =	simm.s32 $0x9;
	_ =	strace $0x80000048  }
0xb3: {  	_ =	swait.ge [sflag:s29], $0x1  }
0xb4: {  	[sflag:s29] =	ssyncadd.s32 $0xFFFFFFFF  }
0xb5: {  	_ =	strace $0x90000048  }
0xb6: {  	_ =	sfence  }
0xb7: {  	s30 =	sld [smem:$0x0];
	_ =	sdelay $0x2  }
0xb8: {  	s31 =	sshll.u32 s1, $0xD;
	s1 =	sshrl.u32 s1, $0x2  }
0xb9: {  	s3 =	sand.u32 $0x4000, s31;
	s1 =	sadd.s32 s1, s30  }
0xba: {  	s0 =	sor.u32 s3, s0;
	s1 =	sshll.u32 s1, $0x11  }
0xbb: {  	s0 =	sor.u32 s1, s0  }
0xbc: {  	s0 =	sadd.s32 $0x8F2B, s0  }
0xbd: {  	[sflag:s0] =	ssyncadd.remote.s32 $0x1  }
0xbe: {  	_ =	sfence.sel $0xFFFF  }
0xbf: {  	[dreg:$0x0] =	wrdreg $0xFFFFFFFF;
	(pc) =	sbr.abs _section_cstart, $3  }
0xc0: {  	[dreg:$0x1] =	wrdreg $0xFFFFFFFF  }
0xc1: {  	_ =	task.clear_ibuf [dreg:s7], $0x2FFFF;
	_ =	strace $0x9FFFFFFF  }
0xc2: {  	(tm) =	ssettm $0x7FFFFFFF  }
0xc3: {  	_ =	shalt  }
tec
execute0_lowered:
.L_overlay_start_1:
0x0: {  	(tag) =	ssettag $0x1  }
0x1: {  	s1 =	srdreg.scid;
	s5 =	rddreg [dreg:$0x0]  }
0x2: {  	s0 =	stileid.u32;
	s2 =	rddreg [dreg:$0x1]  }
0x3: {  	s3 =	simm.s32 $0x0;
	s11 =	simm.s32 $0x5;
	s12 =	simm.s32 $0x1900  }
0x4: {  	s13 =	simm.s32 $0x80;
	s14 =	simm.s32 $0x3200;
	s15 =	simm.s32 $0x7200  }
0x5: {  	s16 =	simm.s32 $0x5200;
	s17 =	simm.s32 $0x1980;
	s18 =	simm.s32 $0x9200  }
0x6: {  	s19 =	simm.s32 $0x1;
	s20 =	simm.s32 $0xB200;
	s21 =	simm.s32 $0x2  }
0x7: {  	s22 =	simm.s32 $0xD200;
	s4 =	sand.u32 $0x1, s1;
	s30 =	sshll.u32 s0, $0x1  }
0x8: {  	s23 =	simm.s32 $0x3;
	s24 =	simm.s32 $0x4;
	s8 =	sor.u32 s4, s30  }
0x9: {  	s25 =	simm.s32 $0x0;
	s1 =	rddreg [dreg:$0x2];
	s9 =	smul.u32 $0x1900, s8  }
.Ltmp0:
0xa: {  	[smem:$0x7FF] =	sst s3;
	s31 =	ssub.s32 $0x2, s4;
	(pc) =	sbr.rel .LBB2_1-.Ltmp0, $4  }
0xb: {  	_ =	strace $0x80000047;
	s4 =	sadd.s32 $0xE200, s5;
	s10 =	sshrl.u32 s31, $0x1  }
0xc: {  	s8 =	smul.u32 $0x64000, s8;
	s10 =	ssub.s32 s31, s10;
	s6 =	sshrl.u32 s9, $0x3  }
0xd: {  	s9 =	sor.u32 $0x80, s9;
	s10 =	smax.u32 s10, $0x1;
	s7 =	sadd.s32 s6, s5  }
0xe: {  	s5 =	sadd.s32 $0x1E000, s5;
	s6 =	sadd.s32 $0x1A00, s7;
	s7 =	sadd.s32 $0x7E00, s7  }
.LBB2_8:
0xf: {  	s25 =	sadd.s32 $0x1, s25  }
0x10: {  	_ =	swait.ge [sflag:s23], $0x2000;
	p0 =	sne.s32 s25, s10  }
.Ltmp1:
0x11: {  	[sflag:s23] =	ssyncset.done $0x0;
	(pc) =	sbr.rel @!p0 .LBB2_9-.Ltmp1, $4  }
0x12: {  	[sflag:s23] =	ssyncadd.s32 $0xFFFFE000  }
0x13: {  	_ =	swait.ge [sflag:s24], $0x2000  }
0x14: {  	[sflag:s24] =	ssyncset.done $0x0  }
0x15: {  	[sflag:s24] =	ssyncadd.s32 $0xFFFFE000  }
.LBB2_1:
0x16: {  	[tilespmem:s3], [sflag:$0x5] =	stream.linear.gather [hbm4b:s6+s3], $0x1900, $0x38;
	[tilespmem:$0xF200] =	vst v63  }
0x17: {  	_ =	swait.ge [sflag:s11], $0x1900  }
0x18: {  	[sflag:s11] =	ssyncset.done $0x0  }
0x19: {  	[sflag:s11] =	ssyncadd.s32 $0xFFFFE700  }
0x1a: {  	[tilespmem:s12], [sflag:$0x5] =	stream.linear.gather [hbm4b:s7+s3], $0x1900, $0x38;
	[tilespmem:$0xF200] =	vst v63  }
0x1b: {  	_ =	swait.ge [sflag:s11], $0x1900  }
0x1c: {  	[sflag:s11] =	ssyncset.done $0x0  }
0x1d: {  	[sflag:s11] =	ssyncadd.s32 $0xFFFFE700  }
0x1e: {  	[tilespmem:s14], [sflag:$0x1] =	stream.indirect.gather [hbm4b:s4+s13], $0x40, s3, s13, $0xb8;
	[tilespmem:$0xF200] =	vst v63  }
0x1f: {  	_ = 	snop  }
0x20: {  	[tilespmem:s15], [sflag:$0x1] =	stream.indirect.gather [hbm4b:s2+s13], $0x40, s12, s13, $0xb8;
	[tilespmem:$0xF200] =	vst v63  }
0x21: {  	_ = 	snop  }
0x22: {  	[tilespmem:s16], [sflag:$0x2] =	stream.indirect.gather [hbm4b:s4+s13], $0x40, s13, s13, $0xb8;
	[tilespmem:$0xF200] =	vst v63  }
0x23: {  	s26 =	simm.s32 $0x0  }
0x24: {  	[tilespmem:s18], [sflag:$0x2] =	stream.indirect.gather [hbm4b:s2+s13], $0x40, s17, s13, $0xb8;
	[tilespmem:$0xF200] =	vst v63  }
.LBB2_2:
0x25: {  	_ =	swait.ge [sflag:s19], $0x2000  }
0x26: {  	[sflag:s19] =	ssyncset.done $0x0  }
0x27: {  	[sflag:s19] =	ssyncadd.s32 $0xFFFFE000  }
0x28: {  	_ =	swait.ge [sflag:s19], $0x2000  }
0x29: {  	p0 =	seq.s32 s26, $0x0;
	[sflag:s19] =	ssyncset.done $0x0  }
0x2a: {  	s28 =	simm.s32 @!p0 $0x3;
	[sflag:s19] =	ssyncadd.s32 $0xFFFFE000  }
0x2b: {  	_ =	swait.ge @!p0 [sflag:s28], $0x2000  }
0x2c: {  	[sflag:s28] =	ssyncset.done @!p0 $0x0  }
0x2d: {  	s29 =	simm.s32 $0x0;
	[sflag:s28] =	ssyncadd.s32 @!p0 $0xFFFFE000  }
0x2e: {  	v0 =	vld [tilespmem:s29+$0x33F0]  }
0x2f: {  	v1 =	vld [tilespmem:s29+$0x73F0]  }
0x30: {  	v2 =	vld [tilespmem:s29+$0x3200]  }
0x31: {  	v3 =	vld [tilespmem:s29+$0x7200]  }
0x32: {  	v4 =	vld [tilespmem:s29+$0x3210]  }
0x33: {  	v5 =	vld [tilespmem:s29+$0x7210]  }
0x34: {  	v6 =	vld [tilespmem:s29+$0x3220]  }
0x35: {  	v7 =	vld [tilespmem:s29+$0x3230];
	v0 =	vadd.f32 v1, v0  }
0x36: {  	v1 =	vld [tilespmem:s29+$0x7220]  }
0x37: {  	v2 =	vadd.f32 v3, v2;
	[tilespmem:s29+$0xB3F0] =	vst v0;
	v0 =	vld [tilespmem:s29+$0x7230]  }
0x38: {  	v3 =	vld [tilespmem:s29+$0x3240]  }
0x39: {  	[tilespmem:s29+$0xB200] =	vst v2;
	v2 =	vadd.f32 v5, v4;
	v4 =	vld [tilespmem:s29+$0x7240]  }
0x3a: {  	v5 =	vld [tilespmem:s29+$0x7250]  }
0x3b: {  	[tilespmem:s29+$0xB210] =	vst v2;
	v2 =	vld [tilespmem:s29+$0x3250];
	v1 =	vadd.f32 v1, v6  }
0x3c: {  	v6 =	vld [tilespmem:s29+$0x7260];
	v0 =	vadd.f32 v0, v7  }
0x3d: {  	[tilespmem:s29+$0xB220] =	vst v1;
	v1 =	vld [tilespmem:s29+$0x3260]  }
0x3e: {  	[tilespmem:s29+$0xB230] =	vst v0;
	v0 =	vadd.f32 v4, v3;
	v3 =	vld [tilespmem:s29+$0x3270]  }
0x3f: {  	v4 =	vld [tilespmem:s29+$0x7270]  }
0x40: {  	[tilespmem:s29+$0xB240] =	vst v0;
	v0 =	vadd.f32 v5, v2;
	v2 =	vld [tilespmem:s29+$0x3280]  }
0x41: {  	v5 =	vld [tilespmem:s29+$0x7280]  }
0x42: {  	[tilespmem:s29+$0xB250] =	vst v0;
	v0 =	vadd.f32 v6, v1;
	v1 =	vld [tilespmem:s29+$0x3290]  }
0x43: {  	v6 =	vld [tilespmem:s29+$0x7290]  }
0x44: {  	[tilespmem:s29+$0xB260] =	vst v0;
	v0 =	vadd.f32 v4, v3;
	v3 =	vld [tilespmem:s29+$0x32A0]  }
0x45: {  	v4 =	vld [tilespmem:s29+$0x72A0]  }
0x46: {  	[tilespmem:s29+$0xB270] =	vst v0;
	v0 =	vadd.f32 v5, v2;
	v2 =	vld [tilespmem:s29+$0x32B0]  }
0x47: {  	v5 =	vld [tilespmem:s29+$0x72B0]  }
0x48: {  	[tilespmem:s29+$0xB280] =	vst v0;
	v0 =	vadd.f32 v6, v1;
	v1 =	vld [tilespmem:s29+$0x32C0]  }
0x49: {  	v6 =	vld [tilespmem:s29+$0x72C0]  }
0x4a: {  	[tilespmem:s29+$0xB290] =	vst v0;
	v0 =	vadd.f32 v4, v3;
	v3 =	vld [tilespmem:s29+$0x32D0]  }
0x4b: {  	v4 =	vld [tilespmem:s29+$0x72D0]  }
0x4c: {  	[tilespmem:s29+$0xB2A0] =	vst v0;
	v0 =	vadd.f32 v5, v2;
	v2 =	vld [tilespmem:s29+$0x32E0]  }
0x4d: {  	v5 =	vld [tilespmem:s29+$0x72E0]  }
0x4e: {  	[tilespmem:s29+$0xB2B0] =	vst v0;
	v0 =	vadd.f32 v6, v1;
	v1 =	vld [tilespmem:s29+$0x32F0]  }
0x4f: {  	v6 =	vld [tilespmem:s29+$0x72F0]  }
0x50: {  	[tilespmem:s29+$0xB2C0] =	vst v0;
	v0 =	vadd.f32 v4, v3;
	v3 =	vld [tilespmem:s29+$0x3300]  }
0x51: {  	v4 =	vld [tilespmem:s29+$0x7300]  }
0x52: {  	[tilespmem:s29+$0xB2D0] =	vst v0;
	v0 =	vadd.f32 v5, v2;
	v2 =	vld [tilespmem:s29+$0x3310]  }
0x53: {  	v5 =	vld [tilespmem:s29+$0x7310]  }
0x54: {  	[tilespmem:s29+$0xB2E0] =	vst v0;
	v0 =	vadd.f32 v6, v1;
	v1 =	vld [tilespmem:s29+$0x3320]  }
0x55: {  	v6 =	vld [tilespmem:s29+$0x7320]  }
0x56: {  	[tilespmem:s29+$0xB2F0] =	vst v0;
	v0 =	vadd.f32 v4, v3;
	v3 =	vld [tilespmem:s29+$0x3330]  }
0x57: {  	v4 =	vld [tilespmem:s29+$0x7330]  }
0x58: {  	[tilespmem:s29+$0xB300] =	vst v0;
	v0 =	vadd.f32 v5, v2;
	v2 =	vld [tilespmem:s29+$0x3340]  }
0x59: {  	v5 =	vld [tilespmem:s29+$0x7340]  }
0x5a: {  	[tilespmem:s29+$0xB310] =	vst v0;
	v0 =	vadd.f32 v6, v1;
	v1 =	vld [tilespmem:s29+$0x3350]  }
0x5b: {  	v6 =	vld [tilespmem:s29+$0x7350]  }
0x5c: {  	[tilespmem:s29+$0xB320] =	vst v0;
	v0 =	vadd.f32 v4, v3;
	v3 =	vld [tilespmem:s29+$0x3360]  }
0x5d: {  	v4 =	vld [tilespmem:s29+$0x7360]  }
0x5e: {  	[tilespmem:s29+$0xB330] =	vst v0;
	v0 =	vadd.f32 v5, v2;
	v2 =	vld [tilespmem:s29+$0x3370]  }
0x5f: {  	v5 =	vld [tilespmem:s29+$0x7370]  }
0x60: {  	[tilespmem:s29+$0xB340] =	vst v0;
	v0 =	vadd.f32 v6, v1;
	v1 =	vld [tilespmem:s29+$0x3380]  }
0x61: {  	v6 =	vld [tilespmem:s29+$0x7380]  }
0x62: {  	[tilespmem:s29+$0xB350] =	vst v0;
	v0 =	vadd.f32 v4, v3;
	v3 =	vld [tilespmem:s29+$0x3390]  }
0x63: {  	v4 =	vld [tilespmem:s29+$0x7390]  }
0x64: {  	[tilespmem:s29+$0xB360] =	vst v0;
	v0 =	vadd.f32 v5, v2;
	v2 =	vld [tilespmem:s29+$0x33A0]  }
0x65: {  	v5 =	vld [tilespmem:s29+$0x73A0]  }
0x66: {  	[tilespmem:s29+$0xB370] =	vst v0;
	v0 =	vadd.f32 v6, v1;
	v1 =	vld [tilespmem:s29+$0x33B0]  }
0x67: {  	v6 =	vld [tilespmem:s29+$0x73B0]  }
0x68: {  	v8 =	vld [tilespmem:s29+$0x73C0]  }
0x69: {  	v7 =	vld [tilespmem:s29+$0x33C0];
	[tilespmem:s29+$0xB380] =	vst v0;
	v0 =	vadd.f32 v4, v3  }
0x6a: {  	v3 =	vld [tilespmem:s29+$0x73D0]  }
0x6b: {  	[tilespmem:s29+$0xB390] =	vst v0;
	v0 =	vadd.f32 v5, v2;
	v2 =	vld [tilespmem:s29+$0x33D0]  }
0x6c: {  	v4 =	vld [tilespmem:s29+$0x73E0];
	v5 =	vadd.f32 v6, v1  }
0x6d: {  	s31 =	simm.s32 $0x200;
	[tilespmem:s29+$0xB3A0] =	vst v0;
	v0 =	vld [tilespmem:s29+$0x33E0]  }
0x6e: {  	s30 =	simm.s32 $0x1000;
	s28 =	sshll.u32 s26, $0x8;
	v1 =	vld [tilespmem:s31+$0x33F0];
	[tilespmem:s29+$0xB3B0] =	vst v5;
	v5 =	vadd.f32 v8, v7  }
.LBB2_3:
0x6f: {  	p1 =	sne.s32 s30, $0x7800;
	v6 =	vld [tilespmem:s31+$0x73F0]  }
0x70: {  	v7 =	vld [tilespmem:s31+$0x3200];
	[tilespmem:s29+$0xB3C0] =	vst v5;
	v2 =	vadd.f32 v3, v2  }
0x71: {  	v3 =	vld [tilespmem:s31+$0x7200]  }
0x72: {  	v5 =	vld [tilespmem:s31+$0x3210];
	[tilespmem:s29+$0xB3D0] =	vst v2;
	v0 =	vadd.f32 v4, v0  }
0x73: {  	v2 =	vld [tilespmem:s31+$0x7210]  }
0x74: {  	v4 =	vld [tilespmem:s31+$0x3220];
	v1 =	vadd.f32 v6, v1;
	[tilespmem:s29+$0xB3E0] =	vst v0;
	s29 =	smov.u32 s31  }
0x75: {  	v0 =	vld [tilespmem:s29+$0x7220]  }
0x76: {  	v3 =	vadd.f32 v3, v7;
	v6 =	vld [tilespmem:s29+$0x3230];
	[tilespmem:s29+$0xB3F0] =	vst v1  }
0x77: {  	v1 =	vld [tilespmem:s29+$0x7230]  }
0x78: {  	[tilespmem:s29+$0xB200] =	vst v3;
	v2 =	vadd.f32 v2, v5;
	v3 =	vld [tilespmem:s29+$0x3240]  }
0x79: {  	v5 =	vld [tilespmem:s29+$0x7240]  }
0x7a: {  	[tilespmem:s29+$0xB210] =	vst v2;
	v0 =	vadd.f32 v0, v4;
	v2 =	vld [tilespmem:s29+$0x3250]  }
0x7b: {  	v4 =	vld [tilespmem:s29+$0x7250]  }
0x7c: {  	[tilespmem:s29+$0xB220] =	vst v0;
	v0 =	vadd.f32 v1, v6;
	v1 =	vld [tilespmem:s29+$0x3260]  }
0x7d: {  	v6 =	vld [tilespmem:s29+$0x7260]  }
0x7e: {  	[tilespmem:s29+$0xB230] =	vst v0;
	v0 =	vadd.f32 v5, v3;
	v3 =	vld [tilespmem:s29+$0x3270]  }
0x7f: {  	v5 =	vld [tilespmem:s29+$0x7270]  }
0x80: {  	[tilespmem:s29+$0xB240] =	vst v0;
	v0 =	vadd.f32 v4, v2;
	v2 =	vld [tilespmem:s29+$0x3280]  }
0x81: {  	v4 =	vld [tilespmem:s29+$0x7280]  }
0x82: {  	[tilespmem:s29+$0xB250] =	vst v0;
	v0 =	vadd.f32 v6, v1;
	v1 =	vld [tilespmem:s29+$0x3290]  }
0x83: {  	v6 =	vld [tilespmem:s29+$0x7290]  }
0x84: {  	[tilespmem:s29+$0xB260] =	vst v0;
	v0 =	vadd.f32 v5, v3;
	v3 =	vld [tilespmem:s29+$0x32A0]  }
0x85: {  	v5 =	vld [tilespmem:s29+$0x72A0]  }
0x86: {  	[tilespmem:s29+$0xB270] =	vst v0;
	v0 =	vadd.f32 v4, v2;
	v2 =	vld [tilespmem:s29+$0x32B0]  }
0x87: {  	v4 =	vld [tilespmem:s29+$0x72B0]  }
0x88: {  	[tilespmem:s29+$0xB280] =	vst v0;
	v0 =	vadd.f32 v6, v1;
	v1 =	vld [tilespmem:s29+$0x32C0]  }
0x89: {  	v6 =	vld [tilespmem:s29+$0x72C0]  }
0x8a: {  	[tilespmem:s29+$0xB290] =	vst v0;
	v0 =	vadd.f32 v5, v3;
	v3 =	vld [tilespmem:s29+$0x32D0]  }
0x8b: {  	v5 =	vld [tilespmem:s29+$0x72D0]  }
0x8c: {  	[tilespmem:s29+$0xB2A0] =	vst v0;
	v0 =	vadd.f32 v4, v2;
	v2 =	vld [tilespmem:s29+$0x32E0]  }
0x8d: {  	v4 =	vld [tilespmem:s29+$0x72E0]  }
0x8e: {  	[tilespmem:s29+$0xB2B0] =	vst v0;
	v0 =	vadd.f32 v6, v1;
	v1 =	vld [tilespmem:s29+$0x32F0]  }
0x8f: {  	v6 =	vld [tilespmem:s29+$0x72F0]  }
0x90: {  	[tilespmem:s29+$0xB2C0] =	vst v0;
	v0 =	vadd.f32 v5, v3;
	v3 =	vld [tilespmem:s29+$0x3300]  }
0x91: {  	v5 =	vld [tilespmem:s29+$0x7300]  }
0x92: {  	[tilespmem:s29+$0xB2D0] =	vst v0;
	v0 =	vadd.f32 v4, v2;
	v2 =	vld [tilespmem:s29+$0x3310]  }
0x93: {  	v4 =	vld [tilespmem:s29+$0x7310]  }
0x94: {  	[tilespmem:s29+$0xB2E0] =	vst v0;
	v0 =	vadd.f32 v6, v1;
	v1 =	vld [tilespmem:s29+$0x3320]  }
0x95: {  	v6 =	vld [tilespmem:s29+$0x7320]  }
0x96: {  	[tilespmem:s29+$0xB2F0] =	vst v0;
	v0 =	vadd.f32 v5, v3;
	v3 =	vld [tilespmem:s29+$0x3330]  }
0x97: {  	v5 =	vld [tilespmem:s29+$0x7330]  }
0x98: {  	[tilespmem:s29+$0xB300] =	vst v0;
	v0 =	vadd.f32 v4, v2;
	v2 =	vld [tilespmem:s29+$0x3340]  }
0x99: {  	v4 =	vld [tilespmem:s29+$0x7340]  }
0x9a: {  	[tilespmem:s29+$0xB310] =	vst v0;
	v0 =	vadd.f32 v6, v1;
	v1 =	vld [tilespmem:s29+$0x3350]  }
0x9b: {  	v6 =	vld [tilespmem:s29+$0x7350]  }
0x9c: {  	[tilespmem:s29+$0xB320] =	vst v0;
	v0 =	vadd.f32 v5, v3;
	v3 =	vld [tilespmem:s29+$0x3360]  }
0x9d: {  	v5 =	vld [tilespmem:s29+$0x7360]  }
0x9e: {  	[tilespmem:s29+$0xB330] =	vst v0;
	v0 =	vadd.f32 v4, v2;
	v2 =	vld [tilespmem:s29+$0x3370]  }
0x9f: {  	v4 =	vld [tilespmem:s29+$0x7370]  }
0xa0: {  	[tilespmem:s29+$0xB340] =	vst v0;
	v0 =	vadd.f32 v6, v1;
	v1 =	vld [tilespmem:s29+$0x3380]  }
0xa1: {  	v6 =	vld [tilespmem:s29+$0x7380]  }
0xa2: {  	[tilespmem:s29+$0xB350] =	vst v0;
	v0 =	vadd.f32 v5, v3;
	v3 =	vld [tilespmem:s29+$0x3390]  }
0xa3: {  	v5 =	vld [tilespmem:s29+$0x7390]  }
0xa4: {  	[tilespmem:s29+$0xB360] =	vst v0;
	v0 =	vadd.f32 v4, v2;
	v2 =	vld [tilespmem:s29+$0x33A0]  }
0xa5: {  	v4 =	vld [tilespmem:s29+$0x73A0]  }
0xa6: {  	[tilespmem:s29+$0xB370] =	vst v0;
	v0 =	vadd.f32 v6, v1;
	v1 =	vld [tilespmem:s29+$0x33B0]  }
0xa7: {  	v6 =	vld [tilespmem:s29+$0x73B0]  }
0xa8: {  	[tilespmem:s29+$0xB380] =	vst v0;
	v0 =	vadd.f32 v5, v3;
	v5 =	vld [tilespmem:s29+$0x33C0]  }
0xa9: {  	v7 =	vld [tilespmem:s29+$0x73C0]  }
.Ltmp2:
0xaa: {  	[tilespmem:s29+$0xB390] =	vst v0;
	v0 =	vadd.f32 v4, v2;
	v2 =	vld [tilespmem:s29+$0x33D0];
	(pc) =	sbr.rel @p1 .LBB2_3-.Ltmp2, $4  }
0xab: {  	v3 =	vld [tilespmem:s29+$0x73D0]  }
0xac: {  	[tilespmem:s29+$0xB3A0] =	vst v0;
	v6 =	vadd.f32 v6, v1;
	v0 =	vld [tilespmem:s29+$0x33E0]  }
0xad: {  	s31 =	sshra.s32 s30, $0x2;
	v4 =	vld [tilespmem:s29+$0x73E0]  }
0xae: {  	s30 =	sadd.s32 $0x800, s30;
	v1 =	vld [tilespmem:s31+$0x33F0];
	[tilespmem:s29+$0xB3B0] =	vst v6;
	v5 =	vadd.f32 v7, v5  }
0xaf: {  	v6 =	vld [tilespmem:s31+$0x73F0]  }
0xb0: {  	v7 =	vld [tilespmem:s31+$0x3200];
	[tilespmem:s29+$0xB3C0] =	vst v5;
	v2 =	vadd.f32 v3, v2  }
0xb1: {  	v3 =	vld [tilespmem:s31+$0x7200]  }
0xb2: {  	v5 =	vld [tilespmem:s31+$0x3210];
	[tilespmem:s29+$0xB3D0] =	vst v2;
	v0 =	vadd.f32 v4, v0  }
0xb3: {  	v2 =	vld [tilespmem:s31+$0x7210]  }
0xb4: {  	v4 =	vld [tilespmem:s31+$0x3220];
	[tilespmem:s29+$0xB3E0] =	vst v0  }
0xb5: {  	v0 =	vadd.f32 v6, v1;
	v1 =	vld [tilespmem:s31+$0x7220]  }
0xb6: {  	v6 =	vld [tilespmem:s31+$0x3230]  }
0xb7: {  	v3 =	vadd.f32 v3, v7;
	[tilespmem:s31+$0xB3F0] =	vst v0;
	v0 =	vld [tilespmem:s31+$0x7230]  }
0xb8: {  	v7 =	vld [tilespmem:s31+$0x73E0]  }
0xb9: {  	[tilespmem:s31+$0xB200] =	vst v3;
	v2 =	vadd.f32 v2, v5;
	v3 =	vld [tilespmem:s31+$0x3240]  }
0xba: {  	v5 =	vld [tilespmem:s31+$0x7240]  }
0xbb: {  	[tilespmem:s31+$0xB210] =	vst v2;
	v2 =	vld [tilespmem:s31+$0x3250]  }
0xbc: {  	v1 =	vadd.f32 v1, v4;
	v4 =	vld [tilespmem:s31+$0x7250]  }
0xbd: {  	v0 =	vadd.f32 v0, v6;
	v6 =	vld [tilespmem:s31+$0x7260]  }
0xbe: {  	[tilespmem:s31+$0xB220] =	vst v1;
	v1 =	vld [tilespmem:s31+$0x3260]  }
0xbf: {  	[tilespmem:s31+$0xB230] =	vst v0;
	v0 =	vadd.f32 v5, v3;
	v3 =	vld [tilespmem:s31+$0x3270]  }
0xc0: {  	v5 =	vld [tilespmem:s31+$0x7270]  }
0xc1: {  	[tilespmem:s31+$0xB240] =	vst v0;
	v0 =	vadd.f32 v4, v2;
	v2 =	vld [tilespmem:s31+$0x3280]  }
0xc2: {  	v4 =	vld [tilespmem:s31+$0x7280]  }
0xc3: {  	[tilespmem:s31+$0xB250] =	vst v0;
	v0 =	vadd.f32 v6, v1;
	v1 =	vld [tilespmem:s31+$0x3290]  }
0xc4: {  	v6 =	vld [tilespmem:s31+$0x7290]  }
0xc5: {  	[tilespmem:s31+$0xB260] =	vst v0;
	v0 =	vadd.f32 v5, v3;
	v3 =	vld [tilespmem:s31+$0x32A0]  }
0xc6: {  	v5 =	vld [tilespmem:s31+$0x72A0]  }
0xc7: {  	[tilespmem:s31+$0xB270] =	vst v0;
	v0 =	vadd.f32 v4, v2;
	v2 =	vld [tilespmem:s31+$0x32B0]  }
0xc8: {  	v4 =	vld [tilespmem:s31+$0x72B0]  }
0xc9: {  	[tilespmem:s31+$0xB280] =	vst v0;
	v0 =	vadd.f32 v6, v1;
	v1 =	vld [tilespmem:s31+$0x32C0]  }
0xca: {  	v6 =	vld [tilespmem:s31+$0x72C0]  }
0xcb: {  	[tilespmem:s31+$0xB290] =	vst v0;
	v0 =	vadd.f32 v5, v3;
	v3 =	vld [tilespmem:s31+$0x32D0]  }
0xcc: {  	v5 =	vld [tilespmem:s31+$0x72D0]  }
0xcd: {  	[tilespmem:s31+$0xB2A0] =	vst v0;
	v0 =	vadd.f32 v4, v2;
	v2 =	vld [tilespmem:s31+$0x32E0]  }
0xce: {  	v4 =	vld [tilespmem:s31+$0x72E0]  }
0xcf: {  	[tilespmem:s31+$0xB2B0] =	vst v0;
	v0 =	vadd.f32 v6, v1;
	v1 =	vld [tilespmem:s31+$0x32F0]  }
0xd0: {  	v6 =	vld [tilespmem:s31+$0x72F0]  }
0xd1: {  	[tilespmem:s31+$0xB2C0] =	vst v0;
	v0 =	vadd.f32 v5, v3;
	v3 =	vld [tilespmem:s31+$0x3300]  }
0xd2: {  	v5 =	vld [tilespmem:s31+$0x7300]  }
0xd3: {  	[tilespmem:s31+$0xB2D0] =	vst v0;
	v0 =	vadd.f32 v4, v2;
	v2 =	vld [tilespmem:s31+$0x3310]  }
0xd4: {  	v4 =	vld [tilespmem:s31+$0x7310]  }
0xd5: {  	[tilespmem:s31+$0xB2E0] =	vst v0;
	v0 =	vadd.f32 v6, v1;
	v1 =	vld [tilespmem:s31+$0x3320]  }
0xd6: {  	v6 =	vld [tilespmem:s31+$0x7320]  }
0xd7: {  	[tilespmem:s31+$0xB2F0] =	vst v0;
	v0 =	vadd.f32 v5, v3;
	v3 =	vld [tilespmem:s31+$0x3330]  }
0xd8: {  	v5 =	vld [tilespmem:s31+$0x7330]  }
0xd9: {  	[tilespmem:s31+$0xB300] =	vst v0;
	v0 =	vadd.f32 v4, v2;
	v2 =	vld [tilespmem:s31+$0x3340]  }
0xda: {  	v4 =	vld [tilespmem:s31+$0x7340]  }
0xdb: {  	[tilespmem:s31+$0xB310] =	vst v0;
	v0 =	vadd.f32 v6, v1;
	v1 =	vld [tilespmem:s31+$0x3350]  }
0xdc: {  	v6 =	vld [tilespmem:s31+$0x7350]  }
0xdd: {  	[tilespmem:s31+$0xB320] =	vst v0;
	v0 =	vadd.f32 v5, v3;
	v3 =	vld [tilespmem:s31+$0x3360]  }
0xde: {  	v5 =	vld [tilespmem:s31+$0x7360]  }
0xdf: {  	[tilespmem:s31+$0xB330] =	vst v0;
	v0 =	vadd.f32 v4, v2;
	v2 =	vld [tilespmem:s31+$0x3370]  }
0xe0: {  	v4 =	vld [tilespmem:s31+$0x7370]  }
0xe1: {  	[tilespmem:s31+$0xB340] =	vst v0;
	v0 =	vadd.f32 v6, v1;
	v1 =	vld [tilespmem:s31+$0x3380]  }
0xe2: {  	v6 =	vld [tilespmem:s31+$0x7380]  }
0xe3: {  	[tilespmem:s31+$0xB350] =	vst v0;
	v0 =	vadd.f32 v5, v3;
	v3 =	vld [tilespmem:s31+$0x3390]  }
0xe4: {  	v5 =	vld [tilespmem:s31+$0x7390]  }
0xe5: {  	[tilespmem:s31+$0xB360] =	vst v0;
	v0 =	vadd.f32 v4, v2;
	v2 =	vld [tilespmem:s31+$0x33A0]  }
0xe6: {  	v4 =	vld [tilespmem:s31+$0x73A0]  }
0xe7: {  	[tilespmem:s31+$0xB370] =	vst v0;
	v0 =	vadd.f32 v6, v1;
	v1 =	vld [tilespmem:s31+$0x33B0]  }
0xe8: {  	v6 =	vld [tilespmem:s31+$0x73B0]  }
0xe9: {  	[tilespmem:s31+$0xB380] =	vst v0;
	v0 =	vadd.f32 v5, v3;
	v3 =	vld [tilespmem:s31+$0x33C0]  }
0xea: {  	v5 =	vld [tilespmem:s31+$0x73C0]  }
0xeb: {  	[tilespmem:s31+$0xB390] =	vst v0;
	v0 =	vadd.f32 v4, v2;
	v2 =	vld [tilespmem:s31+$0x33D0]  }
0xec: {  	v4 =	vld [tilespmem:s31+$0x73D0]  }
0xed: {  	[tilespmem:s31+$0xB3A0] =	vst v0;
	v0 =	vld [tilespmem:s31+$0x33E0];
	_ =	sdelay $0x1  }
0xee: {  	v1 =	vadd.f32 v6, v1  }
0xef: {  	v3 =	vadd.f32 v5, v3  }
0xf0: {  	s29 =	sshll.u32 s26, $0xE;
	[tilespmem:s31+$0xB3B0] =	vst v1;
	v1 =	vadd.f32 v4, v2  }
0xf1: {  	s29 =	sadd.s32 s8, s29;
	[tilespmem:s31+$0xB3C0] =	vst v3;
	v0 =	vadd.f32 v7, v0  }
0xf2: {  	s29 =	sshrl.u32 s29, $0x3;
	[tilespmem:s31+$0xB3D0] =	vst v1  }
0xf3: {  	p1 =	seq.s32 s26, $0x18;
	s29 =	sadd.s32 s5, s29;
	[tilespmem:s31+$0xB3E0] =	vst v0  }
0xf4: {  	[hbm4b:s29+s3] =	stream.linear.scatter [tilespmem:s20], [sflag:$0x3], $0x2000, $0x38;
	[tilespmem:$0xF200] =	vst v63  }
0xf5: {  	s30 =	simm.s32 @!p1 $0x80;
	s31 =	simm.s32 @!p1 $0x3200;
	s29 =	sadd.s32 @!p1 $0x100, s28  }
0xf6: {  	[tilespmem:s31], [sflag:$0x1] =	stream.indirect.gather @!p1 [hbm4b:s4+s30], $0x40, s29, s30, $0xb8;
	[tilespmem:$0xF200] =	vst v63  }
0xf7: {  	s29 =	sadd.s32 @!p1 $0x1A00, s28;
	s31 =	simm.s32 @!p1 $0x7200  }
0xf8: {  	[tilespmem:s31], [sflag:$0x1] =	stream.indirect.gather @!p1 [hbm4b:s2+s30], $0x40, s29, s30, $0xb8;
	[tilespmem:$0xF200] =	vst v63  }
0xf9: {  	_ =	swait.ge [sflag:s21], $0x2000  }
0xfa: {  	[sflag:s21] =	ssyncset.done $0x0  }
0xfb: {  	[sflag:s21] =	ssyncadd.s32 $0xFFFFE000  }
0xfc: {  	_ =	swait.ge [sflag:s21], $0x2000  }
0xfd: {  	[sflag:s21] =	ssyncset.done $0x0  }
0xfe: {  	s29 =	simm.s32 @!p0 $0x4;
	[sflag:s21] =	ssyncadd.s32 $0xFFFFE000  }
0xff: {  	_ =	swait.ge @!p0 [sflag:s29], $0x2000  }
0x100: {  	[sflag:s29] =	ssyncset.done @!p0 $0x0  }
0x101: {  	[sflag:s29] =	ssyncadd.s32 @!p0 $0xFFFFE000;
	s29 =	simm.s32 $0x0  }
0x102: {  	v0 =	vld [tilespmem:s29+$0x53F0]  }
0x103: {  	v1 =	vld [tilespmem:s29+$0x93F0]  }
0x104: {  	v2 =	vld [tilespmem:s29+$0x5200]  }
0x105: {  	v3 =	vld [tilespmem:s29+$0x9200]  }
0x106: {  	v4 =	vld [tilespmem:s29+$0x5210]  }
0x107: {  	v5 =	vld [tilespmem:s29+$0x9210]  }
0x108: {  	v6 =	vld [tilespmem:s29+$0x5220]  }
0x109: {  	v7 =	vld [tilespmem:s29+$0x5230];
	v0 =	vadd.f32 v1, v0  }
0x10a: {  	v1 =	vld [tilespmem:s29+$0x9220]  }
0x10b: {  	v2 =	vadd.f32 v3, v2;
	[tilespmem:s29+$0xD3F0] =	vst v0;
	v0 =	vld [tilespmem:s29+$0x9230]  }
0x10c: {  	v3 =	vld [tilespmem:s29+$0x5240]  }
0x10d: {  	[tilespmem:s29+$0xD200] =	vst v2;
	v2 =	vadd.f32 v5, v4;
	v4 =	vld [tilespmem:s29+$0x9240]  }
0x10e: {  	v5 =	vld [tilespmem:s29+$0x9250]  }
0x10f: {  	[tilespmem:s29+$0xD210] =	vst v2;
	v2 =	vld [tilespmem:s29+$0x5250];
	v1 =	vadd.f32 v1, v6  }
0x110: {  	v6 =	vld [tilespmem:s29+$0x9260];
	v0 =	vadd.f32 v0, v7  }
0x111: {  	[tilespmem:s29+$0xD220] =	vst v1;
	v1 =	vld [tilespmem:s29+$0x5260]  }
0x112: {  	[tilespmem:s29+$0xD230] =	vst v0;
	v0 =	vadd.f32 v4, v3;
	v3 =	vld [tilespmem:s29+$0x5270]  }
0x113: {  	v4 =	vld [tilespmem:s29+$0x9270]  }
0x114: {  	[tilespmem:s29+$0xD240] =	vst v0;
	v0 =	vadd.f32 v5, v2;
	v2 =	vld [tilespmem:s29+$0x5280]  }
0x115: {  	v5 =	vld [tilespmem:s29+$0x9280]  }
0x116: {  	[tilespmem:s29+$0xD250] =	vst v0;
	v0 =	vadd.f32 v6, v1;
	v1 =	vld [tilespmem:s29+$0x5290]  }
0x117: {  	v6 =	vld [tilespmem:s29+$0x9290]  }
0x118: {  	[tilespmem:s29+$0xD260] =	vst v0;
	v0 =	vadd.f32 v4, v3;
	v3 =	vld [tilespmem:s29+$0x52A0]  }
0x119: {  	v4 =	vld [tilespmem:s29+$0x92A0]  }
0x11a: {  	[tilespmem:s29+$0xD270] =	vst v0;
	v0 =	vadd.f32 v5, v2;
	v2 =	vld [tilespmem:s29+$0x52B0]  }
0x11b: {  	v5 =	vld [tilespmem:s29+$0x92B0]  }
0x11c: {  	[tilespmem:s29+$0xD280] =	vst v0;
	v0 =	vadd.f32 v6, v1;
	v1 =	vld [tilespmem:s29+$0x52C0]  }
0x11d: {  	v6 =	vld [tilespmem:s29+$0x92C0]  }
0x11e: {  	[tilespmem:s29+$0xD290] =	vst v0;
	v0 =	vadd.f32 v4, v3;
	v3 =	vld [tilespmem:s29+$0x52D0]  }
0x11f: {  	v4 =	vld [tilespmem:s29+$0x92D0]  }
0x120: {  	[tilespmem:s29+$0xD2A0] =	vst v0;
	v0 =	vadd.f32 v5, v2;
	v2 =	vld [tilespmem:s29+$0x52E0]  }
0x121: {  	v5 =	vld [tilespmem:s29+$0x92E0]  }
0x122: {  	[tilespmem:s29+$0xD2B0] =	vst v0;
	v0 =	vadd.f32 v6, v1;
	v1 =	vld [tilespmem:s29+$0x52F0]  }
0x123: {  	v6 =	vld [tilespmem:s29+$0x92F0]  }
0x124: {  	[tilespmem:s29+$0xD2C0] =	vst v0;
	v0 =	vadd.f32 v4, v3;
	v3 =	vld [tilespmem:s29+$0x5300]  }
0x125: {  	v4 =	vld [tilespmem:s29+$0x9300]  }
0x126: {  	[tilespmem:s29+$0xD2D0] =	vst v0;
	v0 =	vadd.f32 v5, v2;
	v2 =	vld [tilespmem:s29+$0x5310]  }
0x127: {  	v5 =	vld [tilespmem:s29+$0x9310]  }
0x128: {  	[tilespmem:s29+$0xD2E0] =	vst v0;
	v0 =	vadd.f32 v6, v1;
	v1 =	vld [tilespmem:s29+$0x5320]  }
0x129: {  	v6 =	vld [tilespmem:s29+$0x9320]  }
0x12a: {  	[tilespmem:s29+$0xD2F0] =	vst v0;
	v0 =	vadd.f32 v4, v3;
	v3 =	vld [tilespmem:s29+$0x5330]  }
0x12b: {  	v4 =	vld [tilespmem:s29+$0x9330]  }
0x12c: {  	[tilespmem:s29+$0xD300] =	vst v0;
	v0 =	vadd.f32 v5, v2;
	v2 =	vld [tilespmem:s29+$0x5340]  }
0x12d: {  	v5 =	vld [tilespmem:s29+$0x9340]  }
0x12e: {  	[tilespmem:s29+$0xD310] =	vst v0;
	v0 =	vadd.f32 v6, v1;
	v1 =	vld [tilespmem:s29+$0x5350]  }
0x12f: {  	v6 =	vld [tilespmem:s29+$0x9350]  }
0x130: {  	[tilespmem:s29+$0xD320] =	vst v0;
	v0 =	vadd.f32 v4, v3;
	v3 =	vld [tilespmem:s29+$0x5360]  }
0x131: {  	v4 =	vld [tilespmem:s29+$0x9360]  }
0x132: {  	[tilespmem:s29+$0xD330] =	vst v0;
	v0 =	vadd.f32 v5, v2;
	v2 =	vld [tilespmem:s29+$0x5370]  }
0x133: {  	v5 =	vld [tilespmem:s29+$0x9370]  }
0x134: {  	[tilespmem:s29+$0xD340] =	vst v0;
	v0 =	vadd.f32 v6, v1;
	v1 =	vld [tilespmem:s29+$0x5380]  }
0x135: {  	v6 =	vld [tilespmem:s29+$0x9380]  }
0x136: {  	[tilespmem:s29+$0xD350] =	vst v0;
	v0 =	vadd.f32 v4, v3;
	v3 =	vld [tilespmem:s29+$0x5390]  }
0x137: {  	v4 =	vld [tilespmem:s29+$0x9390]  }
0x138: {  	[tilespmem:s29+$0xD360] =	vst v0;
	v0 =	vadd.f32 v5, v2;
	v2 =	vld [tilespmem:s29+$0x53A0]  }
0x139: {  	v5 =	vld [tilespmem:s29+$0x93A0]  }
0x13a: {  	[tilespmem:s29+$0xD370] =	vst v0;
	v0 =	vadd.f32 v6, v1;
	v1 =	vld [tilespmem:s29+$0x53B0]  }
0x13b: {  	v6 =	vld [tilespmem:s29+$0x93B0]  }
0x13c: {  	v8 =	vld [tilespmem:s29+$0x93C0]  }
0x13d: {  	v7 =	vld [tilespmem:s29+$0x53C0];
	[tilespmem:s29+$0xD380] =	vst v0;
	v0 =	vadd.f32 v4, v3  }
0x13e: {  	v3 =	vld [tilespmem:s29+$0x93D0]  }
0x13f: {  	[tilespmem:s29+$0xD390] =	vst v0;
	v0 =	vadd.f32 v5, v2;
	v2 =	vld [tilespmem:s29+$0x53D0]  }
0x140: {  	v4 =	vld [tilespmem:s29+$0x93E0];
	v5 =	vadd.f32 v6, v1  }
0x141: {  	s31 =	simm.s32 $0x200;
	[tilespmem:s29+$0xD3A0] =	vst v0;
	v0 =	vld [tilespmem:s29+$0x53E0]  }
0x142: {  	s30 =	simm.s32 $0x1000;
	v1 =	vld [tilespmem:s31+$0x53F0];
	[tilespmem:s29+$0xD3B0] =	vst v5;
	v5 =	vadd.f32 v8, v7  }
.LBB2_5:
0x143: {  	p0 =	sne.s32 s30, $0x7800;
	v6 =	vld [tilespmem:s31+$0x93F0]  }
0x144: {  	v7 =	vld [tilespmem:s31+$0x5200];
	[tilespmem:s29+$0xD3C0] =	vst v5;
	v2 =	vadd.f32 v3, v2  }
0x145: {  	v3 =	vld [tilespmem:s31+$0x9200]  }
0x146: {  	v5 =	vld [tilespmem:s31+$0x5210];
	[tilespmem:s29+$0xD3D0] =	vst v2;
	v0 =	vadd.f32 v4, v0  }
0x147: {  	v2 =	vld [tilespmem:s31+$0x9210]  }
0x148: {  	v4 =	vld [tilespmem:s31+$0x5220];
	v1 =	vadd.f32 v6, v1;
	[tilespmem:s29+$0xD3E0] =	vst v0;
	s29 =	smov.u32 s31  }
0x149: {  	v0 =	vld [tilespmem:s29+$0x9220]  }
0x14a: {  	v3 =	vadd.f32 v3, v7;
	v6 =	vld [tilespmem:s29+$0x5230];
	[tilespmem:s29+$0xD3F0] =	vst v1  }
0x14b: {  	v1 =	vld [tilespmem:s29+$0x9230]  }
0x14c: {  	[tilespmem:s29+$0xD200] =	vst v3;
	v2 =	vadd.f32 v2, v5;
	v3 =	vld [tilespmem:s29+$0x5240]  }
0x14d: {  	v5 =	vld [tilespmem:s29+$0x9240]  }
0x14e: {  	[tilespmem:s29+$0xD210] =	vst v2;
	v0 =	vadd.f32 v0, v4;
	v2 =	vld [tilespmem:s29+$0x5250]  }
0x14f: {  	v4 =	vld [tilespmem:s29+$0x9250]  }
0x150: {  	[tilespmem:s29+$0xD220] =	vst v0;
	v0 =	vadd.f32 v1, v6;
	v1 =	vld [tilespmem:s29+$0x5260]  }
0x151: {  	v6 =	vld [tilespmem:s29+$0x9260]  }
0x152: {  	[tilespmem:s29+$0xD230] =	vst v0;
	v0 =	vadd.f32 v5, v3;
	v3 =	vld [tilespmem:s29+$0x5270]  }
0x153: {  	v5 =	vld [tilespmem:s29+$0x9270]  }
0x154: {  	[tilespmem:s29+$0xD240] =	vst v0;
	v0 =	vadd.f32 v4, v2;
	v2 =	vld [tilespmem:s29+$0x5280]  }
0x155: {  	v4 =	vld [tilespmem:s29+$0x9280]  }
0x156: {  	[tilespmem:s29+$0xD250] =	vst v0;
	v0 =	vadd.f32 v6, v1;
	v1 =	vld [tilespmem:s29+$0x5290]  }
0x157: {  	v6 =	vld [tilespmem:s29+$0x9290]  }
0x158: {  	[tilespmem:s29+$0xD260] =	vst v0;
	v0 =	vadd.f32 v5, v3;
	v3 =	vld [tilespmem:s29+$0x52A0]  }
0x159: {  	v5 =	vld [tilespmem:s29+$0x92A0]  }
0x15a: {  	[tilespmem:s29+$0xD270] =	vst v0;
	v0 =	vadd.f32 v4, v2;
	v2 =	vld [tilespmem:s29+$0x52B0]  }
0x15b: {  	v4 =	vld [tilespmem:s29+$0x92B0]  }
0x15c: {  	[tilespmem:s29+$0xD280] =	vst v0;
	v0 =	vadd.f32 v6, v1;
	v1 =	vld [tilespmem:s29+$0x52C0]  }
0x15d: {  	v6 =	vld [tilespmem:s29+$0x92C0]  }
0x15e: {  	[tilespmem:s29+$0xD290] =	vst v0;
	v0 =	vadd.f32 v5, v3;
	v3 =	vld [tilespmem:s29+$0x52D0]  }
0x15f: {  	v5 =	vld [tilespmem:s29+$0x92D0]  }
0x160: {  	[tilespmem:s29+$0xD2A0] =	vst v0;
	v0 =	vadd.f32 v4, v2;
	v2 =	vld [tilespmem:s29+$0x52E0]  }
0x161: {  	v4 =	vld [tilespmem:s29+$0x92E0]  }
0x162: {  	[tilespmem:s29+$0xD2B0] =	vst v0;
	v0 =	vadd.f32 v6, v1;
	v1 =	vld [tilespmem:s29+$0x52F0]  }
0x163: {  	v6 =	vld [tilespmem:s29+$0x92F0]  }
0x164: {  	[tilespmem:s29+$0xD2C0] =	vst v0;
	v0 =	vadd.f32 v5, v3;
	v3 =	vld [tilespmem:s29+$0x5300]  }
0x165: {  	v5 =	vld [tilespmem:s29+$0x9300]  }
0x166: {  	[tilespmem:s29+$0xD2D0] =	vst v0;
	v0 =	vadd.f32 v4, v2;
	v2 =	vld [tilespmem:s29+$0x5310]  }
0x167: {  	v4 =	vld [tilespmem:s29+$0x9310]  }
0x168: {  	[tilespmem:s29+$0xD2E0] =	vst v0;
	v0 =	vadd.f32 v6, v1;
	v1 =	vld [tilespmem:s29+$0x5320]  }
0x169: {  	v6 =	vld [tilespmem:s29+$0x9320]  }
0x16a: {  	[tilespmem:s29+$0xD2F0] =	vst v0;
	v0 =	vadd.f32 v5, v3;
	v3 =	vld [tilespmem:s29+$0x5330]  }
0x16b: {  	v5 =	vld [tilespmem:s29+$0x9330]  }
0x16c: {  	[tilespmem:s29+$0xD300] =	vst v0;
	v0 =	vadd.f32 v4, v2;
	v2 =	vld [tilespmem:s29+$0x5340]  }
0x16d: {  	v4 =	vld [tilespmem:s29+$0x9340]  }
0x16e: {  	[tilespmem:s29+$0xD310] =	vst v0;
	v0 =	vadd.f32 v6, v1;
	v1 =	vld [tilespmem:s29+$0x5350]  }
0x16f: {  	v6 =	vld [tilespmem:s29+$0x9350]  }
0x170: {  	[tilespmem:s29+$0xD320] =	vst v0;
	v0 =	vadd.f32 v5, v3;
	v3 =	vld [tilespmem:s29+$0x5360]  }
0x171: {  	v5 =	vld [tilespmem:s29+$0x9360]  }
0x172: {  	[tilespmem:s29+$0xD330] =	vst v0;
	v0 =	vadd.f32 v4, v2;
	v2 =	vld [tilespmem:s29+$0x5370]  }
0x173: {  	v4 =	vld [tilespmem:s29+$0x9370]  }
0x174: {  	[tilespmem:s29+$0xD340] =	vst v0;
	v0 =	vadd.f32 v6, v1;
	v1 =	vld [tilespmem:s29+$0x5380]  }
0x175: {  	v6 =	vld [tilespmem:s29+$0x9380]  }
0x176: {  	[tilespmem:s29+$0xD350] =	vst v0;
	v0 =	vadd.f32 v5, v3;
	v3 =	vld [tilespmem:s29+$0x5390]  }
0x177: {  	v5 =	vld [tilespmem:s29+$0x9390]  }
0x178: {  	[tilespmem:s29+$0xD360] =	vst v0;
	v0 =	vadd.f32 v4, v2;
	v2 =	vld [tilespmem:s29+$0x53A0]  }
0x179: {  	v4 =	vld [tilespmem:s29+$0x93A0]  }
0x17a: {  	[tilespmem:s29+$0xD370] =	vst v0;
	v0 =	vadd.f32 v6, v1;
	v1 =	vld [tilespmem:s29+$0x53B0]  }
0x17b: {  	v6 =	vld [tilespmem:s29+$0x93B0]  }
0x17c: {  	[tilespmem:s29+$0xD380] =	vst v0;
	v0 =	vadd.f32 v5, v3;
	v5 =	vld [tilespmem:s29+$0x53C0]  }
0x17d: {  	v7 =	vld [tilespmem:s29+$0x93C0]  }
.Ltmp3:
0x17e: {  	[tilespmem:s29+$0xD390] =	vst v0;
	v0 =	vadd.f32 v4, v2;
	v2 =	vld [tilespmem:s29+$0x53D0];
	(pc) =	sbr.rel @p0 .LBB2_5-.Ltmp3, $4  }
0x17f: {  	v3 =	vld [tilespmem:s29+$0x93D0]  }
0x180: {  	[tilespmem:s29+$0xD3A0] =	vst v0;
	v6 =	vadd.f32 v6, v1;
	v0 =	vld [tilespmem:s29+$0x53E0]  }
0x181: {  	s31 =	sshra.s32 s30, $0x2;
	v4 =	vld [tilespmem:s29+$0x93E0]  }
0x182: {  	s30 =	sadd.s32 $0x800, s30;
	v1 =	vld [tilespmem:s31+$0x53F0];
	[tilespmem:s29+$0xD3B0] =	vst v6;
	v5 =	vadd.f32 v7, v5  }
0x183: {  	v6 =	vld [tilespmem:s31+$0x93F0]  }
0x184: {  	v7 =	vld [tilespmem:s31+$0x5200];
	[tilespmem:s29+$0xD3C0] =	vst v5;
	v2 =	vadd.f32 v3, v2  }
0x185: {  	v35 =	vld [tilespmem:s31+$0x9200]  }
0x186: {  	v5 =	vld [tilespmem:s31+$0x5210];
	[tilespmem:s29+$0xD3D0] =	vst v2;
	v0 =	vadd.f32 v4, v0  }
0x187: {  	v2 =	vld [tilespmem:s31+$0x9210]  }
0x188: {  	v36 =	vld [tilespmem:s31+$0x5220];
	[tilespmem:s29+$0xD3E0] =	vst v0  }
0x189: {  	v38 =	vld [tilespmem:s31+$0x9220]  }
0x18a: {  	v39 =	vld [tilespmem:s31+$0x5230]  }
0x18b: {  	v40 =	vld [tilespmem:s31+$0x9230]  }
0x18c: {  	v41 =	vld [tilespmem:s31+$0x5240]  }
0x18d: {  	v42 =	vld [tilespmem:s31+$0x9240]  }
0x18e: {  	v43 =	vld [tilespmem:s31+$0x5250]  }
0x18f: {  	v44 =	vld [tilespmem:s31+$0x9250]  }
0x190: {  	v45 =	vld [tilespmem:s31+$0x5260]  }
0x191: {  	v46 =	vld [tilespmem:s31+$0x9260]  }
0x192: {  	v48 =	vld [tilespmem:s31+$0x5270]  }
0x193: {  	v49 =	vld [tilespmem:s31+$0x9270]  }
0x194: {  	v51 =	vld [tilespmem:s31+$0x5280]  }
0x195: {  	v52 =	vld [tilespmem:s31+$0x9280]  }
0x196: {  	v54 =	vld [tilespmem:s31+$0x5290]  }
0x197: {  	v55 =	vld [tilespmem:s31+$0x9290]  }
0x198: {  	v57 =	vld [tilespmem:s31+$0x52A0]  }
0x199: {  	v58 =	vld [tilespmem:s31+$0x92A0]  }
0x19a: {  	v60 =	vld [tilespmem:s31+$0x52B0]  }
0x19b: {  	v61 =	vld [tilespmem:s31+$0x92B0]  }
0x19c: {  	v63 =	vld [tilespmem:s31+$0x52C0]  }
0x19d: {  	v9 =	vld [tilespmem:s31+$0x92C0]  }
0x19e: {  	v11 =	vld [tilespmem:s31+$0x52D0]  }
0x19f: {  	v12 =	vld [tilespmem:s31+$0x92D0]  }
0x1a0: {  	v14 =	vld [tilespmem:s31+$0x52E0]  }
0x1a1: {  	v15 =	vld [tilespmem:s31+$0x92E0]  }
0x1a2: {  	v17 =	vld [tilespmem:s31+$0x52F0]  }
0x1a3: {  	v18 =	vld [tilespmem:s31+$0x92F0]  }
0x1a4: {  	v20 =	vld [tilespmem:s31+$0x5300]  }
0x1a5: {  	v21 =	vld [tilespmem:s31+$0x9300]  }
0x1a6: {  	v23 =	vld [tilespmem:s31+$0x5310]  }
0x1a7: {  	v37 =	vadd.f32 v6, v1;
	v24 =	vld [tilespmem:s31+$0x9310]  }
0x1a8: {  	v26 =	vld [tilespmem:s31+$0x5320];
	v3 =	vadd.f32 v35, v7  }
0x1a9: {  	v27 =	vld [tilespmem:s31+$0x9320];
	[tilespmem:s31+$0xD3F0] =	vst v37;
	v2 =	vadd.f32 v2, v5  }
0x1aa: {  	v29 =	vld [tilespmem:s31+$0x5330];
	[tilespmem:s31+$0xD200] =	vst v3;
	v1 =	vadd.f32 v38, v36  }
0x1ab: {  	v30 =	vld [tilespmem:s31+$0x9330];
	[tilespmem:s31+$0xD210] =	vst v2;
	v0 =	vadd.f32 v40, v39  }
0x1ac: {  	v32 =	vld [tilespmem:s31+$0x5340];
	v47 =	vadd.f32 v42, v41;
	[tilespmem:s31+$0xD220] =	vst v1  }
0x1ad: {  	v33 =	vld [tilespmem:s31+$0x9340];
	v50 =	vadd.f32 v44, v43;
	[tilespmem:s31+$0xD230] =	vst v0  }
0x1ae: {  	v35 =	vld [tilespmem:s31+$0x5350];
	v53 =	vadd.f32 v46, v45;
	[tilespmem:s31+$0xD240] =	vst v47  }
0x1af: {  	v56 =	vadd.f32 v49, v48;
	v36 =	vld [tilespmem:s31+$0x9350];
	[tilespmem:s31+$0xD250] =	vst v50  }
0x1b0: {  	v59 =	vadd.f32 v52, v51;
	v38 =	vld [tilespmem:s31+$0x5360];
	[tilespmem:s31+$0xD260] =	vst v53  }
0x1b1: {  	v62 =	vadd.f32 v55, v54;
	v39 =	vld [tilespmem:s31+$0x9360];
	[tilespmem:s31+$0xD270] =	vst v56  }
0x1b2: {  	v10 =	vadd.f32 v58, v57;
	v41 =	vld [tilespmem:s31+$0x5370];
	[tilespmem:s31+$0xD280] =	vst v59  }
0x1b3: {  	v13 =	vadd.f32 v61, v60;
	v42 =	vld [tilespmem:s31+$0x9370];
	[tilespmem:s31+$0xD290] =	vst v62  }
0x1b4: {  	v16 =	vadd.f32 v9, v63;
	v44 =	vld [tilespmem:s31+$0x5380];
	[tilespmem:s31+$0xD2A0] =	vst v10  }
0x1b5: {  	v19 =	vadd.f32 v12, v11;
	v45 =	vld [tilespmem:s31+$0x9380];
	[tilespmem:s31+$0xD2B0] =	vst v13  }
0x1b6: {  	v22 =	vadd.f32 v15, v14;
	v48 =	vld [tilespmem:s31+$0x9390];
	[tilespmem:s31+$0xD2C0] =	vst v16  }
0x1b7: {  	v25 =	vadd.f32 v18, v17;
	v51 =	vld [tilespmem:s31+$0x93A0];
	[tilespmem:s31+$0xD2D0] =	vst v19  }
0x1b8: {  	v28 =	vadd.f32 v21, v20;
	v54 =	vld [tilespmem:s31+$0x93B0];
	[tilespmem:s31+$0xD2E0] =	vst v22  }
0x1b9: {  	v31 =	vadd.f32 v24, v23;
	v57 =	vld [tilespmem:s31+$0x93C0];
	[tilespmem:s31+$0xD2F0] =	vst v25  }
0x1ba: {  	v34 =	vadd.f32 v27, v26;
	v60 =	vld [tilespmem:s31+$0x93D0];
	[tilespmem:s31+$0xD300] =	vst v28  }
0x1bb: {  	v37 =	vadd.f32 v30, v29;
	v61 =	vld [tilespmem:s31+$0x53E0];
	[tilespmem:s31+$0xD310] =	vst v31  }
0x1bc: {  	v40 =	vadd.f32 v33, v32;
	[tilespmem:s31+$0xD320] =	vst v34;
	v47 =	vld [tilespmem:s31+$0x5390]  }
0x1bd: {  	[tilespmem:s31+$0xD330] =	vst v37;
	v50 =	vld [tilespmem:s31+$0x53A0];
	v43 =	vadd.f32 v36, v35  }
0x1be: {  	[tilespmem:s31+$0xD340] =	vst v40;
	v53 =	vld [tilespmem:s31+$0x53B0];
	v46 =	vadd.f32 v39, v38  }
0x1bf: {  	v56 =	vld [tilespmem:s31+$0x53C0];
	v49 =	vadd.f32 v42, v41;
	[tilespmem:s31+$0xD350] =	vst v43  }
0x1c0: {  	v59 =	vld [tilespmem:s31+$0x53D0];
	v52 =	vadd.f32 v45, v44;
	[tilespmem:s31+$0xD360] =	vst v46  }
0x1c1: {  	v62 =	vld [tilespmem:s31+$0x93E0];
	[tilespmem:s31+$0xD370] =	vst v49;
	v55 =	vadd.f32 v48, v47  }
0x1c2: {  	[tilespmem:s31+$0xD380] =	vst v52;
	v58 =	vadd.f32 v51, v50  }
0x1c3: {  	v1 =	vadd.f32 v54, v53;
	[tilespmem:s31+$0xD390] =	vst v55  }
0x1c4: {  	v3 =	vadd.f32 v57, v56;
	[tilespmem:s31+$0xD3A0] =	vst v58  }
.Ltmp4:
0x1c5: {  	s30 =	sadd.s32 s28, s9;
	v63 =	vadd.f32 v60, v59;
	[tilespmem:s31+$0xD3B0] =	vst v1;
	(pc) =	sbr.rel @p1 .LBB2_8-.Ltmp4, $4  }
0x1c6: {  	s29 =	sshll.u32 s30, $0x3;
	v0 =	vadd.f32 v62, v61;
	[tilespmem:s31+$0xD3C0] =	vst v3  }
0x1c7: {  	s29 =	sand.u32 $0x1FFFFC00, s29;
	[tilespmem:s31+$0xD3D0] =	vst v63  }
0x1c8: {  	s29 =	sadd.s32 s5, s29;
	[tilespmem:s31+$0xD3E0] =	vst v0  }
0x1c9: {  	[hbm4b:s29+s3] =	stream.linear.scatter [tilespmem:s22], [sflag:$0x4], $0x2000, $0x38;
	[tilespmem:$0xF200] =	vst v63  }
.Ltmp5:
0x1ca: {  	(pc) =	sbr.rel .LBB2_2-.Ltmp5, $4  }
0x1cb: {  	s29 =	sadd.s32 $0x180, s28  }
0x1cc: {  	[tilespmem:s16], [sflag:$0x2] =	stream.indirect.gather [hbm4b:s4+s13], $0x40, s29, s13, $0xb8;
	[tilespmem:$0xF200] =	vst v63  }
0x1cd: {  	s31 =	sadd.s32 $0x1A80, s28;
	s26 =	sadd.s32 $0x1, s26  }
0x1ce: {  	[tilespmem:s18], [sflag:$0x2] =	stream.indirect.gather [hbm4b:s2+s13], $0x40, s31, s13, $0xb8;
	[tilespmem:$0xF200] =	vst v63  }
.LBB2_9:
0x1cf: {  	_ =	sfence.sel $0x180000  }
0x1d0: {  	[bflag:$0x0] =	sbarrier.arrive $0xFFFF  }
0x1d1: {  	p0 =	sne.s32 s0, $0x0;
	_ =	strace $0x90000047  }
0x1d2: {  	s0 =	sadd.s32 @!p0 $0x100000, s1;
	[bflag:$0x2] =	sbarrier.arrive $0xFFFF  }
0x1d3: {  	[sflag:s0] =	ssyncadd.tile.s32 @!p0 $0x1;
	_ =	shalt  }
.Lfunc_end2:
_tile_overlayer_lowered:
.L_overlay_start_2:
0x1d4: {  	(tag) =	ssettag $0x2  }
0x1d5: {  	s0 =	rddreg [dreg:$0x0];
	s2 =	stileid.u32  }
0x1d6: {  	s1 =	rddreg [dreg:$0x1];
	p0 =	sne.s32 s2, $0x0  }
0x1d7: {  	s3 =	rddreg [dreg:$0x2];
	[bflag:$0x3] =	sbarrier.arrive $0xFFFF;
	s2 =	simm.s32 @!p0 $0x1C05  }
0x1d8: {  	[timem:s3], [sflag:s2] =	dma.local @!p0 [hbm:s0], s1  }
0x1d9: {  	s0 =	simm.s32 @!p0 $0x5  }
0x1da: {  	_ =	swait.ge @!p0 [sflag:s0], s1  }
0x1db: {  	s1 =	ssub.s32 @!p0 $0x0, s1;
	[sflag:s0] =	ssyncset.done @!p0 $0x0  }
0x1dc: {  	[sflag:s0] =	ssyncadd.s32 @!p0 s1  }
0x1dd: {  	[bflag:$0x3] =	sbarrier.arrive $0xFFFF  }
0x1de: {  	_ =	shalt  }

// kernel: sparse-core-data-format-call.cloned.1.call-start
scs
called_computation_lowered:
.L_overlay_start_0:
0x0: {  	s2 =	sld [smem:$0x3FD9]  }
0x1: {  	s3 =	sld [smem:$0x3FFE];
	_ =	sdelay $0x1  }
0x2: {  	s1 =	srdreg.scid  }
0x3: {  	s0 =	sand.u32 $0x1, s1  }
0x4: {  	s18 =	sshll.u32 s0, $0xA;
	s2 =	sadd.s32 s3, s2  }
0x5: {  	s2 =	sadd.s32 s2, s18  }
0x6: {  	[smem:$0x3FBC] =	sst s2  }
0x7: {  	_ = 	snop  }
0x8: {  	s2 =	sld [smem:$0x3FD0];
	(tm) =	ssettm $0x1  }
0x9: {  	s19 =	sld [smem:$0x3FFB];
	_ =	sdelay $0x3  }
0xa: {  	_ =	strace s19  }
0xb: {  	s3 =	sld [smem:$0x3FFC];
	_ =	sdelay $0x3  }
0xc: {  	_ =	strace s3  }
0xd: {  	s3 =	sld [smem:$0x3FFD];
	_ =	sdelay $0x3  }
0xe: {  	_ =	strace s3  }
0xf: {  	_ =	strace $0x8FFFFFFF  }
0x10: {  	s20 =	sld [smem:$0x3FDB];
	_ =	sdelay $0x1  }
0x11: {  	s4 =	simm.s32 $_scs_section_size  }
0x12: {  	s5 =	simm.s32 $_size__tile_overlayer_lowered;
	s6 =	simm.s32 $_tile_overlayer_lowered  }
0x13: {  	s23 =	simm.s32 $0x1BFF;
	s22 =	sshll.u32 s6, $0x1;
	s3 =	sadd.s32 s4, s20  }
0x14: {  	s7 =	simm.s32 $0x0;
	s21 =	sshll.u32 s5, $0x1;
	s5 =	sadd.s32 s22, s3  }
0x15: {  	[timem:s7], [sflag:s23] =	dma.local [hbm:s5], s21  }
0x16: {  	_ =	swait.ge [sflag:s23], s21  }
0x17: {  	s4 =	ssub.s32 $0x0, s21;
	[sflag:s23] =	ssyncset.done $0x0  }
0x18: {  	[sflag:s23] =	ssyncadd.s32 s4;
	_ =	sdelay $0x1  }
0x19: {  	s24 =	simm.s32 $0x1B8B  }
0x1a: {  	_ =	swait.ge [sflag:s24], $0x1  }
0x1b: {  	[sflag:s24] =	ssyncset.done $0x0  }
0x1c: {  	s26 =	simm.s32 $0x1B8E;
	s25 =	sld [smem:$0x3FFE];
	[sflag:s24] =	ssyncadd.s32 $0xFFFFFFFF  }
0x1d: {  	s27 =	simm.s32 $execute0_lowered;
	[smem:$0x3FD2] =	sst s26  }
0x1e: {  	s5 =	sshll.u32 s27, $0x1;
	_ =	strace $0x80000049;
	[dreg:$0x1] =	wrdreg $0xFFFFFFFF  }
0x1f: {  	s28 =	simm.s32 $_size_execute0_lowered;
	s3 =	sadd.s32 s3, s5;
	[dreg:$0x0] =	wrdreg $0x0  }
0x20: {  	s5 =	sshll.u32 s28, $0x1;
	[dreg:$0x2] =	wrdreg s3  }
0x21: {  	[dreg:$0x3] =	wrdreg s5  }
0x22: {  	[dreg:$0x4] =	wrdreg $0xC0  }
0x23: {  	_ =	task [dreg:s7], $0x5FFFF  }
0x24: {  	[dreg:$0x1] =	wrdreg $0xFFFFFFFF  }
0x25: {  	[dreg:$0x0] =	wrdreg $0x60  }
0x26: {  	[dreg:$0x2] =	wrdreg s25  }
0x27: {  	[dreg:$0x3] =	wrdreg s2  }
0x28: {  	[dreg:$0x4] =	wrdreg $0x9  }
0x29: {  	_ =	task.clear_ibuf [dreg:s7], $0x5FFFF;
	_ =	strace $0x90000049  }
0x2a: {  	s29 =	simm.s32 $0x9;
	_ =	strace $0x8000004B  }
0x2b: {  	_ =	swait.ge [sflag:s29], $0x1  }
0x2c: {  	[sflag:s29] =	ssyncadd.s32 $0xFFFFFFFF  }
0x2d: {  	_ =	strace $0x9000004B  }
0x2e: {  	_ =	sfence  }
0x2f: {  	s30 =	sld [smem:$0x0];
	_ =	sdelay $0x2  }
0x30: {  	s31 =	sshll.u32 s1, $0xD;
	s1 =	sshrl.u32 s1, $0x2  }
0x31: {  	s3 =	sand.u32 $0x4000, s31;
	s1 =	sadd.s32 s1, s30  }
0x32: {  	s0 =	sor.u32 s3, s0;
	s1 =	sshll.u32 s1, $0x11  }
0x33: {  	s0 =	sor.u32 s1, s0  }
0x34: {  	s0 =	sadd.s32 $0x8F2B, s0  }
0x35: {  	[sflag:s0] =	ssyncadd.remote.s32 $0x1  }
0x36: {  	_ =	sfence.sel $0xFFFF  }
0x37: {  	[dreg:$0x0] =	wrdreg $0xFFFFFFFF;
	(pc) =	sbr.abs _section_cstart, $3  }
0x38: {  	[dreg:$0x1] =	wrdreg $0xFFFFFFFF  }
0x39: {  	_ =	task.clear_ibuf [dreg:s7], $0x2FFFF;
	_ =	strace $0x9FFFFFFF  }
0x3a: {  	(tm) =	ssettm $0x7FFFFFFF  }
0x3b: {  	_ =	shalt  }
tec
execute0_lowered:
.L_overlay_start_1:
0x0: {  	(tag) =	ssettag $0x1  }
0x1: {  	s0 =	stileid.u32;
	s6 =	rddreg [dreg:$0x0]  }
0x2: {  	s2 =	rddreg [dreg:$0x1];
	s5 =	srdreg.scid  }
0x3: {  	s31 =	simm.s32 $0x2;
	s13 =	simm.s32 $0x0;
	s1 =	sshll.u32 s0, $0x7  }
0x4: {  	s14 =	simm.s32 $0x0;
	s12 =	simm.s32 $0x0;
	s3 =	sand.u32 $0x380, s1  }
0x5: {  	s5 =	sshll.u32 s5, $0x4;
	s6 =	sadd.s32 $0x1A00, s6;
	s4 =	ssub.s32 $0x400, s3  }
0x6: {  	s1 =	rddreg [dreg:$0x2];
	_ =	strace $0x8000004A;
	s7 =	sand.u32 $0x380, s4  }
0x7: {  	s5 =	sand.u32 $0x10, s5;
	p0 =	sne.s32 s7, $0x0;
	s7 =	simm.s32 $0x1  }
.Ltmp0:
0x8: {  	s8 =	sshrl.u32 s4, $0xA;
	s7 =	simm.s32 @!p0 $0x0;
	(pc) =	sbr.rel .LBB1_1-.Ltmp0, $4  }
0x9: {  	s9 =	sor.u32 s0, s5;
	s4 =	simm.s32 $0x1;
	s30 =	sadd.s32 s7, s8  }
0xa: {  	s11 =	smov.u32 s3;
	[sflag:s4] =	ssyncpa.u1 $0x0;
	s5 =	smul.u32 $0x32, s30  }
0xb: {  	[sflag:s31] =	ssyncpa.u1 $0x0;
	p0 =	por $0x0, $0x0;
	s7 =	sshrl.u32 s9, $0x3  }
0xc: {  	s9 =	simm.s32 $0x2000;
	s10 =	smov.u32 s7;
	s8 =	sor.u32 $0x1, s5  }
.LBB1_4:
0xd: {  	s17 =	sand.u32 $0x1F80, s14;
	s13 =	sshll.u32 s13, $0xD  }
0xe: {  	[tilespmem:s16+$0x810 ss:$0x81] =	vst.msk $0xffff, v2;
	s18 =	sshrl.u32 s14, $0x3;
	s31 =	sand.u32 $0x7, s14;
	s17 =	sadd.s32 s2, s17  }
0xf: {  	[tilespmem:s16+$0x1020 ss:$0x81] =	vst.msk $0xffff, v0;
	s18 =	sand.u32 $0xF, s18;
	s14 =	sshll.u32 s31, $0x12;
	s13 =	sadd.s32 s13, s17  }
0x10: {  	[tilespmem:s16+$0x0 ss:$0x81] =	vst.msk $0xffff, v1;
	s14 =	sor.u32 $0x400, s14;
	s13 =	sadd.s32 s18, s13  }
0x11: {  	[hbm4b:s13+s14] =	stream.strided.scatter [tilespmem:s15], [sflag:$0x2], $0x2000, s9, s14, $0x20;
	[tilespmem:$0x8080] =	vst v63  }
.LBB1_5:
0x12: {  	s15 =	sadd.s32 $0x4, s10  }
0x13: {  	s13 =	sadd.s32 $0x400, s11;
	s17 =	smov.u32 s11;
	p2 =	sgt.s32 s15, $0xC7  }
0x14: {  	s17 =	smov.u32 @p2 s13  }
0x15: {  	s15 =	smov.u32 @p2 s7;
	p2 =	sgt.s32 s17, $0x3FF  }
0x16: {  	s17 =	smov.u32 @p2 s3;
	p2 =	sne.s32 s12, s8  }
.Ltmp1:
0x17: {  	p1 =	slt.u32 s12, $0x2;
	(pc) =	sbr.rel @!p2 .LBB1_6-.Ltmp1, $4  }
0x18: {  	s16 =	simm.s32 @!p1 $0x2  }
0x19: {  	s14 =	smov.u32 s11;
	p0 =	por !p0, !p0;
	_ =	swait.ge @!p1 [sflag:s16], $0x2000  }
0x1a: {  	s13 =	smov.u32 s10;
	[sflag:s16] =	ssyncset.done @!p1 $0x0;
	s10 =	smov.u32 s15  }
0x1b: {  	s12 =	sadd.s32 $0x1, s12;
	[sflag:s16] =	ssyncadd.s32 @!p1 $0xFFFFE000;
	s11 =	smov.u32 s17  }
.LBB1_1:
0x1c: {  	p1 =	sge.u32 s12, s5  }
0x1d: {  	s15 =	sand.u32 @!p1 $0x1FFFFFF, s10  }
0x1e: {  	s16 =	smulhi.u32 @!p1 $0x147AE15, s15;
	_ =	sdelay $0x1  }
0x1f: {  	s16 =	smul.u32 @!p1 $0xC8, s16  }
0x20: {  	s17 =	sxor.u32 @!p1 $0xFFFFFFFF, s12;
	s18 =	smul.u32 @!p1 $0xC80, s11  }
0x21: {  	s31 =	sadd.s32 $0xFFFFFFFF, s12;
	s17 =	sshll.u32 @!p1 s17, $0xD;
	s15 =	ssub.s32 @!p1 s15, s16  }
0x22: {  	s16 =	sand.u32 @!p1 $0x2000, s17;
	s17 =	sadd.s32 @!p1 s6, s18;
	s15 =	sshll.u32 @!p1 s15, $0x4  }
0x23: {  	s18 =	simm.s32 @!p1 $0x6400;
	s15 =	sadd.s32 @!p1 s15, s17;
	s17 =	simm.s32 @!p1 $0x40  }
0x24: {  	[tilespmem:s16], [sflag:$0x1] =	stream.strided.gather @!p1 [hbm4b:s15+s17], $0x2000, s18, s17, $0x38;
	[tilespmem:$0x8080] =	vst v63  }
0x25: {  	p1 =	sge.u32 s31, s5  }
.Ltmp2:
0x26: {  	_ = 	snop;
	(pc) =	sbr.rel @p1 .LBB1_5-.Ltmp2, $1  }
0x27: {  	_ =	sdelay $0x3  }
0x28: {  	s15 =	simm.s32 $0x1  }
0x29: {  	_ =	swait.ge [sflag:s4], $0x2000;
	s15 =	simm.s32 @!p0 $0x0  }
0x2a: {  	[sflag:s4] =	ssyncset.done $0x0;
	s16 =	sshll.u32 s15, $0xD  }
0x2b: {  	[sflag:s4] =	ssyncadd.s32 $0xFFFFE000;
	s19 =	sor.u32 $0x20, s16  }
0x2c: {  	s15 =	smul.u32 $0x8100, s15;
	v3 =	vld [tilespmem:s19+$0x10]  }
0x2d: {  	s30 =	sand.u32 $0x1, s12;
	v2 =	vld [tilespmem:s19+$0xFFFFFFF0]  }
0x2e: {  	s16 =	smul.u32 $0x8100, s30;
	s15 =	sshrl.u32 s15, $0x2;
	v0 =	vld [tilespmem:s19+$0x0]  }
0x2f: {  	v1 =	vld [tilespmem:s19+$0xFFFFFFE0];
	s17 =	sor.u32 $0x4000, s15  }
0x30: {  	s31 =	sshrl.u32 s16, $0x2;
	s16 =	sadd.s32 $0x0, s17  }
0x31: {  	s18 =	simm.s32 $0x4;
	s19 =	sadd.s32 $0x40, s19;
	s15 =	sor.u32 $0x4000, s31;
	[tilespmem:s16+$0x1830 ss:$0x81] =	vst.msk $0xffff, v3  }
.LBB1_3:
0x32: {  	v3 =	vld [tilespmem:s19+$0x10];
	p1 =	sne.s32 s18, $0x1FC;
	[tilespmem:s16+$0x810 ss:$0x81] =	vst.msk $0xffff, v2;
	s20 =	smov.u32 s18;
	s18 =	sadd.s32 $0x4, s18  }
.Ltmp3:
0x33: {  	v2 =	vld [tilespmem:s19+$0xFFFFFFF0];
	[tilespmem:s16+$0x1020 ss:$0x81] =	vst.msk $0xffff, v0;
	(pc) =	sbr.rel @p1 .LBB1_3-.Ltmp3, $4  }
0x34: {  	v0 =	vld [tilespmem:s19+$0x0];
	[tilespmem:s16+$0x0 ss:$0x81] =	vst.msk $0xffff, v1  }
0x35: {  	s16 =	sshra.s32 s20, $0x2;
	v1 =	vld [tilespmem:s19+$0xFFFFFFE0]  }
0x36: {  	s16 =	sadd.s32 s16, s17  }
0x37: {  	s19 =	sadd.s32 $0x40, s19;
	[tilespmem:s16+$0x1830 ss:$0x81] =	vst.msk $0xffff, v3  }
.Ltmp4:
0x38: {  	_ = 	snop;
	(pc) =	sbr.rel .LBB1_4-.Ltmp4, $1  }
0x39: {  	_ =	sdelay $0x3  }
.LBB1_6:
0x3a: {  	_ =	sfence.sel $0x180000  }
0x3b: {  	s2 =	simm.s32 $0x1;
	[bflag:$0x0] =	sbarrier.arrive $0xFFFF  }
0x3c: {  	s31 =	simm.s32 $0x2;
	[sflag:s2] =	ssyncpa.u1 $0x1  }
0x3d: {  	[sflag:s31] =	ssyncpa.u1 $0x1  }
0x3e: {  	p0 =	sne.s32 s0, $0x0;
	_ =	strace $0x9000004A  }
0x3f: {  	s0 =	sadd.s32 @!p0 $0x100000, s1;
	[bflag:$0x2] =	sbarrier.arrive $0xFFFF  }
0x40: {  	[sflag:s0] =	ssyncadd.tile.s32 @!p0 $0x1;
	_ =	shalt  }
.Lfunc_end1:
_tile_overlayer_lowered:
.L_overlay_start_2:
0x41: {  	(tag) =	ssettag $0x2  }
0x42: {  	s0 =	rddreg [dreg:$0x0];
	s2 =	stileid.u32  }
0x43: {  	s1 =	rddreg [dreg:$0x1];
	p0 =	sne.s32 s2, $0x0  }
0x44: {  	s3 =	rddreg [dreg:$0x2];
	[bflag:$0x3] =	sbarrier.arrive $0xFFFF;
	s2 =	simm.s32 @!p0 $0x1C01  }
0x45: {  	[timem:s3], [sflag:s2] =	dma.local @!p0 [hbm:s0], s1  }
0x46: {  	s0 =	simm.s32 @!p0 $0x1  }
0x47: {  	_ =	swait.ge @!p0 [sflag:s0], s1  }
0x48: {  	s1 =	ssub.s32 @!p0 $0x0, s1;
	[sflag:s0] =	ssyncset.done @!p0 $0x0  }
0x49: {  	[sflag:s0] =	ssyncadd.s32 @!p0 s1  }
0x4a: {  	[bflag:$0x3] =	sbarrier.arrive $0xFFFF  }
0x4b: {  	_ =	shalt  }

</sc_bundles>
